<compile_context>
chip_gen: v7x
topology: tpu7x:2x2x1
jax: 0.10.2.dev20260603
libtpu: 0.0.44.dev20260713+nightly
codegen_flags: <defaults>
</compile_context>

<pallas_src>
import jax
import jax.numpy as jnp
from jax import lax
from jax.experimental import pallas as pl
from jax.experimental.pallas import tpu as pltpu, tpu_sc as plsc

N_NODES = 10000
N_EDGES = 320000
D = 128

NC = 2
NS = 16
NW = NC * NS
NCH = 80
TCH = NW * NCH
E_PAD = TCH * 128
DUMMY = N_NODES
ACC = 10240
RPT = ACC // NS

_MESH = plsc.VectorSubcoreMesh(core_axis_name="c", subcore_axis_name="s")


def _make_agg(c0, c1, qb, deg_on_c1):
    nb0 = c0 // qb
    nb1 = 0 if deg_on_c1 else c1 // qb

    def body(y_hbm, src_hbm, dst_hbm, p_out, src_v, dst_v, r0, r1, acc_s,
             s0, s1):
        cid = lax.axis_index("c")
        sid = lax.axis_index("s")
        base = sid * RPT

        zero16 = jnp.zeros((16,), jnp.float32)

        def zrow(i, _):
            def zcol(j, _):
                r0[i, pl.ds(j * 16, 16)] = zero16
                return 0
            return lax.fori_loop(0, D // 16, zcol, 0)
        lax.fori_loop(0, 128, zrow, 0)

        def zcp(k, _):
            pltpu.sync_copy(r0, acc_s.at[pl.ds(base + k * 128, 128)])
            return 0
        lax.fori_loop(0, RPT // 128, zcp, 0)

        plsc.subcore_barrier()

        def gather(sv, j, r, s):
            pltpu.async_copy(y_hbm.at[sv.at[j]], r, s)

        def gwait(r, s):
            pltpu.make_async_copy(y_hbm.at[pl.ds(0, 128)], r, s).wait()

        start = jnp.where(cid == 0, sid * c0, NS * c0 + sid * c1)
        nb = jnp.where(cid == 0, nb0, nb1)

        def block(b, _):
            cs = start + b * qb
            pltpu.sync_copy(src_hbm.at[pl.ds(cs, qb)], src_v)
            pltpu.sync_copy(dst_hbm.at[pl.ds(cs, qb)], dst_v)

            gather(src_v, 0, r0, s0)
            gather(src_v, 1, r1, s1)

            def pair(k, _):
                gwait(r0, s0)
                pltpu.sync_copy(r0, acc_s.at[dst_v.at[2 * k]], add=True)
                gather(src_v, 2 * k + 2, r0, s0)
                gwait(r1, s1)
                pltpu.sync_copy(r1, acc_s.at[dst_v.at[2 * k + 1]], add=True)
                gather(src_v, 2 * k + 3, r1, s1)
                return 0
            lax.fori_loop(0, qb // 2 - 1, pair, 0)

            gwait(r0, s0)
            pltpu.sync_copy(r0, acc_s.at[dst_v.at[qb - 2]], add=True)
            gwait(r1, s1)
            pltpu.sync_copy(r1, acc_s.at[dst_v.at[qb - 1]], add=True)
            return 0

        lax.fori_loop(0, nb, block, 0)

        if deg_on_c1:
            @pl.when(cid == 1)
            def _():
                one16 = jnp.ones((16,), jnp.float32)

                def orow(i, _):
                    def ocol(j, _):
                        r1[i, pl.ds(j * 16, 16)] = one16
                        return 0
                    return lax.fori_loop(0, D // 16, ocol, 0)
                lax.fori_loop(0, 128, orow, 0)

                dpw = TCH // NS

                def dblock(b, _):
                    pltpu.sync_copy(
                        dst_hbm.at[pl.ds(sid * dpw + b * qb, qb)], dst_v)

                    def step(j, _):
                        pltpu.sync_copy(r1, acc_s.at[dst_v.at[j]], add=True)
                        return 0
                    lax.fori_loop(0, qb, step, 0)
                    return 0
                lax.fori_loop(0, dpw // qb, dblock, 0)

        plsc.subcore_barrier()

        off = cid * ACC + base
        pltpu.sync_copy(acc_s.at[pl.ds(base, RPT)], p_out.at[pl.ds(off, RPT)])

    return pl.kernel(
        body,
        out_type=jax.ShapeDtypeStruct((NC * ACC, D), jnp.float32),
        mesh=_MESH,
        scratch_types=[
            pltpu.VMEM((qb, 128), jnp.int32),
            pltpu.VMEM((qb, 128), jnp.int32),
            pltpu.VMEM((128, D), jnp.float32),
            pltpu.VMEM((128, D), jnp.float32),
            pltpu.VMEM_SHARED((ACC, D), jnp.float32),
            pltpu.SemaphoreType.DMA,
            pltpu.SemaphoreType.DMA,
        ],
    )


_sc_agg = _make_agg(152, 8, 8, False)


def _deg_body(dst_hbm, d_out, dst_v, ones_v, zbuf, dacc_s):
    cid = lax.axis_index("c")
    sid = lax.axis_index("s")
    wid = cid * NS + sid
    base = sid * RPT

    zero16 = jnp.zeros((16,), jnp.float32)
    one16 = jnp.ones((16,), jnp.float32)

    def zrow(i, _):
        def zcol(j, _):
            zbuf[i, pl.ds(j * 16, 16)] = zero16
            return 0
        return lax.fori_loop(0, D // 16, zcol, 0)
    lax.fori_loop(0, 16, zrow, 0)

    def orow(i, _):
        def ocol(j, _):
            ones_v[i, pl.ds(j * 16, 16)] = one16
            return 0
        return lax.fori_loop(0, D // 16, ocol, 0)
    lax.fori_loop(0, 128, orow, 0)

    def zcd(k, _):
        pltpu.sync_copy(zbuf, dacc_s.at[pl.ds(base + k * 16, 16)])
        return 0
    lax.fori_loop(0, RPT // 16, zcd, 0)

    plsc.subcore_barrier()

    def quarter(q):
        pltpu.sync_copy(dst_hbm.at[pl.ds(wid * NCH + q * 16, 16)], dst_v)

        def step(j, _):
            pltpu.sync_copy(ones_v, dacc_s.at[dst_v.at[j]], add=True)
            return 0
        lax.fori_loop(0, 16, step, 0)

    for q in range(5):
        quarter(q)

    plsc.subcore_barrier()

    off = cid * ACC + base
    pltpu.sync_copy(dacc_s.at[pl.ds(base, RPT)], d_out.at[pl.ds(off, RPT)])


_sc_deg = pl.kernel(
    _deg_body,
    out_type=jax.ShapeDtypeStruct((NC * ACC, D), jnp.float32),
    mesh=_MESH,
    scratch_types=[
        pltpu.VMEM((16, 128), jnp.int32),
        pltpu.VMEM((128, D), jnp.float32),
        pltpu.VMEM((16, D), jnp.float32),
        pltpu.VMEM_SHARED((ACC, D), jnp.float32),
    ],
)


BS = 2000


def _mm_body(x_ref, w_ref, o_ref):
    o_ref[...] = jnp.dot(x_ref[...], w_ref[...], preferred_element_type=jnp.float32)


_mm = pl.pallas_call(
    _mm_body,
    grid=(N_NODES // BS,),
    in_specs=[
        pl.BlockSpec((BS, D), lambda i: (i, 0)),
        pl.BlockSpec((D, D), lambda i: (0, 0)),
    ],
    out_specs=pl.BlockSpec((BS, D), lambda i: (i, 0)),
    out_shape=jax.ShapeDtypeStruct((N_NODES, D), jnp.float32),
)


def _fuse1_body(x_ref, ws_ref, b_ref, p_ref, d_ref, wn2_ref, h_ref, y2_ref):
    psum = p_ref[0] + p_ref[1]
    rdeg = 1.0 / jnp.maximum(d_ref[0] + d_ref[1], 1.0)
    h = (jnp.dot(x_ref[...], ws_ref[...], preferred_element_type=jnp.float32)
         + psum * rdeg + b_ref[...])
    h = jnp.maximum(h, 0.0)
    h_ref[...] = h
    y2_ref[...] = jnp.dot(h, wn2_ref[...], preferred_element_type=jnp.float32)


_fuse1 = pl.pallas_call(
    _fuse1_body,
    grid=(N_NODES // BS,),
    in_specs=[
        pl.BlockSpec((BS, D), lambda i: (i, 0)),
        pl.BlockSpec((D, D), lambda i: (0, 0)),
        pl.BlockSpec((1, D), lambda i: (0, 0)),
        pl.BlockSpec((NC, BS, D), lambda i: (0, i, 0)),
        pl.BlockSpec((NC, BS, 1), lambda i: (0, i, 0)),
        pl.BlockSpec((D, D), lambda i: (0, 0)),
    ],
    out_specs=[
        pl.BlockSpec((BS, D), lambda i: (i, 0)),
        pl.BlockSpec((BS, D), lambda i: (i, 0)),
    ],
    out_shape=[
        jax.ShapeDtypeStruct((N_NODES, D), jnp.float32),
        jax.ShapeDtypeStruct((N_NODES, D), jnp.float32),
    ],
)


def _fuse2_body(h_ref, ws_ref, b_ref, p_ref, d_ref, o_ref):
    psum = p_ref[0] + p_ref[1]
    rdeg = 1.0 / jnp.maximum(d_ref[0] + d_ref[1], 1.0)
    o_ref[...] = (jnp.dot(h_ref[...], ws_ref[...], preferred_element_type=jnp.float32)
                  + psum * rdeg + b_ref[...])


_fuse2 = pl.pallas_call(
    _fuse2_body,
    grid=(N_NODES // BS,),
    in_specs=[
        pl.BlockSpec((BS, D), lambda i: (i, 0)),
        pl.BlockSpec((D, D), lambda i: (0, 0)),
        pl.BlockSpec((1, D), lambda i: (0, 0)),
        pl.BlockSpec((NC, BS, D), lambda i: (0, i, 0)),
        pl.BlockSpec((NC, BS, 1), lambda i: (0, i, 0)),
    ],
    out_specs=pl.BlockSpec((BS, D), lambda i: (i, 0)),
    out_shape=jax.ShapeDtypeStruct((N_NODES, D), jnp.float32),
)


def kernel(in_feat, edge_index, W_self1, W_neigh1, b1, W_self2, W_neigh2, b2):
    src = edge_index[0].astype(jnp.int32)
    dst = edge_index[1].astype(jnp.int32)
    pad = E_PAD - N_EDGES
    src_p = jnp.concatenate([src, jnp.zeros((pad,), jnp.int32)]).reshape(TCH, 128)
    dst_p = jnp.concatenate([dst, jnp.full((pad,), DUMMY, jnp.int32)]).reshape(TCH, 128)

    b1r = b1.reshape(1, D)
    b2r = b2.reshape(1, D)

    dgr = _sc_deg(dst_p).reshape(NC, ACC, D)[:, :, 0:1]
    y1 = _mm(in_feat, W_neigh1)
    p1 = _sc_agg(y1, src_p, dst_p).reshape(NC, ACC, D)
    h1, y2 = _fuse1(in_feat, W_self1, b1r, p1, dgr, W_neigh2)
    p2 = _sc_agg(y2, src_p, dst_p).reshape(NC, ACC, D)
    out = _fuse2(h1, W_self2, b2r, p2, dgr)
    return out

# --- scband reference (transcript-rebuilt; emitter-appended) ---
"""Pipeline reference for scband-graph-sage-51084341019062 (READ-ONLY COPY).

The authoritative reference and input builder live on the scoring server;
editing this copy changes nothing except your own understanding.
"""

import jax, jax.numpy as jnp
import numpy as np

N_NODES = 10000
N_EDGES = 320000
D_IN = 128
D_H = 128


def setup_inputs(seed: int = 0) -> dict:
    key = jax.random.key(seed)
    k1, k2, k3, k4, k5, k6, k7, k8 = jax.random.split(key, 8)
    in_feat = jax.random.normal(k1, (N_NODES, D_IN), dtype=jnp.float32)
    edge_index = jax.random.randint(k2, (2, N_EDGES), 0, N_NODES, dtype=jnp.int64)
    # SAGEConv 'mean' params: out = x @ W_self + mean_neigh(x) @ W_neigh + b
    W_self1 = jax.random.normal(k3, (D_IN, D_H), dtype=jnp.float32) * 0.05
    W_neigh1 = jax.random.normal(k4, (D_IN, D_H), dtype=jnp.float32) * 0.05
    b1 = jnp.zeros((D_H,), dtype=jnp.float32)
    W_self2 = jax.random.normal(k5, (D_H, D_H), dtype=jnp.float32) * 0.05
    W_neigh2 = jax.random.normal(k6, (D_H, D_H), dtype=jnp.float32) * 0.05
    b2 = jnp.zeros((D_H,), dtype=jnp.float32)
    return {
        "in_feat": in_feat,
        "edge_index": edge_index,
        "W_self1": W_self1,
        "W_neigh1": W_neigh1,
        "b1": b1,
        "W_self2": W_self2,
        "W_neigh2": W_neigh2,
        "b2": b2,
    }


def _sage_conv_mean(x, edge_index, W_self, W_neigh, b):
    src = edge_index[0]
    dst = edge_index[1]
    msgs = jnp.take(x, src, axis=0)
    agg = jax.ops.segment_sum(msgs, dst, num_segments=N_NODES)
    deg = jax.ops.segment_sum(jnp.ones((msgs.shape[0],), dtype=x.dtype), dst, num_segments=N_NODES)
    h_neigh = agg / jnp.maximum(deg, 1.0)[:, None]
    return x @ W_self + h_neigh @ W_neigh + b


def reference(in_feat, edge_index, W_self1, W_neigh1, b1, W_self2, W_neigh2, b2):
    h = _sage_conv_mean(in_feat, edge_index, W_self1, W_neigh1, b1)
    # dropout is identity in eval mode
    h = jax.nn.relu(h)
    h = _sage_conv_mean(h, edge_index, W_self2, W_neigh2, b2)
    return h

if __name__ == "__main__":
    import jax
    _d = setup_inputs()
    print(jax.jit(kernel)(*tuple(_d.values())))

</pallas_src>

<mosaic_0001>
#map = affine_map<(d0, d1) -> (0, 0)>
module attributes {stable_mosaic.version = 14 : i64} {
  func.func @_deg_body(%arg0: i32, %arg1: i32, %arg2: memref<2560x128xi32, #tpu.memory_space<hbm>>, %arg3: memref<20480x128xf32, #tpu.memory_space<hbm>>, %arg4: memref<16x128xi32, #tpu.memory_space<vmem>>, %arg5: memref<128x128xf32, #tpu.memory_space<vmem>>, %arg6: memref<16x128xf32, #tpu.memory_space<vmem>>, %arg7: memref<10240x128xf32, #tpu.memory_space<vmem_shared>>) attributes {dimension_semantics = [#tpu.dimension_semantics<core_parallel>, #tpu.dimension_semantics<subcore_parallel>], iteration_bounds = array<i64: 2, 16>, scalar_prefetch = 0 : i64, scratch_operands = 4 : i64, tpu.core_type = #tpu.core_type<sc_vector_subcore>, window_params = [{transform_indices = #map}, {transform_indices = #map}]} {
    %mul3A = arith.constant 16 : i32
    %mul3A_0 = arith.muli %arg0, %mul3A : i32
    %add3A = arith.addi %mul3A_0, %arg1 : i32
    %mul3A_1 = arith.constant 640 : i32
    %mul3A_2 = arith.muli %arg1, %mul3A_1 : i32
    %broadcast_in_dim3A = arith.constant 0.000000e+00 : f32
    %broadcast_in_dim3A_3 = vector.broadcast %broadcast_in_dim3A : f32 to vector<16xf32>
    %broadcast_in_dim3A_4 = arith.constant 1.000000e+00 : f32
    %broadcast_in_dim3A_5 = vector.broadcast %broadcast_in_dim3A_4 : f32 to vector<16xf32>
    %scan3A = arith.constant 0 : i32
    %scan3A_6 = arith.constant 0 : i32
    %scan3A_7 = arith.constant 16 : i32
    %scan3A_8 = arith.addi %scan3A_6, %scan3A_7 : i32
    %scan3A_9 = arith.constant 1 : i32
    %scan3A_10 = scf.for %scan3A_85 = %scan3A_6 to %scan3A_8 step %scan3A_9 iter_args(%scan3A_86 = %scan3A) -> (i32)  : i32 {
      %scan3A_87 = arith.constant 0 : i32
      %scan3A_88 = arith.constant 0 : i32
      %scan3A_89 = arith.constant 8 : i32
      %scan3A_90 = arith.addi %scan3A_88, %scan3A_89 : i32
      %scan3A_91 = arith.constant 1 : i32
      %scan3A_92 = scf.for %scan3A_94 = %scan3A_88 to %scan3A_90 step %scan3A_91 iter_args(%scan3A_95 = %scan3A_87) -> (i32)  : i32 {
        %mul3A_96 = arith.constant 16 : i32
        %mul3A_97 = arith.muli %scan3A_94, %mul3A_96 : i32
        %swap3A = arith.index_cast %scan3A_85 : i32 to index
        %swap3A_98 = arith.index_cast %mul3A_97 : i32 to index
        %swap3A_99 = tpu.vector_load %arg6[%swap3A, %swap3A_98] {strides = array<i32>} : memref<16x128xf32, #tpu.memory_space<vmem>>, vector<1x16xf32>,
        %swap3A_100 = vector.shape_cast %swap3A_99 : vector<1x16xf32> to vector<16xf32>
        %swap3A_101 = vector.shape_cast %broadcast_in_dim3A_3 : vector<16xf32> to vector<1x16xf32>
        tpu.vector_store %arg6[%swap3A, %swap3A_98], %swap3A_101 {strides = array<i32>} : memref<16x128xf32, #tpu.memory_space<vmem>>, vector<1x16xf32>,
        %scan3A_102 = arith.constant 0 : i32
        scf.yield %scan3A_102 : i32
      }
      %scan3A_93 = arith.constant 8 : i32
      scf.yield %scan3A_92 : i32
    }
    %scan3A_11 = arith.constant 16 : i32
    %scan3A_12 = arith.constant 0 : i32
    %scan3A_13 = arith.constant 0 : i32
    %scan3A_14 = arith.constant 128 : i32
    %scan3A_15 = arith.addi %scan3A_13, %scan3A_14 : i32
    %scan3A_16 = arith.constant 1 : i32
    %scan3A_17 = scf.for %scan3A_85 = %scan3A_13 to %scan3A_15 step %scan3A_16 iter_args(%scan3A_86 = %scan3A_12) -> (i32)  : i32 {
      %scan3A_87 = arith.constant 0 : i32
      %scan3A_88 = arith.constant 0 : i32
      %scan3A_89 = arith.constant 8 : i32
      %scan3A_90 = arith.addi %scan3A_88, %scan3A_89 : i32
      %scan3A_91 = arith.constant 1 : i32
      %scan3A_92 = scf.for %scan3A_94 = %scan3A_88 to %scan3A_90 step %scan3A_91 iter_args(%scan3A_95 = %scan3A_87) -> (i32)  : i32 {
        %mul3A_96 = arith.constant 16 : i32
        %mul3A_97 = arith.muli %scan3A_94, %mul3A_96 : i32
        %swap3A = arith.index_cast %scan3A_85 : i32 to index
        %swap3A_98 = arith.index_cast %mul3A_97 : i32 to index
        %swap3A_99 = tpu.vector_load %arg5[%swap3A, %swap3A_98] {strides = array<i32>} : memref<128x128xf32, #tpu.memory_space<vmem>>, vector<1x16xf32>,
        %swap3A_100 = vector.shape_cast %swap3A_99 : vector<1x16xf32> to vector<16xf32>
        %swap3A_101 = vector.shape_cast %broadcast_in_dim3A_5 : vector<16xf32> to vector<1x16xf32>
        tpu.vector_store %arg5[%swap3A, %swap3A_98], %swap3A_101 {strides = array<i32>} : memref<128x128xf32, #tpu.memory_space<vmem>>, vector<1x16xf32>,
        %scan3A_102 = arith.constant 0 : i32
        scf.yield %scan3A_102 : i32
      }
      %scan3A_93 = arith.constant 8 : i32
      scf.yield %scan3A_92 : i32
    }
    %scan3A_18 = arith.constant 128 : i32
    %scan3A_19 = arith.constant 0 : i32
    %scan3A_20 = arith.constant 0 : i32
    %scan3A_21 = arith.constant 40 : i32
    %scan3A_22 = arith.addi %scan3A_20, %scan3A_21 : i32
    %scan3A_23 = arith.constant 1 : i32
    %scan3A_24 = scf.for %scan3A_85 = %scan3A_20 to %scan3A_22 step %scan3A_23 iter_args(%scan3A_86 = %scan3A_19) -> (i32)  : i32 {
      %mul3A_87 = arith.constant 16 : i32
      %mul3A_88 = arith.muli %scan3A_85, %mul3A_87 : i32
      %add3A_89 = arith.addi %mul3A_2, %mul3A_88 : i32
      "tpu.region"() ({
        %run_scoped3A = tpu.sem_alloc : memref<!tpu.dma_semaphore, #tpu.memory_space<semaphore_mem>>
        %dma_start3A = arith.constant 0 : i32
        %dma_start3A_91 = tpu.memref_slice %arg7[%add3A_89, %dma_start3A] : memref<10240x128xf32, #tpu.memory_space<vmem_shared>> -> memref<16x128xf32, #tpu.memory_space<vmem_shared>>
        %dma_start3A_92 = arith.constant 0 : i32
        %dma_start3A_93 = tpu.memref_slice %arg7[%add3A_89, %dma_start3A_92] : memref<10240x128xf32, #tpu.memory_space<vmem_shared>> -> memref<16x128xf32, #tpu.memory_space<vmem_shared>>
        tpu.enqueue_dma source(%arg6 : memref<16x128xf32, #tpu.memory_space<vmem>>) target(%dma_start3A_93 : memref<16x128xf32, #tpu.memory_space<vmem_shared>>) target_semaphore(%run_scoped3A : memref<!tpu.dma_semaphore, #tpu.memory_space<semaphore_mem>>)
        %dma_wait3A = arith.constant 0 : i32
        %dma_wait3A_94 = tpu.memref_slice %arg7[%add3A_89, %dma_wait3A] : memref<10240x128xf32, #tpu.memory_space<vmem_shared>> -> memref<16x128xf32, #tpu.memory_space<vmem_shared>>
        %dma_wait3A_95 = arith.constant 0 : i32
        %dma_wait3A_96 = tpu.memref_slice %arg7[%add3A_89, %dma_wait3A_95] : memref<10240x128xf32, #tpu.memory_space<vmem_shared>> -> memref<16x128xf32, #tpu.memory_space<vmem_shared>>
        tpu.wait_dma2 semaphore(%run_scoped3A : memref<!tpu.dma_semaphore, #tpu.memory_space<semaphore_mem>>) src(%arg6 : memref<16x128xf32, #tpu.memory_space<vmem>>) dst(%dma_wait3A_96 : memref<16x128xf32, #tpu.memory_space<vmem_shared>>)
        tpu.yield
      }) : () -> ()
      %scan3A_90 = arith.constant 0 : i32
      scf.yield %scan3A_90 : i32
    }
    %scan3A_25 = arith.constant 40 : i32
    %barrier3A = arith.constant 0 : index
    tpu.barrier barrier_id(%barrier3A)
    %mul3A_26 = arith.constant 80 : i32
    %mul3A_27 = arith.muli %add3A, %mul3A_26 : i32
    %add3A_28 = arith.constant 0 : i32
    %add3A_29 = arith.addi %mul3A_27, %add3A_28 : i32
    "tpu.region"() ({
      %run_scoped3A = tpu.sem_alloc : memref<!tpu.dma_semaphore, #tpu.memory_space<semaphore_mem>>
      %dma_start3A = arith.constant 0 : i32
      %dma_start3A_85 = tpu.memref_slice %arg2[%add3A_29, %dma_start3A] : memref<2560x128xi32, #tpu.memory_space<hbm>> -> memref<16x128xi32, #tpu.memory_space<hbm>>
      %dma_start3A_86 = arith.constant 0 : i32
      %dma_start3A_87 = tpu.memref_slice %arg2[%add3A_29, %dma_start3A_86] : memref<2560x128xi32, #tpu.memory_space<hbm>> -> memref<16x128xi32, #tpu.memory_space<hbm>>
      tpu.enqueue_dma source(%dma_start3A_87 : memref<16x128xi32, #tpu.memory_space<hbm>>) target(%arg4 : memref<16x128xi32, #tpu.memory_space<vmem>>) target_semaphore(%run_scoped3A : memref<!tpu.dma_semaphore, #tpu.memory_space<semaphore_mem>>)
      %dma_wait3A = arith.constant 0 : i32
      %dma_wait3A_88 = tpu.memref_slice %arg2[%add3A_29, %dma_wait3A] : memref<2560x128xi32, #tpu.memory_space<hbm>> -> memref<16x128xi32, #tpu.memory_space<hbm>>
      %dma_wait3A_89 = arith.constant 0 : i32
      %dma_wait3A_90 = tpu.memref_slice %arg2[%add3A_29, %dma_wait3A_89] : memref<2560x128xi32, #tpu.memory_space<hbm>> -> memref<16x128xi32, #tpu.memory_space<hbm>>
      tpu.wait_dma2 semaphore(%run_scoped3A : memref<!tpu.dma_semaphore, #tpu.memory_space<semaphore_mem>>) src(%dma_wait3A_90 : memref<16x128xi32, #tpu.memory_space<hbm>>) dst(%arg4 : memref<16x128xi32, #tpu.memory_space<vmem>>)
      tpu.yield
    }) : () -> ()
    %scan3A_30 = arith.constant 0 : i32
    %scan3A_31 = arith.constant 0 : i32
    %scan3A_32 = arith.constant 16 : i32
    %scan3A_33 = arith.addi %scan3A_31, %scan3A_32 : i32
    %scan3A_34 = arith.constant 1 : i32
    %scan3A_35 = scf.for %scan3A_85 = %scan3A_31 to %scan3A_33 step %scan3A_34 iter_args(%scan3A_86 = %scan3A_30) -> (i32)  : i32 {
      "tpu.region"() ({
        %run_scoped3A = tpu.sem_alloc : memref<!tpu.dma_semaphore, #tpu.memory_space<semaphore_mem>>
        %dma_start3A = arith.constant 0 : i32
        %dma_start3A_88 = tpu.memref_slice %arg4[%scan3A_85, %dma_start3A] : memref<16x128xi32, #tpu.memory_space<vmem>> -> memref<1x128xi32, #tpu.memory_space<vmem>>
        %dma_start3A_89 = tpu.memref_squeeze %dma_start3A_88 : memref<1x128xi32, #tpu.memory_space<vmem>> -> memref<128xi32, #tpu.memory_space<vmem>>
        %dma_start3A_90 = arith.constant 0 : i32
        %dma_start3A_91 = arith.constant 0 : i32
        %dma_start3A_92 = tpu.memref_slice %arg7[%dma_start3A_90, %dma_start3A_91] : memref<10240x128xf32, #tpu.memory_space<vmem_shared>> -> memref<10240x128xf32, #tpu.memory_space<vmem_shared>>
        tpu.enqueue_indirect_dma source(%arg5 : memref<128x128xf32, #tpu.memory_space<vmem>>) target(%dma_start3A_92 : memref<10240x128xf32, #tpu.memory_space<vmem_shared>>) offsets(%dma_start3A_89 : memref<128xi32, #tpu.memory_space<vmem>>) semaphore(%run_scoped3A : memref<!tpu.dma_semaphore, #tpu.memory_space<semaphore_mem>>) {add = true}
        %dma_wait3A = arith.constant 0 : i32
        %dma_wait3A_93 = tpu.memref_slice %arg4[%scan3A_85, %dma_wait3A] : memref<16x128xi32, #tpu.memory_space<vmem>> -> memref<1x128xi32, #tpu.memory_space<vmem>>
        %dma_wait3A_94 = tpu.memref_squeeze %dma_wait3A_93 : memref<1x128xi32, #tpu.memory_space<vmem>> -> memref<128xi32, #tpu.memory_space<vmem>>
        %dma_wait3A_95 = arith.constant 0 : i32
        %dma_wait3A_96 = arith.constant 0 : i32
        %dma_wait3A_97 = tpu.memref_slice %arg7[%dma_wait3A_95, %dma_wait3A_96] : memref<10240x128xf32, #tpu.memory_space<vmem_shared>> -> memref<10240x128xf32, #tpu.memory_space<vmem_shared>>
        tpu.wait_indirect_dma semaphore(%run_scoped3A : memref<!tpu.dma_semaphore, #tpu.memory_space<semaphore_mem>>) src(%arg5 : memref<128x128xf32, #tpu.memory_space<vmem>>) dst(%dma_wait3A_97 : memref<10240x128xf32, #tpu.memory_space<vmem_shared>>)
        tpu.yield
      }) : () -> ()
      %scan3A_87 = arith.constant 0 : i32
      scf.yield %scan3A_87 : i32
    }
    %scan3A_36 = arith.constant 16 : i32
    %mul3A_37 = arith.constant 80 : i32
    %mul3A_38 = arith.muli %add3A, %mul3A_37 : i32
    %add3A_39 = arith.constant 16 : i32
    %add3A_40 = arith.addi %mul3A_38, %add3A_39 : i32
    "tpu.region"() ({
      %run_scoped3A = tpu.sem_alloc : memref<!tpu.dma_semaphore, #tpu.memory_space<semaphore_mem>>
      %dma_start3A = arith.constant 0 : i32
      %dma_start3A_85 = tpu.memref_slice %arg2[%add3A_40, %dma_start3A] : memref<2560x128xi32, #tpu.memory_space<hbm>> -> memref<16x128xi32, #tpu.memory_space<hbm>>
      %dma_start3A_86 = arith.constant 0 : i32
      %dma_start3A_87 = tpu.memref_slice %arg2[%add3A_40, %dma_start3A_86] : memref<2560x128xi32, #tpu.memory_space<hbm>> -> memref<16x128xi32, #tpu.memory_space<hbm>>
      tpu.enqueue_dma source(%dma_start3A_87 : memref<16x128xi32, #tpu.memory_space<hbm>>) target(%arg4 : memref<16x128xi32, #tpu.memory_space<vmem>>) target_semaphore(%run_scoped3A : memref<!tpu.dma_semaphore, #tpu.memory_space<semaphore_mem>>)
      %dma_wait3A = arith.constant 0 : i32
      %dma_wait3A_88 = tpu.memref_slice %arg2[%add3A_40, %dma_wait3A] : memref<2560x128xi32, #tpu.memory_space<hbm>> -> memref<16x128xi32, #tpu.memory_space<hbm>>
      %dma_wait3A_89 = arith.constant 0 : i32
      %dma_wait3A_90 = tpu.memref_slice %arg2[%add3A_40, %dma_wait3A_89] : memref<2560x128xi32, #tpu.memory_space<hbm>> -> memref<16x128xi32, #tpu.memory_space<hbm>>
      tpu.wait_dma2 semaphore(%run_scoped3A : memref<!tpu.dma_semaphore, #tpu.memory_space<semaphore_mem>>) src(%dma_wait3A_90 : memref<16x128xi32, #tpu.memory_space<hbm>>) dst(%arg4 : memref<16x128xi32, #tpu.memory_space<vmem>>)
      tpu.yield
    }) : () -> ()
    %scan3A_41 = arith.constant 0 : i32
    %scan3A_42 = arith.constant 0 : i32
    %scan3A_43 = arith.constant 16 : i32
    %scan3A_44 = arith.addi %scan3A_42, %scan3A_43 : i32
    %scan3A_45 = arith.constant 1 : i32
    %scan3A_46 = scf.for %scan3A_85 = %scan3A_42 to %scan3A_44 step %scan3A_45 iter_args(%scan3A_86 = %scan3A_41) -> (i32)  : i32 {
      "tpu.region"() ({
        %run_scoped3A = tpu.sem_alloc : memref<!tpu.dma_semaphore, #tpu.memory_space<semaphore_mem>>
        %dma_start3A = arith.constant 0 : i32
        %dma_start3A_88 = tpu.memref_slice %arg4[%scan3A_85, %dma_start3A] : memref<16x128xi32, #tpu.memory_space<vmem>> -> memref<1x128xi32, #tpu.memory_space<vmem>>
        %dma_start3A_89 = tpu.memref_squeeze %dma_start3A_88 : memref<1x128xi32, #tpu.memory_space<vmem>> -> memref<128xi32, #tpu.memory_space<vmem>>
        %dma_start3A_90 = arith.constant 0 : i32
        %dma_start3A_91 = arith.constant 0 : i32
        %dma_start3A_92 = tpu.memref_slice %arg7[%dma_start3A_90, %dma_start3A_91] : memref<10240x128xf32, #tpu.memory_space<vmem_shared>> -> memref<10240x128xf32, #tpu.memory_space<vmem_shared>>
        tpu.enqueue_indirect_dma source(%arg5 : memref<128x128xf32, #tpu.memory_space<vmem>>) target(%dma_start3A_92 : memref<10240x128xf32, #tpu.memory_space<vmem_shared>>) offsets(%dma_start3A_89 : memref<128xi32, #tpu.memory_space<vmem>>) semaphore(%run_scoped3A : memref<!tpu.dma_semaphore, #tpu.memory_space<semaphore_mem>>) {add = true}
        %dma_wait3A = arith.constant 0 : i32
        %dma_wait3A_93 = tpu.memref_slice %arg4[%scan3A_85, %dma_wait3A] : memref<16x128xi32, #tpu.memory_space<vmem>> -> memref<1x128xi32, #tpu.memory_space<vmem>>
        %dma_wait3A_94 = tpu.memref_squeeze %dma_wait3A_93 : memref<1x128xi32, #tpu.memory_space<vmem>> -> memref<128xi32, #tpu.memory_space<vmem>>
        %dma_wait3A_95 = arith.constant 0 : i32
        %dma_wait3A_96 = arith.constant 0 : i32
        %dma_wait3A_97 = tpu.memref_slice %arg7[%dma_wait3A_95, %dma_wait3A_96] : memref<10240x128xf32, #tpu.memory_space<vmem_shared>> -> memref<10240x128xf32, #tpu.memory_space<vmem_shared>>
        tpu.wait_indirect_dma semaphore(%run_scoped3A : memref<!tpu.dma_semaphore, #tpu.memory_space<semaphore_mem>>) src(%arg5 : memref<128x128xf32, #tpu.memory_space<vmem>>) dst(%dma_wait3A_97 : memref<10240x128xf32, #tpu.memory_space<vmem_shared>>)
        tpu.yield
      }) : () -> ()
      %scan3A_87 = arith.constant 0 : i32
      scf.yield %scan3A_87 : i32
    }
    %scan3A_47 = arith.constant 16 : i32
    %mul3A_48 = arith.constant 80 : i32
    %mul3A_49 = arith.muli %add3A, %mul3A_48 : i32
    %add3A_50 = arith.constant 32 : i32
    %add3A_51 = arith.addi %mul3A_49, %add3A_50 : i32
    "tpu.region"() ({
      %run_scoped3A = tpu.sem_alloc : memref<!tpu.dma_semaphore, #tpu.memory_space<semaphore_mem>>
      %dma_start3A = arith.constant 0 : i32
      %dma_start3A_85 = tpu.memref_slice %arg2[%add3A_51, %dma_start3A] : memref<2560x128xi32, #tpu.memory_space<hbm>> -> memref<16x128xi32, #tpu.memory_space<hbm>>
      %dma_start3A_86 = arith.constant 0 : i32
      %dma_start3A_87 = tpu.memref_slice %arg2[%add3A_51, %dma_start3A_86] : memref<2560x128xi32, #tpu.memory_space<hbm>> -> memref<16x128xi32, #tpu.memory_space<hbm>>
      tpu.enqueue_dma source(%dma_start3A_87 : memref<16x128xi32, #tpu.memory_space<hbm>>) target(%arg4 : memref<16x128xi32, #tpu.memory_space<vmem>>) target_semaphore(%run_scoped3A : memref<!tpu.dma_semaphore, #tpu.memory_space<semaphore_mem>>)
      %dma_wait3A = arith.constant 0 : i32
      %dma_wait3A_88 = tpu.memref_slice %arg2[%add3A_51, %dma_wait3A] : memref<2560x128xi32, #tpu.memory_space<hbm>> -> memref<16x128xi32, #tpu.memory_space<hbm>>
      %dma_wait3A_89 = arith.constant 0 : i32
      %dma_wait3A_90 = tpu.memref_slice %arg2[%add3A_51, %dma_wait3A_89] : memref<2560x128xi32, #tpu.memory_space<hbm>> -> memref<16x128xi32, #tpu.memory_space<hbm>>
      tpu.wait_dma2 semaphore(%run_scoped3A : memref<!tpu.dma_semaphore, #tpu.memory_space<semaphore_mem>>) src(%dma_wait3A_90 : memref<16x128xi32, #tpu.memory_space<hbm>>) dst(%arg4 : memref<16x128xi32, #tpu.memory_space<vmem>>)
      tpu.yield
    }) : () -> ()
    %scan3A_52 = arith.constant 0 : i32
    %scan3A_53 = arith.constant 0 : i32
    %scan3A_54 = arith.constant 16 : i32
    %scan3A_55 = arith.addi %scan3A_53, %scan3A_54 : i32
    %scan3A_56 = arith.constant 1 : i32
    %scan3A_57 = scf.for %scan3A_85 = %scan3A_53 to %scan3A_55 step %scan3A_56 iter_args(%scan3A_86 = %scan3A_52) -> (i32)  : i32 {
      "tpu.region"() ({
        %run_scoped3A = tpu.sem_alloc : memref<!tpu.dma_semaphore, #tpu.memory_space<semaphore_mem>>
        %dma_start3A = arith.constant 0 : i32
        %dma_start3A_88 = tpu.memref_slice %arg4[%scan3A_85, %dma_start3A] : memref<16x128xi32, #tpu.memory_space<vmem>> -> memref<1x128xi32, #tpu.memory_space<vmem>>
        %dma_start3A_89 = tpu.memref_squeeze %dma_start3A_88 : memref<1x128xi32, #tpu.memory_space<vmem>> -> memref<128xi32, #tpu.memory_space<vmem>>
        %dma_start3A_90 = arith.constant 0 : i32
        %dma_start3A_91 = arith.constant 0 : i32
        %dma_start3A_92 = tpu.memref_slice %arg7[%dma_start3A_90, %dma_start3A_91] : memref<10240x128xf32, #tpu.memory_space<vmem_shared>> -> memref<10240x128xf32, #tpu.memory_space<vmem_shared>>
        tpu.enqueue_indirect_dma source(%arg5 : memref<128x128xf32, #tpu.memory_space<vmem>>) target(%dma_start3A_92 : memref<10240x128xf32, #tpu.memory_space<vmem_shared>>) offsets(%dma_start3A_89 : memref<128xi32, #tpu.memory_space<vmem>>) semaphore(%run_scoped3A : memref<!tpu.dma_semaphore, #tpu.memory_space<semaphore_mem>>) {add = true}
        %dma_wait3A = arith.constant 0 : i32
        %dma_wait3A_93 = tpu.memref_slice %arg4[%scan3A_85, %dma_wait3A] : memref<16x128xi32, #tpu.memory_space<vmem>> -> memref<1x128xi32, #tpu.memory_space<vmem>>
        %dma_wait3A_94 = tpu.memref_squeeze %dma_wait3A_93 : memref<1x128xi32, #tpu.memory_space<vmem>> -> memref<128xi32, #tpu.memory_space<vmem>>
        %dma_wait3A_95 = arith.constant 0 : i32
        %dma_wait3A_96 = arith.constant 0 : i32
        %dma_wait3A_97 = tpu.memref_slice %arg7[%dma_wait3A_95, %dma_wait3A_96] : memref<10240x128xf32, #tpu.memory_space<vmem_shared>> -> memref<10240x128xf32, #tpu.memory_space<vmem_shared>>
        tpu.wait_indirect_dma semaphore(%run_scoped3A : memref<!tpu.dma_semaphore, #tpu.memory_space<semaphore_mem>>) src(%arg5 : memref<128x128xf32, #tpu.memory_space<vmem>>) dst(%dma_wait3A_97 : memref<10240x128xf32, #tpu.memory_space<vmem_shared>>)
        tpu.yield
      }) : () -> ()
      %scan3A_87 = arith.constant 0 : i32
      scf.yield %scan3A_87 : i32
    }
    %scan3A_58 = arith.constant 16 : i32
    %mul3A_59 = arith.constant 80 : i32
    %mul3A_60 = arith.muli %add3A, %mul3A_59 : i32
    %add3A_61 = arith.constant 48 : i32
    %add3A_62 = arith.addi %mul3A_60, %add3A_61 : i32
    "tpu.region"() ({
      %run_scoped3A = tpu.sem_alloc : memref<!tpu.dma_semaphore, #tpu.memory_space<semaphore_mem>>
      %dma_start3A = arith.constant 0 : i32
      %dma_start3A_85 = tpu.memref_slice %arg2[%add3A_62, %dma_start3A] : memref<2560x128xi32, #tpu.memory_space<hbm>> -> memref<16x128xi32, #tpu.memory_space<hbm>>
      %dma_start3A_86 = arith.constant 0 : i32
      %dma_start3A_87 = tpu.memref_slice %arg2[%add3A_62, %dma_start3A_86] : memref<2560x128xi32, #tpu.memory_space<hbm>> -> memref<16x128xi32, #tpu.memory_space<hbm>>
      tpu.enqueue_dma source(%dma_start3A_87 : memref<16x128xi32, #tpu.memory_space<hbm>>) target(%arg4 : memref<16x128xi32, #tpu.memory_space<vmem>>) target_semaphore(%run_scoped3A : memref<!tpu.dma_semaphore, #tpu.memory_space<semaphore_mem>>)
      %dma_wait3A = arith.constant 0 : i32
      %dma_wait3A_88 = tpu.memref_slice %arg2[%add3A_62, %dma_wait3A] : memref<2560x128xi32, #tpu.memory_space<hbm>> -> memref<16x128xi32, #tpu.memory_space<hbm>>
      %dma_wait3A_89 = arith.constant 0 : i32
      %dma_wait3A_90 = tpu.memref_slice %arg2[%add3A_62, %dma_wait3A_89] : memref<2560x128xi32, #tpu.memory_space<hbm>> -> memref<16x128xi32, #tpu.memory_space<hbm>>
      tpu.wait_dma2 semaphore(%run_scoped3A : memref<!tpu.dma_semaphore, #tpu.memory_space<semaphore_mem>>) src(%dma_wait3A_90 : memref<16x128xi32, #tpu.memory_space<hbm>>) dst(%arg4 : memref<16x128xi32, #tpu.memory_space<vmem>>)
      tpu.yield
    }) : () -> ()
    %scan3A_63 = arith.constant 0 : i32
    %scan3A_64 = arith.constant 0 : i32
    %scan3A_65 = arith.constant 16 : i32
    %scan3A_66 = arith.addi %scan3A_64, %scan3A_65 : i32
    %scan3A_67 = arith.constant 1 : i32
    %scan3A_68 = scf.for %scan3A_85 = %scan3A_64 to %scan3A_66 step %scan3A_67 iter_args(%scan3A_86 = %scan3A_63) -> (i32)  : i32 {
      "tpu.region"() ({
        %run_scoped3A = tpu.sem_alloc : memref<!tpu.dma_semaphore, #tpu.memory_space<semaphore_mem>>
        %dma_start3A = arith.constant 0 : i32
        %dma_start3A_88 = tpu.memref_slice %arg4[%scan3A_85, %dma_start3A] : memref<16x128xi32, #tpu.memory_space<vmem>> -> memref<1x128xi32, #tpu.memory_space<vmem>>
        %dma_start3A_89 = tpu.memref_squeeze %dma_start3A_88 : memref<1x128xi32, #tpu.memory_space<vmem>> -> memref<128xi32, #tpu.memory_space<vmem>>
        %dma_start3A_90 = arith.constant 0 : i32
        %dma_start3A_91 = arith.constant 0 : i32
        %dma_start3A_92 = tpu.memref_slice %arg7[%dma_start3A_90, %dma_start3A_91] : memref<10240x128xf32, #tpu.memory_space<vmem_shared>> -> memref<10240x128xf32, #tpu.memory_space<vmem_shared>>
        tpu.enqueue_indirect_dma source(%arg5 : memref<128x128xf32, #tpu.memory_space<vmem>>) target(%dma_start3A_92 : memref<10240x128xf32, #tpu.memory_space<vmem_shared>>) offsets(%dma_start3A_89 : memref<128xi32, #tpu.memory_space<vmem>>) semaphore(%run_scoped3A : memref<!tpu.dma_semaphore, #tpu.memory_space<semaphore_mem>>) {add = true}
        %dma_wait3A = arith.constant 0 : i32
        %dma_wait3A_93 = tpu.memref_slice %arg4[%scan3A_85, %dma_wait3A] : memref<16x128xi32, #tpu.memory_space<vmem>> -> memref<1x128xi32, #tpu.memory_space<vmem>>
        %dma_wait3A_94 = tpu.memref_squeeze %dma_wait3A_93 : memref<1x128xi32, #tpu.memory_space<vmem>> -> memref<128xi32, #tpu.memory_space<vmem>>
        %dma_wait3A_95 = arith.constant 0 : i32
        %dma_wait3A_96 = arith.constant 0 : i32
        %dma_wait3A_97 = tpu.memref_slice %arg7[%dma_wait3A_95, %dma_wait3A_96] : memref<10240x128xf32, #tpu.memory_space<vmem_shared>> -> memref<10240x128xf32, #tpu.memory_space<vmem_shared>>
        tpu.wait_indirect_dma semaphore(%run_scoped3A : memref<!tpu.dma_semaphore, #tpu.memory_space<semaphore_mem>>) src(%arg5 : memref<128x128xf32, #tpu.memory_space<vmem>>) dst(%dma_wait3A_97 : memref<10240x128xf32, #tpu.memory_space<vmem_shared>>)
        tpu.yield
      }) : () -> ()
      %scan3A_87 = arith.constant 0 : i32
      scf.yield %scan3A_87 : i32
    }
    %scan3A_69 = arith.constant 16 : i32
    %mul3A_70 = arith.constant 80 : i32
    %mul3A_71 = arith.muli %add3A, %mul3A_70 : i32
    %add3A_72 = arith.constant 64 : i32
    %add3A_73 = arith.addi %mul3A_71, %add3A_72 : i32
    "tpu.region"() ({
      %run_scoped3A = tpu.sem_alloc : memref<!tpu.dma_semaphore, #tpu.memory_space<semaphore_mem>>
      %dma_start3A = arith.constant 0 : i32
      %dma_start3A_85 = tpu.memref_slice %arg2[%add3A_73, %dma_start3A] : memref<2560x128xi32, #tpu.memory_space<hbm>> -> memref<16x128xi32, #tpu.memory_space<hbm>>
      %dma_start3A_86 = arith.constant 0 : i32
      %dma_start3A_87 = tpu.memref_slice %arg2[%add3A_73, %dma_start3A_86] : memref<2560x128xi32, #tpu.memory_space<hbm>> -> memref<16x128xi32, #tpu.memory_space<hbm>>
      tpu.enqueue_dma source(%dma_start3A_87 : memref<16x128xi32, #tpu.memory_space<hbm>>) target(%arg4 : memref<16x128xi32, #tpu.memory_space<vmem>>) target_semaphore(%run_scoped3A : memref<!tpu.dma_semaphore, #tpu.memory_space<semaphore_mem>>)
      %dma_wait3A = arith.constant 0 : i32
      %dma_wait3A_88 = tpu.memref_slice %arg2[%add3A_73, %dma_wait3A] : memref<2560x128xi32, #tpu.memory_space<hbm>> -> memref<16x128xi32, #tpu.memory_space<hbm>>
      %dma_wait3A_89 = arith.constant 0 : i32
      %dma_wait3A_90 = tpu.memref_slice %arg2[%add3A_73, %dma_wait3A_89] : memref<2560x128xi32, #tpu.memory_space<hbm>> -> memref<16x128xi32, #tpu.memory_space<hbm>>
      tpu.wait_dma2 semaphore(%run_scoped3A : memref<!tpu.dma_semaphore, #tpu.memory_space<semaphore_mem>>) src(%dma_wait3A_90 : memref<16x128xi32, #tpu.memory_space<hbm>>) dst(%arg4 : memref<16x128xi32, #tpu.memory_space<vmem>>)
      tpu.yield
    }) : () -> ()
    %scan3A_74 = arith.constant 0 : i32
    %scan3A_75 = arith.constant 0 : i32
    %scan3A_76 = arith.constant 16 : i32
    %scan3A_77 = arith.addi %scan3A_75, %scan3A_76 : i32
    %scan3A_78 = arith.constant 1 : i32
    %scan3A_79 = scf.for %scan3A_85 = %scan3A_75 to %scan3A_77 step %scan3A_78 iter_args(%scan3A_86 = %scan3A_74) -> (i32)  : i32 {
      "tpu.region"() ({
        %run_scoped3A = tpu.sem_alloc : memref<!tpu.dma_semaphore, #tpu.memory_space<semaphore_mem>>
        %dma_start3A = arith.constant 0 : i32
        %dma_start3A_88 = tpu.memref_slice %arg4[%scan3A_85, %dma_start3A] : memref<16x128xi32, #tpu.memory_space<vmem>> -> memref<1x128xi32, #tpu.memory_space<vmem>>
        %dma_start3A_89 = tpu.memref_squeeze %dma_start3A_88 : memref<1x128xi32, #tpu.memory_space<vmem>> -> memref<128xi32, #tpu.memory_space<vmem>>
        %dma_start3A_90 = arith.constant 0 : i32
        %dma_start3A_91 = arith.constant 0 : i32
        %dma_start3A_92 = tpu.memref_slice %arg7[%dma_start3A_90, %dma_start3A_91] : memref<10240x128xf32, #tpu.memory_space<vmem_shared>> -> memref<10240x128xf32, #tpu.memory_space<vmem_shared>>
        tpu.enqueue_indirect_dma source(%arg5 : memref<128x128xf32, #tpu.memory_space<vmem>>) target(%dma_start3A_92 : memref<10240x128xf32, #tpu.memory_space<vmem_shared>>) offsets(%dma_start3A_89 : memref<128xi32, #tpu.memory_space<vmem>>) semaphore(%run_scoped3A : memref<!tpu.dma_semaphore, #tpu.memory_space<semaphore_mem>>) {add = true}
        %dma_wait3A = arith.constant 0 : i32
        %dma_wait3A_93 = tpu.memref_slice %arg4[%scan3A_85, %dma_wait3A] : memref<16x128xi32, #tpu.memory_space<vmem>> -> memref<1x128xi32, #tpu.memory_space<vmem>>
        %dma_wait3A_94 = tpu.memref_squeeze %dma_wait3A_93 : memref<1x128xi32, #tpu.memory_space<vmem>> -> memref<128xi32, #tpu.memory_space<vmem>>
        %dma_wait3A_95 = arith.constant 0 : i32
        %dma_wait3A_96 = arith.constant 0 : i32
        %dma_wait3A_97 = tpu.memref_slice %arg7[%dma_wait3A_95, %dma_wait3A_96] : memref<10240x128xf32, #tpu.memory_space<vmem_shared>> -> memref<10240x128xf32, #tpu.memory_space<vmem_shared>>
        tpu.wait_indirect_dma semaphore(%run_scoped3A : memref<!tpu.dma_semaphore, #tpu.memory_space<semaphore_mem>>) src(%arg5 : memref<128x128xf32, #tpu.memory_space<vmem>>) dst(%dma_wait3A_97 : memref<10240x128xf32, #tpu.memory_space<vmem_shared>>)
        tpu.yield
      }) : () -> ()
      %scan3A_87 = arith.constant 0 : i32
      scf.yield %scan3A_87 : i32
    }
    %scan3A_80 = arith.constant 16 : i32
    %barrier3A_81 = arith.constant 0 : index
    tpu.barrier barrier_id(%barrier3A_81)
    %mul3A_82 = arith.constant 10240 : i32
    %mul3A_83 = arith.muli %arg0, %mul3A_82 : i32
    %add3A_84 = arith.addi %mul3A_83, %mul3A_2 : i32
    "tpu.region"() ({
      %run_scoped3A = tpu.sem_alloc : memref<!tpu.dma_semaphore, #tpu.memory_space<semaphore_mem>>
      %dma_start3A = arith.constant 0 : i32
      %dma_start3A_85 = tpu.memref_slice %arg3[%add3A_84, %dma_start3A] : memref<20480x128xf32, #tpu.memory_space<hbm>> -> memref<640x128xf32, #tpu.memory_space<hbm>>
      %dma_start3A_86 = arith.constant 0 : i32
      %dma_start3A_87 = tpu.memref_slice %arg7[%mul3A_2, %dma_start3A_86] : memref<10240x128xf32, #tpu.memory_space<vmem_shared>> -> memref<640x128xf32, #tpu.memory_space<vmem_shared>>
      tpu.enqueue_dma source(%dma_start3A_87 : memref<640x128xf32, #tpu.memory_space<vmem_shared>>) target(%dma_start3A_85 : memref<640x128xf32, #tpu.memory_space<hbm>>) target_semaphore(%run_scoped3A : memref<!tpu.dma_semaphore, #tpu.memory_space<semaphore_mem>>)
      %dma_wait3A = arith.constant 0 : i32
      %dma_wait3A_88 = tpu.memref_slice %arg3[%add3A_84, %dma_wait3A] : memref<20480x128xf32, #tpu.memory_space<hbm>> -> memref<640x128xf32, #tpu.memory_space<hbm>>
      %dma_wait3A_89 = arith.constant 0 : i32
      %dma_wait3A_90 = tpu.memref_slice %arg7[%mul3A_2, %dma_wait3A_89] : memref<10240x128xf32, #tpu.memory_space<vmem_shared>> -> memref<640x128xf32, #tpu.memory_space<vmem_shared>>
      tpu.wait_dma2 semaphore(%run_scoped3A : memref<!tpu.dma_semaphore, #tpu.memory_space<semaphore_mem>>) src(%dma_wait3A_90 : memref<640x128xf32, #tpu.memory_space<vmem_shared>>) dst(%dma_wait3A_88 : memref<640x128xf32, #tpu.memory_space<hbm>>)
      tpu.yield
    }) : () -> ()
    return
  }
}

#map = affine_map<(d0, d1) -> (0, 0)>
module attributes {stable_mosaic.version = 14 : i64} {
  func.func @body(%arg0: i32, %arg1: i32, %arg2: memref<10000x128xf32, #tpu.memory_space<hbm>>, %arg3: memref<2560x128xi32, #tpu.memory_space<hbm>>, %arg4: memref<2560x128xi32, #tpu.memory_space<hbm>>, %arg5: memref<20480x128xf32, #tpu.memory_space<hbm>>, %arg6: memref<8x128xi32, #tpu.memory_space<vmem>>, %arg7: memref<8x128xi32, #tpu.memory_space<vmem>>, %arg8: memref<128x128xf32, #tpu.memory_space<vmem>>, %arg9: memref<128x128xf32, #tpu.memory_space<vmem>>, %arg10: memref<10240x128xf32, #tpu.memory_space<vmem_shared>>, %arg11: memref<!tpu.dma_semaphore, #tpu.memory_space<semaphore_mem>>, %arg12: memref<!tpu.dma_semaphore, #tpu.memory_space<semaphore_mem>>) attributes {dimension_semantics = [#tpu.dimension_semantics<core_parallel>, #tpu.dimension_semantics<subcore_parallel>], iteration_bounds = array<i64: 2, 16>, scalar_prefetch = 0 : i64, scratch_operands = 7 : i64, tpu.core_type = #tpu.core_type<sc_vector_subcore>, window_params = [{transform_indices = #map}, {transform_indices = #map}, {transform_indices = #map}, {transform_indices = #map}]} {
    %mul3A = arith.constant 640 : i32
    %mul3A_0 = arith.muli %arg1, %mul3A : i32
    %broadcast_in_dim3A = arith.constant 0.000000e+00 : f32
    %broadcast_in_dim3A_1 = vector.broadcast %broadcast_in_dim3A : f32 to vector<16xf32>
    %scan3A = arith.constant 0 : i32
    %scan3A_2 = arith.constant 0 : i32
    %scan3A_3 = arith.constant 128 : i32
    %scan3A_4 = arith.addi %scan3A_2, %scan3A_3 : i32
    %scan3A_5 = arith.constant 1 : i32
    %scan3A_6 = scf.for %scan3A_40 = %scan3A_2 to %scan3A_4 step %scan3A_5 iter_args(%scan3A_41 = %scan3A) -> (i32)  : i32 {
      %scan3A_42 = arith.constant 0 : i32
      %scan3A_43 = arith.constant 0 : i32
      %scan3A_44 = arith.constant 8 : i32
      %scan3A_45 = arith.addi %scan3A_43, %scan3A_44 : i32
      %scan3A_46 = arith.constant 1 : i32
      %scan3A_47 = scf.for %scan3A_49 = %scan3A_43 to %scan3A_45 step %scan3A_46 iter_args(%scan3A_50 = %scan3A_42) -> (i32)  : i32 {
        %mul3A_51 = arith.constant 16 : i32
        %mul3A_52 = arith.muli %scan3A_49, %mul3A_51 : i32
        %swap3A = arith.index_cast %scan3A_40 : i32 to index
        %swap3A_53 = arith.index_cast %mul3A_52 : i32 to index
        %swap3A_54 = tpu.vector_load %arg8[%swap3A, %swap3A_53] {strides = array<i32>} : memref<128x128xf32, #tpu.memory_space<vmem>>, vector<1x16xf32>,
        %swap3A_55 = vector.shape_cast %swap3A_54 : vector<1x16xf32> to vector<16xf32>
        %swap3A_56 = vector.shape_cast %broadcast_in_dim3A_1 : vector<16xf32> to vector<1x16xf32>
        tpu.vector_store %arg8[%swap3A, %swap3A_53], %swap3A_56 {strides = array<i32>} : memref<128x128xf32, #tpu.memory_space<vmem>>, vector<1x16xf32>,
        %scan3A_57 = arith.constant 0 : i32
        scf.yield %scan3A_57 : i32
      }
      %scan3A_48 = arith.constant 8 : i32
      scf.yield %scan3A_47 : i32
    }
    %scan3A_7 = arith.constant 128 : i32
    %scan3A_8 = arith.constant 0 : i32
    %scan3A_9 = arith.constant 0 : i32
    %scan3A_10 = arith.constant 5 : i32
    %scan3A_11 = arith.addi %scan3A_9, %scan3A_10 : i32
    %scan3A_12 = arith.constant 1 : i32
    %scan3A_13 = scf.for %scan3A_40 = %scan3A_9 to %scan3A_11 step %scan3A_12 iter_args(%scan3A_41 = %scan3A_8) -> (i32)  : i32 {
      %mul3A_42 = arith.constant 128 : i32
      %mul3A_43 = arith.muli %scan3A_40, %mul3A_42 : i32
      %add3A_44 = arith.addi %mul3A_0, %mul3A_43 : i32
      "tpu.region"() ({
        %run_scoped3A = tpu.sem_alloc : memref<!tpu.dma_semaphore, #tpu.memory_space<semaphore_mem>>
        %dma_start3A = arith.constant 0 : i32
        %dma_start3A_46 = tpu.memref_slice %arg10[%add3A_44, %dma_start3A] : memref<10240x128xf32, #tpu.memory_space<vmem_shared>> -> memref<128x128xf32, #tpu.memory_space<vmem_shared>>
        %dma_start3A_47 = arith.constant 0 : i32
        %dma_start3A_48 = tpu.memref_slice %arg10[%add3A_44, %dma_start3A_47] : memref<10240x128xf32, #tpu.memory_space<vmem_shared>> -> memref<128x128xf32, #tpu.memory_space<vmem_shared>>
        tpu.enqueue_dma source(%arg8 : memref<128x128xf32, #tpu.memory_space<vmem>>) target(%dma_start3A_48 : memref<128x128xf32, #tpu.memory_space<vmem_shared>>) target_semaphore(%run_scoped3A : memref<!tpu.dma_semaphore, #tpu.memory_space<semaphore_mem>>)
        %dma_wait3A = arith.constant 0 : i32
        %dma_wait3A_49 = tpu.memref_slice %arg10[%add3A_44, %dma_wait3A] : memref<10240x128xf32, #tpu.memory_space<vmem_shared>> -> memref<128x128xf32, #tpu.memory_space<vmem_shared>>
        %dma_wait3A_50 = arith.constant 0 : i32
        %dma_wait3A_51 = tpu.memref_slice %arg10[%add3A_44, %dma_wait3A_50] : memref<10240x128xf32, #tpu.memory_space<vmem_shared>> -> memref<128x128xf32, #tpu.memory_space<vmem_shared>>
        tpu.wait_dma2 semaphore(%run_scoped3A : memref<!tpu.dma_semaphore, #tpu.memory_space<semaphore_mem>>) src(%arg8 : memref<128x128xf32, #tpu.memory_space<vmem>>) dst(%dma_wait3A_51 : memref<128x128xf32, #tpu.memory_space<vmem_shared>>)
        tpu.yield
      }) : () -> ()
      %scan3A_45 = arith.constant 0 : i32
      scf.yield %scan3A_45 : i32
    }
    %scan3A_14 = arith.constant 5 : i32
    %barrier3A = arith.constant 0 : index
    tpu.barrier barrier_id(%barrier3A)
    %eq3A = arith.constant 0 : i32
    %eq3A_15 = arith.cmpi eq, %arg0, %eq3A : i32
    %mul3A_16 = arith.constant 152 : i32
    %mul3A_17 = arith.muli %arg1, %mul3A_16 : i32
    %mul3A_18 = arith.constant 8 : i32
    %mul3A_19 = arith.muli %arg1, %mul3A_18 : i32
    %add3A = arith.constant 2432 : i32
    %add3A_20 = arith.addi %add3A, %mul3A_19 : i32
    %select_n3A = arith.select %eq3A_15, %mul3A_17, %add3A_20 : i32
    %eq3A_21 = arith.constant 0 : i32
    %eq3A_22 = arith.cmpi eq, %arg0, %eq3A_21 : i32
    %jit3A = arith.constant 19 : i32
    %jit3A_23 = arith.constant 1 : i32
    %select_n3A_24 = arith.select %eq3A_22, %jit3A, %jit3A_23 : i32
    %while3A = arith.constant 0 : i32
    %while3A_25 = arith.constant 0 : i32
    %while3A_26 = arith.subi %select_n3A_24, %while3A : i32
    %while3A_27 = arith.addi %while3A, %while3A_26 : i32
    %while3A_28 = arith.constant 1 : i32
    %while3A_29 = arith.divsi %while3A_26, %while3A_28 : i32
    %while3A_30 = arith.muli %while3A_29, %while3A_28 : i32
    %while3A_31 = arith.addi %while3A, %while3A_30 : i32
    %while3A_32 = arith.constant 1 : i32
    %while3A_33 = scf.for %while3A_40 = %while3A to %while3A_31 step %while3A_32 iter_args(%while3A_41 = %while3A_25) -> (i32)  : i32 {
      %mul3A_42 = arith.constant 8 : i32
      %mul3A_43 = arith.muli %while3A_40, %mul3A_42 : i32
      %add3A_44 = arith.addi %select_n3A, %mul3A_43 : i32
      "tpu.region"() ({
        %run_scoped3A_78 = tpu.sem_alloc : memref<!tpu.dma_semaphore, #tpu.memory_space<semaphore_mem>>
        %dma_start3A_79 = arith.constant 0 : i32
        %dma_start3A_80 = tpu.memref_slice %arg3[%add3A_44, %dma_start3A_79] : memref<2560x128xi32, #tpu.memory_space<hbm>> -> memref<8x128xi32, #tpu.memory_space<hbm>>
        %dma_start3A_81 = arith.constant 0 : i32
        %dma_start3A_82 = tpu.memref_slice %arg3[%add3A_44, %dma_start3A_81] : memref<2560x128xi32, #tpu.memory_space<hbm>> -> memref<8x128xi32, #tpu.memory_space<hbm>>
        tpu.enqueue_dma source(%dma_start3A_82 : memref<8x128xi32, #tpu.memory_space<hbm>>) target(%arg6 : memref<8x128xi32, #tpu.memory_space<vmem>>) target_semaphore(%run_scoped3A_78 : memref<!tpu.dma_semaphore, #tpu.memory_space<semaphore_mem>>)
        %dma_wait3A_83 = arith.constant 0 : i32
        %dma_wait3A_84 = tpu.memref_slice %arg3[%add3A_44, %dma_wait3A_83] : memref<2560x128xi32, #tpu.memory_space<hbm>> -> memref<8x128xi32, #tpu.memory_space<hbm>>
        %dma_wait3A_85 = arith.constant 0 : i32
        %dma_wait3A_86 = tpu.memref_slice %arg3[%add3A_44, %dma_wait3A_85] : memref<2560x128xi32, #tpu.memory_space<hbm>> -> memref<8x128xi32, #tpu.memory_space<hbm>>
        tpu.wait_dma2 semaphore(%run_scoped3A_78 : memref<!tpu.dma_semaphore, #tpu.memory_space<semaphore_mem>>) src(%dma_wait3A_86 : memref<8x128xi32, #tpu.memory_space<hbm>>) dst(%arg6 : memref<8x128xi32, #tpu.memory_space<vmem>>)
        tpu.yield
      }) : () -> ()
      "tpu.region"() ({
        %run_scoped3A_78 = tpu.sem_alloc : memref<!tpu.dma_semaphore, #tpu.memory_space<semaphore_mem>>
        %dma_start3A_79 = arith.constant 0 : i32
        %dma_start3A_80 = tpu.memref_slice %arg4[%add3A_44, %dma_start3A_79] : memref<2560x128xi32, #tpu.memory_space<hbm>> -> memref<8x128xi32, #tpu.memory_space<hbm>>
        %dma_start3A_81 = arith.constant 0 : i32
        %dma_start3A_82 = tpu.memref_slice %arg4[%add3A_44, %dma_start3A_81] : memref<2560x128xi32, #tpu.memory_space<hbm>> -> memref<8x128xi32, #tpu.memory_space<hbm>>
        tpu.enqueue_dma source(%dma_start3A_82 : memref<8x128xi32, #tpu.memory_space<hbm>>) target(%arg7 : memref<8x128xi32, #tpu.memory_space<vmem>>) target_semaphore(%run_scoped3A_78 : memref<!tpu.dma_semaphore, #tpu.memory_space<semaphore_mem>>)
        %dma_wait3A_83 = arith.constant 0 : i32
        %dma_wait3A_84 = tpu.memref_slice %arg4[%add3A_44, %dma_wait3A_83] : memref<2560x128xi32, #tpu.memory_space<hbm>> -> memref<8x128xi32, #tpu.memory_space<hbm>>
        %dma_wait3A_85 = arith.constant 0 : i32
        %dma_wait3A_86 = tpu.memref_slice %arg4[%add3A_44, %dma_wait3A_85] : memref<2560x128xi32, #tpu.memory_space<hbm>> -> memref<8x128xi32, #tpu.memory_space<hbm>>
        tpu.wait_dma2 semaphore(%run_scoped3A_78 : memref<!tpu.dma_semaphore, #tpu.memory_space<semaphore_mem>>) src(%dma_wait3A_86 : memref<8x128xi32, #tpu.memory_space<hbm>>) dst(%arg7 : memref<8x128xi32, #tpu.memory_space<vmem>>)
        tpu.yield
      }) : () -> ()
      %dma_start3A = arith.constant 0 : i32
      %dma_start3A_45 = arith.constant 0 : i32
      %dma_start3A_46 = tpu.memref_slice %arg6[%dma_start3A, %dma_start3A_45] : memref<8x128xi32, #tpu.memory_space<vmem>> -> memref<1x128xi32, #tpu.memory_space<vmem>>
      %dma_start3A_47 = tpu.memref_squeeze %dma_start3A_46 : memref<1x128xi32, #tpu.memory_space<vmem>> -> memref<128xi32, #tpu.memory_space<vmem>>
      %dma_start3A_48 = arith.constant 0 : i32
      %dma_start3A_49 = arith.constant 0 : i32
      %dma_start3A_50 = tpu.memref_slice %arg2[%dma_start3A_48, %dma_start3A_49] : memref<10000x128xf32, #tpu.memory_space<hbm>> -> memref<10000x128xf32, #tpu.memory_space<hbm>>
      tpu.enqueue_indirect_dma source(%dma_start3A_50 : memref<10000x128xf32, #tpu.memory_space<hbm>>) target(%arg8 : memref<128x128xf32, #tpu.memory_space<vmem>>) offsets(%dma_start3A_47 : memref<128xi32, #tpu.memory_space<vmem>>) semaphore(%arg11 : memref<!tpu.dma_semaphore, #tpu.memory_space<semaphore_mem>>)
      %dma_start3A_51 = arith.constant 1 : i32
      %dma_start3A_52 = arith.constant 0 : i32
      %dma_start3A_53 = tpu.memref_slice %arg6[%dma_start3A_51, %dma_start3A_52] : memref<8x128xi32, #tpu.memory_space<vmem>> -> memref<1x128xi32, #tpu.memory_space<vmem>>
      %dma_start3A_54 = tpu.memref_squeeze %dma_start3A_53 : memref<1x128xi32, #tpu.memory_space<vmem>> -> memref<128xi32, #tpu.memory_space<vmem>>
      %dma_start3A_55 = arith.constant 0 : i32
      %dma_start3A_56 = arith.constant 0 : i32
      %dma_start3A_57 = tpu.memref_slice %arg2[%dma_start3A_55, %dma_start3A_56] : memref<10000x128xf32, #tpu.memory_space<hbm>> -> memref<10000x128xf32, #tpu.memory_space<hbm>>
      tpu.enqueue_indirect_dma source(%dma_start3A_57 : memref<10000x128xf32, #tpu.memory_space<hbm>>) target(%arg9 : memref<128x128xf32, #tpu.memory_space<vmem>>) offsets(%dma_start3A_54 : memref<128xi32, #tpu.memory_space<vmem>>) semaphore(%arg12 : memref<!tpu.dma_semaphore, #tpu.memory_space<semaphore_mem>>)
      %scan3A_58 = arith.constant 0 : i32
      %scan3A_59 = arith.constant 0 : i32
      %scan3A_60 = arith.constant 3 : i32
      %scan3A_61 = arith.addi %scan3A_59, %scan3A_60 : i32
      %scan3A_62 = arith.constant 1 : i32
      %scan3A_63 = scf.for %scan3A_78 = %scan3A_59 to %scan3A_61 step %scan3A_62 iter_args(%scan3A_79 = %scan3A_58) -> (i32)  : i32 {
        %dma_wait3A_80 = arith.constant 0 : i32
        %dma_wait3A_81 = arith.constant 0 : i32
        %dma_wait3A_82 = tpu.memref_slice %arg2[%dma_wait3A_80, %dma_wait3A_81] : memref<10000x128xf32, #tpu.memory_space<hbm>> -> memref<128x128xf32, #tpu.memory_space<hbm>>
        %dma_wait3A_83 = arith.constant 0 : i32
        %dma_wait3A_84 = arith.constant 0 : i32
        %dma_wait3A_85 = tpu.memref_slice %arg2[%dma_wait3A_83, %dma_wait3A_84] : memref<10000x128xf32, #tpu.memory_space<hbm>> -> memref<128x128xf32, #tpu.memory_space<hbm>>
        tpu.wait_dma2 semaphore(%arg11 : memref<!tpu.dma_semaphore, #tpu.memory_space<semaphore_mem>>) src(%dma_wait3A_85 : memref<128x128xf32, #tpu.memory_space<hbm>>) dst(%arg8 : memref<128x128xf32, #tpu.memory_space<vmem>>)
        %mul3A_86 = arith.constant 2 : i32
        %mul3A_87 = arith.muli %mul3A_86, %scan3A_78 : i32
        "tpu.region"() ({
          %run_scoped3A_119 = tpu.sem_alloc : memref<!tpu.dma_semaphore, #tpu.memory_space<semaphore_mem>>
          %dma_start3A_120 = arith.constant 0 : i32
          %dma_start3A_121 = tpu.memref_slice %arg7[%mul3A_87, %dma_start3A_120] : memref<8x128xi32, #tpu.memory_space<vmem>> -> memref<1x128xi32, #tpu.memory_space<vmem>>
          %dma_start3A_122 = tpu.memref_squeeze %dma_start3A_121 : memref<1x128xi32, #tpu.memory_space<vmem>> -> memref<128xi32, #tpu.memory_space<vmem>>
          %dma_start3A_123 = arith.constant 0 : i32
          %dma_start3A_124 = arith.constant 0 : i32
          %dma_start3A_125 = tpu.memref_slice %arg10[%dma_start3A_123, %dma_start3A_124] : memref<10240x128xf32, #tpu.memory_space<vmem_shared>> -> memref<10240x128xf32, #tpu.memory_space<vmem_shared>>
          tpu.enqueue_indirect_dma source(%arg8 : memref<128x128xf32, #tpu.memory_space<vmem>>) target(%dma_start3A_125 : memref<10240x128xf32, #tpu.memory_space<vmem_shared>>) offsets(%dma_start3A_122 : memref<128xi32, #tpu.memory_space<vmem>>) semaphore(%run_scoped3A_119 : memref<!tpu.dma_semaphore, #tpu.memory_space<semaphore_mem>>) {add = true}
          %dma_wait3A_126 = arith.constant 0 : i32
          %dma_wait3A_127 = tpu.memref_slice %arg7[%mul3A_87, %dma_wait3A_126] : memref<8x128xi32, #tpu.memory_space<vmem>> -> memref<1x128xi32, #tpu.memory_space<vmem>>
          %dma_wait3A_128 = tpu.memref_squeeze %dma_wait3A_127 : memref<1x128xi32, #tpu.memory_space<vmem>> -> memref<128xi32, #tpu.memory_space<vmem>>
          %dma_wait3A_129 = arith.constant 0 : i32
          %dma_wait3A_130 = arith.constant 0 : i32
          %dma_wait3A_131 = tpu.memref_slice %arg10[%dma_wait3A_129, %dma_wait3A_130] : memref<10240x128xf32, #tpu.memory_space<vmem_shared>> -> memref<10240x128xf32, #tpu.memory_space<vmem_shared>>
          tpu.wait_indirect_dma semaphore(%run_scoped3A_119 : memref<!tpu.dma_semaphore, #tpu.memory_space<semaphore_mem>>) src(%arg8 : memref<128x128xf32, #tpu.memory_space<vmem>>) dst(%dma_wait3A_131 : memref<10240x128xf32, #tpu.memory_space<vmem_shared>>)
          tpu.yield
        }) : () -> ()
        %mul3A_88 = arith.constant 2 : i32
        %mul3A_89 = arith.muli %mul3A_88, %scan3A_78 : i32
        %add3A_90 = arith.constant 2 : i32
        %add3A_91 = arith.addi %mul3A_89, %add3A_90 : i32
        %dma_start3A_92 = arith.constant 0 : i32
        %dma_start3A_93 = tpu.memref_slice %arg6[%add3A_91, %dma_start3A_92] : memref<8x128xi32, #tpu.memory_space<vmem>> -> memref<1x128xi32, #tpu.memory_space<vmem>>
        %dma_start3A_94 = tpu.memref_squeeze %dma_start3A_93 : memref<1x128xi32, #tpu.memory_space<vmem>> -> memref<128xi32, #tpu.memory_space<vmem>>
        %dma_start3A_95 = arith.constant 0 : i32
        %dma_start3A_96 = arith.constant 0 : i32
        %dma_start3A_97 = tpu.memref_slice %arg2[%dma_start3A_95, %dma_start3A_96] : memref<10000x128xf32, #tpu.memory_space<hbm>> -> memref<10000x128xf32, #tpu.memory_space<hbm>>
        tpu.enqueue_indirect_dma source(%dma_start3A_97 : memref<10000x128xf32, #tpu.memory_space<hbm>>) target(%arg8 : memref<128x128xf32, #tpu.memory_space<vmem>>) offsets(%dma_start3A_94 : memref<128xi32, #tpu.memory_space<vmem>>) semaphore(%arg11 : memref<!tpu.dma_semaphore, #tpu.memory_space<semaphore_mem>>)
        %dma_wait3A_98 = arith.constant 0 : i32
        %dma_wait3A_99 = arith.constant 0 : i32
        %dma_wait3A_100 = tpu.memref_slice %arg2[%dma_wait3A_98, %dma_wait3A_99] : memref<10000x128xf32, #tpu.memory_space<hbm>> -> memref<128x128xf32, #tpu.memory_space<hbm>>
        %dma_wait3A_101 = arith.constant 0 : i32
        %dma_wait3A_102 = arith.constant 0 : i32
        %dma_wait3A_103 = tpu.memref_slice %arg2[%dma_wait3A_101, %dma_wait3A_102] : memref<10000x128xf32, #tpu.memory_space<hbm>> -> memref<128x128xf32, #tpu.memory_space<hbm>>
        tpu.wait_dma2 semaphore(%arg12 : memref<!tpu.dma_semaphore, #tpu.memory_space<semaphore_mem>>) src(%dma_wait3A_103 : memref<128x128xf32, #tpu.memory_space<hbm>>) dst(%arg9 : memref<128x128xf32, #tpu.memory_space<vmem>>)
        %mul3A_104 = arith.constant 2 : i32
        %mul3A_105 = arith.muli %mul3A_104, %scan3A_78 : i32
        %add3A_106 = arith.constant 1 : i32
        %add3A_107 = arith.addi %mul3A_105, %add3A_106 : i32
        "tpu.region"() ({
          %run_scoped3A_119 = tpu.sem_alloc : memref<!tpu.dma_semaphore, #tpu.memory_space<semaphore_mem>>
          %dma_start3A_120 = arith.constant 0 : i32
          %dma_start3A_121 = tpu.memref_slice %arg7[%add3A_107, %dma_start3A_120] : memref<8x128xi32, #tpu.memory_space<vmem>> -> memref<1x128xi32, #tpu.memory_space<vmem>>
          %dma_start3A_122 = tpu.memref_squeeze %dma_start3A_121 : memref<1x128xi32, #tpu.memory_space<vmem>> -> memref<128xi32, #tpu.memory_space<vmem>>
          %dma_start3A_123 = arith.constant 0 : i32
          %dma_start3A_124 = arith.constant 0 : i32
          %dma_start3A_125 = tpu.memref_slice %arg10[%dma_start3A_123, %dma_start3A_124] : memref<10240x128xf32, #tpu.memory_space<vmem_shared>> -> memref<10240x128xf32, #tpu.memory_space<vmem_shared>>
          tpu.enqueue_indirect_dma source(%arg9 : memref<128x128xf32, #tpu.memory_space<vmem>>) target(%dma_start3A_125 : memref<10240x128xf32, #tpu.memory_space<vmem_shared>>) offsets(%dma_start3A_122 : memref<128xi32, #tpu.memory_space<vmem>>) semaphore(%run_scoped3A_119 : memref<!tpu.dma_semaphore, #tpu.memory_space<semaphore_mem>>) {add = true}
          %dma_wait3A_126 = arith.constant 0 : i32
          %dma_wait3A_127 = tpu.memref_slice %arg7[%add3A_107, %dma_wait3A_126] : memref<8x128xi32, #tpu.memory_space<vmem>> -> memref<1x128xi32, #tpu.memory_space<vmem>>
          %dma_wait3A_128 = tpu.memref_squeeze %dma_wait3A_127 : memref<1x128xi32, #tpu.memory_space<vmem>> -> memref<128xi32, #tpu.memory_space<vmem>>
          %dma_wait3A_129 = arith.constant 0 : i32
          %dma_wait3A_130 = arith.constant 0 : i32
          %dma_wait3A_131 = tpu.memref_slice %arg10[%dma_wait3A_129, %dma_wait3A_130] : memref<10240x128xf32, #tpu.memory_space<vmem_shared>> -> memref<10240x128xf32, #tpu.memory_space<vmem_shared>>
          tpu.wait_indirect_dma semaphore(%run_scoped3A_119 : memref<!tpu.dma_semaphore, #tpu.memory_space<semaphore_mem>>) src(%arg9 : memref<128x128xf32, #tpu.memory_space<vmem>>) dst(%dma_wait3A_131 : memref<10240x128xf32, #tpu.memory_space<vmem_shared>>)
          tpu.yield
        }) : () -> ()
        %mul3A_108 = arith.constant 2 : i32
        %mul3A_109 = arith.muli %mul3A_108, %scan3A_78 : i32
        %add3A_110 = arith.constant 3 : i32
        %add3A_111 = arith.addi %mul3A_109, %add3A_110 : i32
        %dma_start3A_112 = arith.constant 0 : i32
        %dma_start3A_113 = tpu.memref_slice %arg6[%add3A_111, %dma_start3A_112] : memref<8x128xi32, #tpu.memory_space<vmem>> -> memref<1x128xi32, #tpu.memory_space<vmem>>
        %dma_start3A_114 = tpu.memref_squeeze %dma_start3A_113 : memref<1x128xi32, #tpu.memory_space<vmem>> -> memref<128xi32, #tpu.memory_space<vmem>>
        %dma_start3A_115 = arith.constant 0 : i32
        %dma_start3A_116 = arith.constant 0 : i32
        %dma_start3A_117 = tpu.memref_slice %arg2[%dma_start3A_115, %dma_start3A_116] : memref<10000x128xf32, #tpu.memory_space<hbm>> -> memref<10000x128xf32, #tpu.memory_space<hbm>>
        tpu.enqueue_indirect_dma source(%dma_start3A_117 : memref<10000x128xf32, #tpu.memory_space<hbm>>) target(%arg9 : memref<128x128xf32, #tpu.memory_space<vmem>>) offsets(%dma_start3A_114 : memref<128xi32, #tpu.memory_space<vmem>>) semaphore(%arg12 : memref<!tpu.dma_semaphore, #tpu.memory_space<semaphore_mem>>)
        %scan3A_118 = arith.constant 0 : i32
        scf.yield %scan3A_118 : i32
      }
      %scan3A_64 = arith.constant 3 : i32
      %dma_wait3A = arith.constant 0 : i32
      %dma_wait3A_65 = arith.constant 0 : i32
      %dma_wait3A_66 = tpu.memref_slice %arg2[%dma_wait3A, %dma_wait3A_65] : memref<10000x128xf32, #tpu.memory_space<hbm>> -> memref<128x128xf32, #tpu.memory_space<hbm>>
      %dma_wait3A_67 = arith.constant 0 : i32
      %dma_wait3A_68 = arith.constant 0 : i32
      %dma_wait3A_69 = tpu.memref_slice %arg2[%dma_wait3A_67, %dma_wait3A_68] : memref<10000x128xf32, #tpu.memory_space<hbm>> -> memref<128x128xf32, #tpu.memory_space<hbm>>
      tpu.wait_dma2 semaphore(%arg11 : memref<!tpu.dma_semaphore, #tpu.memory_space<semaphore_mem>>) src(%dma_wait3A_69 : memref<128x128xf32, #tpu.memory_space<hbm>>) dst(%arg8 : memref<128x128xf32, #tpu.memory_space<vmem>>)
      %run_scoped3A = arith.constant 6 : i32
      "tpu.region"() ({
        %run_scoped3A_78 = tpu.sem_alloc : memref<!tpu.dma_semaphore, #tpu.memory_space<semaphore_mem>>
        %dma_start3A_79 = arith.constant 0 : i32
        %dma_start3A_80 = tpu.memref_slice %arg7[%run_scoped3A, %dma_start3A_79] : memref<8x128xi32, #tpu.memory_space<vmem>> -> memref<1x128xi32, #tpu.memory_space<vmem>>
        %dma_start3A_81 = tpu.memref_squeeze %dma_start3A_80 : memref<1x128xi32, #tpu.memory_space<vmem>> -> memref<128xi32, #tpu.memory_space<vmem>>
        %dma_start3A_82 = arith.constant 0 : i32
        %dma_start3A_83 = arith.constant 0 : i32
        %dma_start3A_84 = tpu.memref_slice %arg10[%dma_start3A_82, %dma_start3A_83] : memref<10240x128xf32, #tpu.memory_space<vmem_shared>> -> memref<10240x128xf32, #tpu.memory_space<vmem_shared>>
        tpu.enqueue_indirect_dma source(%arg8 : memref<128x128xf32, #tpu.memory_space<vmem>>) target(%dma_start3A_84 : memref<10240x128xf32, #tpu.memory_space<vmem_shared>>) offsets(%dma_start3A_81 : memref<128xi32, #tpu.memory_space<vmem>>) semaphore(%run_scoped3A_78 : memref<!tpu.dma_semaphore, #tpu.memory_space<semaphore_mem>>) {add = true}
        %dma_wait3A_85 = arith.constant 0 : i32
        %dma_wait3A_86 = tpu.memref_slice %arg7[%run_scoped3A, %dma_wait3A_85] : memref<8x128xi32, #tpu.memory_space<vmem>> -> memref<1x128xi32, #tpu.memory_space<vmem>>
        %dma_wait3A_87 = tpu.memref_squeeze %dma_wait3A_86 : memref<1x128xi32, #tpu.memory_space<vmem>> -> memref<128xi32, #tpu.memory_space<vmem>>
        %dma_wait3A_88 = arith.constant 0 : i32
        %dma_wait3A_89 = arith.constant 0 : i32
        %dma_wait3A_90 = tpu.memref_slice %arg10[%dma_wait3A_88, %dma_wait3A_89] : memref<10240x128xf32, #tpu.memory_space<vmem_shared>> -> memref<10240x128xf32, #tpu.memory_space<vmem_shared>>
        tpu.wait_indirect_dma semaphore(%run_scoped3A_78 : memref<!tpu.dma_semaphore, #tpu.memory_space<semaphore_mem>>) src(%arg8 : memref<128x128xf32, #tpu.memory_space<vmem>>) dst(%dma_wait3A_90 : memref<10240x128xf32, #tpu.memory_space<vmem_shared>>)
        tpu.yield
      }) : () -> ()
      %dma_wait3A_70 = arith.constant 0 : i32
      %dma_wait3A_71 = arith.constant 0 : i32
      %dma_wait3A_72 = tpu.memref_slice %arg2[%dma_wait3A_70, %dma_wait3A_71] : memref<10000x128xf32, #tpu.memory_space<hbm>> -> memref<128x128xf32, #tpu.memory_space<hbm>>
      %dma_wait3A_73 = arith.constant 0 : i32
      %dma_wait3A_74 = arith.constant 0 : i32
      %dma_wait3A_75 = tpu.memref_slice %arg2[%dma_wait3A_73, %dma_wait3A_74] : memref<10000x128xf32, #tpu.memory_space<hbm>> -> memref<128x128xf32, #tpu.memory_space<hbm>>
      tpu.wait_dma2 semaphore(%arg12 : memref<!tpu.dma_semaphore, #tpu.memory_space<semaphore_mem>>) src(%dma_wait3A_75 : memref<128x128xf32, #tpu.memory_space<hbm>>) dst(%arg9 : memref<128x128xf32, #tpu.memory_space<vmem>>)
      %run_scoped3A_76 = arith.constant 7 : i32
      "tpu.region"() ({
        %run_scoped3A_78 = tpu.sem_alloc : memref<!tpu.dma_semaphore, #tpu.memory_space<semaphore_mem>>
        %dma_start3A_79 = arith.constant 0 : i32
        %dma_start3A_80 = tpu.memref_slice %arg7[%run_scoped3A_76, %dma_start3A_79] : memref<8x128xi32, #tpu.memory_space<vmem>> -> memref<1x128xi32, #tpu.memory_space<vmem>>
        %dma_start3A_81 = tpu.memref_squeeze %dma_start3A_80 : memref<1x128xi32, #tpu.memory_space<vmem>> -> memref<128xi32, #tpu.memory_space<vmem>>
        %dma_start3A_82 = arith.constant 0 : i32
        %dma_start3A_83 = arith.constant 0 : i32
        %dma_start3A_84 = tpu.memref_slice %arg10[%dma_start3A_82, %dma_start3A_83] : memref<10240x128xf32, #tpu.memory_space<vmem_shared>> -> memref<10240x128xf32, #tpu.memory_space<vmem_shared>>
        tpu.enqueue_indirect_dma source(%arg9 : memref<128x128xf32, #tpu.memory_space<vmem>>) target(%dma_start3A_84 : memref<10240x128xf32, #tpu.memory_space<vmem_shared>>) offsets(%dma_start3A_81 : memref<128xi32, #tpu.memory_space<vmem>>) semaphore(%run_scoped3A_78 : memref<!tpu.dma_semaphore, #tpu.memory_space<semaphore_mem>>) {add = true}
        %dma_wait3A_85 = arith.constant 0 : i32
        %dma_wait3A_86 = tpu.memref_slice %arg7[%run_scoped3A_76, %dma_wait3A_85] : memref<8x128xi32, #tpu.memory_space<vmem>> -> memref<1x128xi32, #tpu.memory_space<vmem>>
        %dma_wait3A_87 = tpu.memref_squeeze %dma_wait3A_86 : memref<1x128xi32, #tpu.memory_space<vmem>> -> memref<128xi32, #tpu.memory_space<vmem>>
        %dma_wait3A_88 = arith.constant 0 : i32
        %dma_wait3A_89 = arith.constant 0 : i32
        %dma_wait3A_90 = tpu.memref_slice %arg10[%dma_wait3A_88, %dma_wait3A_89] : memref<10240x128xf32, #tpu.memory_space<vmem_shared>> -> memref<10240x128xf32, #tpu.memory_space<vmem_shared>>
        tpu.wait_indirect_dma semaphore(%run_scoped3A_78 : memref<!tpu.dma_semaphore, #tpu.memory_space<semaphore_mem>>) src(%arg9 : memref<128x128xf32, #tpu.memory_space<vmem>>) dst(%dma_wait3A_90 : memref<10240x128xf32, #tpu.memory_space<vmem_shared>>)
        tpu.yield
      }) : () -> ()
      %while3A_77 = arith.constant 0 : i32
      scf.yield %while3A_77 : i32
    }
    %while3A_34 = arith.constant 1 : i32
    %while3A_35 = scf.for %while3A_40 = %while3A_31 to %while3A_27 step %while3A_34 iter_args(%while3A_41 = %while3A_33) -> (i32)  : i32 {
      %mul3A_42 = arith.constant 8 : i32
      %mul3A_43 = arith.muli %while3A_40, %mul3A_42 : i32
      %add3A_44 = arith.addi %select_n3A, %mul3A_43 : i32
      "tpu.region"() ({
        %run_scoped3A_78 = tpu.sem_alloc : memref<!tpu.dma_semaphore, #tpu.memory_space<semaphore_mem>>
        %dma_start3A_79 = arith.constant 0 : i32
        %dma_start3A_80 = tpu.memref_slice %arg3[%add3A_44, %dma_start3A_79] : memref<2560x128xi32, #tpu.memory_space<hbm>> -> memref<8x128xi32, #tpu.memory_space<hbm>>
        %dma_start3A_81 = arith.constant 0 : i32
        %dma_start3A_82 = tpu.memref_slice %arg3[%add3A_44, %dma_start3A_81] : memref<2560x128xi32, #tpu.memory_space<hbm>> -> memref<8x128xi32, #tpu.memory_space<hbm>>
        tpu.enqueue_dma source(%dma_start3A_82 : memref<8x128xi32, #tpu.memory_space<hbm>>) target(%arg6 : memref<8x128xi32, #tpu.memory_space<vmem>>) target_semaphore(%run_scoped3A_78 : memref<!tpu.dma_semaphore, #tpu.memory_space<semaphore_mem>>)
        %dma_wait3A_83 = arith.constant 0 : i32
        %dma_wait3A_84 = tpu.memref_slice %arg3[%add3A_44, %dma_wait3A_83] : memref<2560x128xi32, #tpu.memory_space<hbm>> -> memref<8x128xi32, #tpu.memory_space<hbm>>
        %dma_wait3A_85 = arith.constant 0 : i32
        %dma_wait3A_86 = tpu.memref_slice %arg3[%add3A_44, %dma_wait3A_85] : memref<2560x128xi32, #tpu.memory_space<hbm>> -> memref<8x128xi32, #tpu.memory_space<hbm>>
        tpu.wait_dma2 semaphore(%run_scoped3A_78 : memref<!tpu.dma_semaphore, #tpu.memory_space<semaphore_mem>>) src(%dma_wait3A_86 : memref<8x128xi32, #tpu.memory_space<hbm>>) dst(%arg6 : memref<8x128xi32, #tpu.memory_space<vmem>>)
        tpu.yield
      }) : () -> ()
      "tpu.region"() ({
        %run_scoped3A_78 = tpu.sem_alloc : memref<!tpu.dma_semaphore, #tpu.memory_space<semaphore_mem>>
        %dma_start3A_79 = arith.constant 0 : i32
        %dma_start3A_80 = tpu.memref_slice %arg4[%add3A_44, %dma_start3A_79] : memref<2560x128xi32, #tpu.memory_space<hbm>> -> memref<8x128xi32, #tpu.memory_space<hbm>>
        %dma_start3A_81 = arith.constant 0 : i32
        %dma_start3A_82 = tpu.memref_slice %arg4[%add3A_44, %dma_start3A_81] : memref<2560x128xi32, #tpu.memory_space<hbm>> -> memref<8x128xi32, #tpu.memory_space<hbm>>
        tpu.enqueue_dma source(%dma_start3A_82 : memref<8x128xi32, #tpu.memory_space<hbm>>) target(%arg7 : memref<8x128xi32, #tpu.memory_space<vmem>>) target_semaphore(%run_scoped3A_78 : memref<!tpu.dma_semaphore, #tpu.memory_space<semaphore_mem>>)
        %dma_wait3A_83 = arith.constant 0 : i32
        %dma_wait3A_84 = tpu.memref_slice %arg4[%add3A_44, %dma_wait3A_83] : memref<2560x128xi32, #tpu.memory_space<hbm>> -> memref<8x128xi32, #tpu.memory_space<hbm>>
        %dma_wait3A_85 = arith.constant 0 : i32
        %dma_wait3A_86 = tpu.memref_slice %arg4[%add3A_44, %dma_wait3A_85] : memref<2560x128xi32, #tpu.memory_space<hbm>> -> memref<8x128xi32, #tpu.memory_space<hbm>>
        tpu.wait_dma2 semaphore(%run_scoped3A_78 : memref<!tpu.dma_semaphore, #tpu.memory_space<semaphore_mem>>) src(%dma_wait3A_86 : memref<8x128xi32, #tpu.memory_space<hbm>>) dst(%arg7 : memref<8x128xi32, #tpu.memory_space<vmem>>)
        tpu.yield
      }) : () -> ()
      %dma_start3A = arith.constant 0 : i32
      %dma_start3A_45 = arith.constant 0 : i32
      %dma_start3A_46 = tpu.memref_slice %arg6[%dma_start3A, %dma_start3A_45] : memref<8x128xi32, #tpu.memory_space<vmem>> -> memref<1x128xi32, #tpu.memory_space<vmem>>
      %dma_start3A_47 = tpu.memref_squeeze %dma_start3A_46 : memref<1x128xi32, #tpu.memory_space<vmem>> -> memref<128xi32, #tpu.memory_space<vmem>>
      %dma_start3A_48 = arith.constant 0 : i32
      %dma_start3A_49 = arith.constant 0 : i32
      %dma_start3A_50 = tpu.memref_slice %arg2[%dma_start3A_48, %dma_start3A_49] : memref<10000x128xf32, #tpu.memory_space<hbm>> -> memref<10000x128xf32, #tpu.memory_space<hbm>>
      tpu.enqueue_indirect_dma source(%dma_start3A_50 : memref<10000x128xf32, #tpu.memory_space<hbm>>) target(%arg8 : memref<128x128xf32, #tpu.memory_space<vmem>>) offsets(%dma_start3A_47 : memref<128xi32, #tpu.memory_space<vmem>>) semaphore(%arg11 : memref<!tpu.dma_semaphore, #tpu.memory_space<semaphore_mem>>)
      %dma_start3A_51 = arith.constant 1 : i32
      %dma_start3A_52 = arith.constant 0 : i32
      %dma_start3A_53 = tpu.memref_slice %arg6[%dma_start3A_51, %dma_start3A_52] : memref<8x128xi32, #tpu.memory_space<vmem>> -> memref<1x128xi32, #tpu.memory_space<vmem>>
      %dma_start3A_54 = tpu.memref_squeeze %dma_start3A_53 : memref<1x128xi32, #tpu.memory_space<vmem>> -> memref<128xi32, #tpu.memory_space<vmem>>
      %dma_start3A_55 = arith.constant 0 : i32
      %dma_start3A_56 = arith.constant 0 : i32
      %dma_start3A_57 = tpu.memref_slice %arg2[%dma_start3A_55, %dma_start3A_56] : memref<10000x128xf32, #tpu.memory_space<hbm>> -> memref<10000x128xf32, #tpu.memory_space<hbm>>
      tpu.enqueue_indirect_dma source(%dma_start3A_57 : memref<10000x128xf32, #tpu.memory_space<hbm>>) target(%arg9 : memref<128x128xf32, #tpu.memory_space<vmem>>) offsets(%dma_start3A_54 : memref<128xi32, #tpu.memory_space<vmem>>) semaphore(%arg12 : memref<!tpu.dma_semaphore, #tpu.memory_space<semaphore_mem>>)
      %scan3A_58 = arith.constant 0 : i32
      %scan3A_59 = arith.constant 0 : i32
      %scan3A_60 = arith.constant 3 : i32
      %scan3A_61 = arith.addi %scan3A_59, %scan3A_60 : i32
      %scan3A_62 = arith.constant 1 : i32
      %scan3A_63 = scf.for %scan3A_78 = %scan3A_59 to %scan3A_61 step %scan3A_62 iter_args(%scan3A_79 = %scan3A_58) -> (i32)  : i32 {
        %dma_wait3A_80 = arith.constant 0 : i32
        %dma_wait3A_81 = arith.constant 0 : i32
        %dma_wait3A_82 = tpu.memref_slice %arg2[%dma_wait3A_80, %dma_wait3A_81] : memref<10000x128xf32, #tpu.memory_space<hbm>> -> memref<128x128xf32, #tpu.memory_space<hbm>>
        %dma_wait3A_83 = arith.constant 0 : i32
        %dma_wait3A_84 = arith.constant 0 : i32
        %dma_wait3A_85 = tpu.memref_slice %arg2[%dma_wait3A_83, %dma_wait3A_84] : memref<10000x128xf32, #tpu.memory_space<hbm>> -> memref<128x128xf32, #tpu.memory_space<hbm>>
        tpu.wait_dma2 semaphore(%arg11 : memref<!tpu.dma_semaphore, #tpu.memory_space<semaphore_mem>>) src(%dma_wait3A_85 : memref<128x128xf32, #tpu.memory_space<hbm>>) dst(%arg8 : memref<128x128xf32, #tpu.memory_space<vmem>>)
        %mul3A_86 = arith.constant 2 : i32
        %mul3A_87 = arith.muli %mul3A_86, %scan3A_78 : i32
        "tpu.region"() ({
          %run_scoped3A_119 = tpu.sem_alloc : memref<!tpu.dma_semaphore, #tpu.memory_space<semaphore_mem>>
          %dma_start3A_120 = arith.constant 0 : i32
          %dma_start3A_121 = tpu.memref_slice %arg7[%mul3A_87, %dma_start3A_120] : memref<8x128xi32, #tpu.memory_space<vmem>> -> memref<1x128xi32, #tpu.memory_space<vmem>>
          %dma_start3A_122 = tpu.memref_squeeze %dma_start3A_121 : memref<1x128xi32, #tpu.memory_space<vmem>> -> memref<128xi32, #tpu.memory_space<vmem>>
          %dma_start3A_123 = arith.constant 0 : i32
          %dma_start3A_124 = arith.constant 0 : i32
          %dma_start3A_125 = tpu.memref_slice %arg10[%dma_start3A_123, %dma_start3A_124] : memref<10240x128xf32, #tpu.memory_space<vmem_shared>> -> memref<10240x128xf32, #tpu.memory_space<vmem_shared>>
          tpu.enqueue_indirect_dma source(%arg8 : memref<128x128xf32, #tpu.memory_space<vmem>>) target(%dma_start3A_125 : memref<10240x128xf32, #tpu.memory_space<vmem_shared>>) offsets(%dma_start3A_122 : memref<128xi32, #tpu.memory_space<vmem>>) semaphore(%run_scoped3A_119 : memref<!tpu.dma_semaphore, #tpu.memory_space<semaphore_mem>>) {add = true}
          %dma_wait3A_126 = arith.constant 0 : i32
          %dma_wait3A_127 = tpu.memref_slice %arg7[%mul3A_87, %dma_wait3A_126] : memref<8x128xi32, #tpu.memory_space<vmem>> -> memref<1x128xi32, #tpu.memory_space<vmem>>
          %dma_wait3A_128 = tpu.memref_squeeze %dma_wait3A_127 : memref<1x128xi32, #tpu.memory_space<vmem>> -> memref<128xi32, #tpu.memory_space<vmem>>
          %dma_wait3A_129 = arith.constant 0 : i32
          %dma_wait3A_130 = arith.constant 0 : i32
          %dma_wait3A_131 = tpu.memref_slice %arg10[%dma_wait3A_129, %dma_wait3A_130] : memref<10240x128xf32, #tpu.memory_space<vmem_shared>> -> memref<10240x128xf32, #tpu.memory_space<vmem_shared>>
          tpu.wait_indirect_dma semaphore(%run_scoped3A_119 : memref<!tpu.dma_semaphore, #tpu.memory_space<semaphore_mem>>) src(%arg8 : memref<128x128xf32, #tpu.memory_space<vmem>>) dst(%dma_wait3A_131 : memref<10240x128xf32, #tpu.memory_space<vmem_shared>>)
          tpu.yield
        }) : () -> ()
        %mul3A_88 = arith.constant 2 : i32
        %mul3A_89 = arith.muli %mul3A_88, %scan3A_78 : i32
        %add3A_90 = arith.constant 2 : i32
        %add3A_91 = arith.addi %mul3A_89, %add3A_90 : i32
        %dma_start3A_92 = arith.constant 0 : i32
        %dma_start3A_93 = tpu.memref_slice %arg6[%add3A_91, %dma_start3A_92] : memref<8x128xi32, #tpu.memory_space<vmem>> -> memref<1x128xi32, #tpu.memory_space<vmem>>
        %dma_start3A_94 = tpu.memref_squeeze %dma_start3A_93 : memref<1x128xi32, #tpu.memory_space<vmem>> -> memref<128xi32, #tpu.memory_space<vmem>>
        %dma_start3A_95 = arith.constant 0 : i32
        %dma_start3A_96 = arith.constant 0 : i32
        %dma_start3A_97 = tpu.memref_slice %arg2[%dma_start3A_95, %dma_start3A_96] : memref<10000x128xf32, #tpu.memory_space<hbm>> -> memref<10000x128xf32, #tpu.memory_space<hbm>>
        tpu.enqueue_indirect_dma source(%dma_start3A_97 : memref<10000x128xf32, #tpu.memory_space<hbm>>) target(%arg8 : memref<128x128xf32, #tpu.memory_space<vmem>>) offsets(%dma_start3A_94 : memref<128xi32, #tpu.memory_space<vmem>>) semaphore(%arg11 : memref<!tpu.dma_semaphore, #tpu.memory_space<semaphore_mem>>)
        %dma_wait3A_98 = arith.constant 0 : i32
        %dma_wait3A_99 = arith.constant 0 : i32
        %dma_wait3A_100 = tpu.memref_slice %arg2[%dma_wait3A_98, %dma_wait3A_99] : memref<10000x128xf32, #tpu.memory_space<hbm>> -> memref<128x128xf32, #tpu.memory_space<hbm>>
        %dma_wait3A_101 = arith.constant 0 : i32
        %dma_wait3A_102 = arith.constant 0 : i32
        %dma_wait3A_103 = tpu.memref_slice %arg2[%dma_wait3A_101, %dma_wait3A_102] : memref<10000x128xf32, #tpu.memory_space<hbm>> -> memref<128x128xf32, #tpu.memory_space<hbm>>
        tpu.wait_dma2 semaphore(%arg12 : memref<!tpu.dma_semaphore, #tpu.memory_space<semaphore_mem>>) src(%dma_wait3A_103 : memref<128x128xf32, #tpu.memory_space<hbm>>) dst(%arg9 : memref<128x128xf32, #tpu.memory_space<vmem>>)
        %mul3A_104 = arith.constant 2 : i32
        %mul3A_105 = arith.muli %mul3A_104, %scan3A_78 : i32
        %add3A_106 = arith.constant 1 : i32
        %add3A_107 = arith.addi %mul3A_105, %add3A_106 : i32
        "tpu.region"() ({
          %run_scoped3A_119 = tpu.sem_alloc : memref<!tpu.dma_semaphore, #tpu.memory_space<semaphore_mem>>
          %dma_start3A_120 = arith.constant 0 : i32
          %dma_start3A_121 = tpu.memref_slice %arg7[%add3A_107, %dma_start3A_120] : memref<8x128xi32, #tpu.memory_space<vmem>> -> memref<1x128xi32, #tpu.memory_space<vmem>>
          %dma_start3A_122 = tpu.memref_squeeze %dma_start3A_121 : memref<1x128xi32, #tpu.memory_space<vmem>> -> memref<128xi32, #tpu.memory_space<vmem>>
          %dma_start3A_123 = arith.constant 0 : i32
          %dma_start3A_124 = arith.constant 0 : i32
          %dma_start3A_125 = tpu.memref_slice %arg10[%dma_start3A_123, %dma_start3A_124] : memref<10240x128xf32, #tpu.memory_space<vmem_shared>> -> memref<10240x128xf32, #tpu.memory_space<vmem_shared>>
          tpu.enqueue_indirect_dma source(%arg9 : memref<128x128xf32, #tpu.memory_space<vmem>>) target(%dma_start3A_125 : memref<10240x128xf32, #tpu.memory_space<vmem_shared>>) offsets(%dma_start3A_122 : memref<128xi32, #tpu.memory_space<vmem>>) semaphore(%run_scoped3A_119 : memref<!tpu.dma_semaphore, #tpu.memory_space<semaphore_mem>>) {add = true}
          %dma_wait3A_126 = arith.constant 0 : i32
          %dma_wait3A_127 = tpu.memref_slice %arg7[%add3A_107, %dma_wait3A_126] : memref<8x128xi32, #tpu.memory_space<vmem>> -> memref<1x128xi32, #tpu.memory_space<vmem>>
          %dma_wait3A_128 = tpu.memref_squeeze %dma_wait3A_127 : memref<1x128xi32, #tpu.memory_space<vmem>> -> memref<128xi32, #tpu.memory_space<vmem>>
          %dma_wait3A_129 = arith.constant 0 : i32
          %dma_wait3A_130 = arith.constant 0 : i32
          %dma_wait3A_131 = tpu.memref_slice %arg10[%dma_wait3A_129, %dma_wait3A_130] : memref<10240x128xf32, #tpu.memory_space<vmem_shared>> -> memref<10240x128xf32, #tpu.memory_space<vmem_shared>>
          tpu.wait_indirect_dma semaphore(%run_scoped3A_119 : memref<!tpu.dma_semaphore, #tpu.memory_space<semaphore_mem>>) src(%arg9 : memref<128x128xf32, #tpu.memory_space<vmem>>) dst(%dma_wait3A_131 : memref<10240x128xf32, #tpu.memory_space<vmem_shared>>)
          tpu.yield
        }) : () -> ()
        %mul3A_108 = arith.constant 2 : i32
        %mul3A_109 = arith.muli %mul3A_108, %scan3A_78 : i32
        %add3A_110 = arith.constant 3 : i32
        %add3A_111 = arith.addi %mul3A_109, %add3A_110 : i32
        %dma_start3A_112 = arith.constant 0 : i32
        %dma_start3A_113 = tpu.memref_slice %arg6[%add3A_111, %dma_start3A_112] : memref<8x128xi32, #tpu.memory_space<vmem>> -> memref<1x128xi32, #tpu.memory_space<vmem>>
        %dma_start3A_114 = tpu.memref_squeeze %dma_start3A_113 : memref<1x128xi32, #tpu.memory_space<vmem>> -> memref<128xi32, #tpu.memory_space<vmem>>
        %dma_start3A_115 = arith.constant 0 : i32
        %dma_start3A_116 = arith.constant 0 : i32
        %dma_start3A_117 = tpu.memref_slice %arg2[%dma_start3A_115, %dma_start3A_116] : memref<10000x128xf32, #tpu.memory_space<hbm>> -> memref<10000x128xf32, #tpu.memory_space<hbm>>
        tpu.enqueue_indirect_dma source(%dma_start3A_117 : memref<10000x128xf32, #tpu.memory_space<hbm>>) target(%arg9 : memref<128x128xf32, #tpu.memory_space<vmem>>) offsets(%dma_start3A_114 : memref<128xi32, #tpu.memory_space<vmem>>) semaphore(%arg12 : memref<!tpu.dma_semaphore, #tpu.memory_space<semaphore_mem>>)
        %scan3A_118 = arith.constant 0 : i32
        scf.yield %scan3A_118 : i32
      }
      %scan3A_64 = arith.constant 3 : i32
      %dma_wait3A = arith.constant 0 : i32
      %dma_wait3A_65 = arith.constant 0 : i32
      %dma_wait3A_66 = tpu.memref_slice %arg2[%dma_wait3A, %dma_wait3A_65] : memref<10000x128xf32, #tpu.memory_space<hbm>> -> memref<128x128xf32, #tpu.memory_space<hbm>>
      %dma_wait3A_67 = arith.constant 0 : i32
      %dma_wait3A_68 = arith.constant 0 : i32
      %dma_wait3A_69 = tpu.memref_slice %arg2[%dma_wait3A_67, %dma_wait3A_68] : memref<10000x128xf32, #tpu.memory_space<hbm>> -> memref<128x128xf32, #tpu.memory_space<hbm>>
      tpu.wait_dma2 semaphore(%arg11 : memref<!tpu.dma_semaphore, #tpu.memory_space<semaphore_mem>>) src(%dma_wait3A_69 : memref<128x128xf32, #tpu.memory_space<hbm>>) dst(%arg8 : memref<128x128xf32, #tpu.memory_space<vmem>>)
      %run_scoped3A = arith.constant 6 : i32
      "tpu.region"() ({
        %run_scoped3A_78 = tpu.sem_alloc : memref<!tpu.dma_semaphore, #tpu.memory_space<semaphore_mem>>
        %dma_start3A_79 = arith.constant 0 : i32
        %dma_start3A_80 = tpu.memref_slice %arg7[%run_scoped3A, %dma_start3A_79] : memref<8x128xi32, #tpu.memory_space<vmem>> -> memref<1x128xi32, #tpu.memory_space<vmem>>
        %dma_start3A_81 = tpu.memref_squeeze %dma_start3A_80 : memref<1x128xi32, #tpu.memory_space<vmem>> -> memref<128xi32, #tpu.memory_space<vmem>>
        %dma_start3A_82 = arith.constant 0 : i32
        %dma_start3A_83 = arith.constant 0 : i32
        %dma_start3A_84 = tpu.memref_slice %arg10[%dma_start3A_82, %dma_start3A_83] : memref<10240x128xf32, #tpu.memory_space<vmem_shared>> -> memref<10240x128xf32, #tpu.memory_space<vmem_shared>>
        tpu.enqueue_indirect_dma source(%arg8 : memref<128x128xf32, #tpu.memory_space<vmem>>) target(%dma_start3A_84 : memref<10240x128xf32, #tpu.memory_space<vmem_shared>>) offsets(%dma_start3A_81 : memref<128xi32, #tpu.memory_space<vmem>>) semaphore(%run_scoped3A_78 : memref<!tpu.dma_semaphore, #tpu.memory_space<semaphore_mem>>) {add = true}
        %dma_wait3A_85 = arith.constant 0 : i32
        %dma_wait3A_86 = tpu.memref_slice %arg7[%run_scoped3A, %dma_wait3A_85] : memref<8x128xi32, #tpu.memory_space<vmem>> -> memref<1x128xi32, #tpu.memory_space<vmem>>
        %dma_wait3A_87 = tpu.memref_squeeze %dma_wait3A_86 : memref<1x128xi32, #tpu.memory_space<vmem>> -> memref<128xi32, #tpu.memory_space<vmem>>
        %dma_wait3A_88 = arith.constant 0 : i32
        %dma_wait3A_89 = arith.constant 0 : i32
        %dma_wait3A_90 = tpu.memref_slice %arg10[%dma_wait3A_88, %dma_wait3A_89] : memref<10240x128xf32, #tpu.memory_space<vmem_shared>> -> memref<10240x128xf32, #tpu.memory_space<vmem_shared>>
        tpu.wait_indirect_dma semaphore(%run_scoped3A_78 : memref<!tpu.dma_semaphore, #tpu.memory_space<semaphore_mem>>) src(%arg8 : memref<128x128xf32, #tpu.memory_space<vmem>>) dst(%dma_wait3A_90 : memref<10240x128xf32, #tpu.memory_space<vmem_shared>>)
        tpu.yield
      }) : () -> ()
      %dma_wait3A_70 = arith.constant 0 : i32
      %dma_wait3A_71 = arith.constant 0 : i32
      %dma_wait3A_72 = tpu.memref_slice %arg2[%dma_wait3A_70, %dma_wait3A_71] : memref<10000x128xf32, #tpu.memory_space<hbm>> -> memref<128x128xf32, #tpu.memory_space<hbm>>
      %dma_wait3A_73 = arith.constant 0 : i32
      %dma_wait3A_74 = arith.constant 0 : i32
      %dma_wait3A_75 = tpu.memref_slice %arg2[%dma_wait3A_73, %dma_wait3A_74] : memref<10000x128xf32, #tpu.memory_space<hbm>> -> memref<128x128xf32, #tpu.memory_space<hbm>>
      tpu.wait_dma2 semaphore(%arg12 : memref<!tpu.dma_semaphore, #tpu.memory_space<semaphore_mem>>) src(%dma_wait3A_75 : memref<128x128xf32, #tpu.memory_space<hbm>>) dst(%arg9 : memref<128x128xf32, #tpu.memory_space<vmem>>)
      %run_scoped3A_76 = arith.constant 7 : i32
      "tpu.region"() ({
        %run_scoped3A_78 = tpu.sem_alloc : memref<!tpu.dma_semaphore, #tpu.memory_space<semaphore_mem>>
        %dma_start3A_79 = arith.constant 0 : i32
        %dma_start3A_80 = tpu.memref_slice %arg7[%run_scoped3A_76, %dma_start3A_79] : memref<8x128xi32, #tpu.memory_space<vmem>> -> memref<1x128xi32, #tpu.memory_space<vmem>>
        %dma_start3A_81 = tpu.memref_squeeze %dma_start3A_80 : memref<1x128xi32, #tpu.memory_space<vmem>> -> memref<128xi32, #tpu.memory_space<vmem>>
        %dma_start3A_82 = arith.constant 0 : i32
        %dma_start3A_83 = arith.constant 0 : i32
        %dma_start3A_84 = tpu.memref_slice %arg10[%dma_start3A_82, %dma_start3A_83] : memref<10240x128xf32, #tpu.memory_space<vmem_shared>> -> memref<10240x128xf32, #tpu.memory_space<vmem_shared>>
        tpu.enqueue_indirect_dma source(%arg9 : memref<128x128xf32, #tpu.memory_space<vmem>>) target(%dma_start3A_84 : memref<10240x128xf32, #tpu.memory_space<vmem_shared>>) offsets(%dma_start3A_81 : memref<128xi32, #tpu.memory_space<vmem>>) semaphore(%run_scoped3A_78 : memref<!tpu.dma_semaphore, #tpu.memory_space<semaphore_mem>>) {add = true}
        %dma_wait3A_85 = arith.constant 0 : i32
        %dma_wait3A_86 = tpu.memref_slice %arg7[%run_scoped3A_76, %dma_wait3A_85] : memref<8x128xi32, #tpu.memory_space<vmem>> -> memref<1x128xi32, #tpu.memory_space<vmem>>
        %dma_wait3A_87 = tpu.memref_squeeze %dma_wait3A_86 : memref<1x128xi32, #tpu.memory_space<vmem>> -> memref<128xi32, #tpu.memory_space<vmem>>
        %dma_wait3A_88 = arith.constant 0 : i32
        %dma_wait3A_89 = arith.constant 0 : i32
        %dma_wait3A_90 = tpu.memref_slice %arg10[%dma_wait3A_88, %dma_wait3A_89] : memref<10240x128xf32, #tpu.memory_space<vmem_shared>> -> memref<10240x128xf32, #tpu.memory_space<vmem_shared>>
        tpu.wait_indirect_dma semaphore(%run_scoped3A_78 : memref<!tpu.dma_semaphore, #tpu.memory_space<semaphore_mem>>) src(%arg9 : memref<128x128xf32, #tpu.memory_space<vmem>>) dst(%dma_wait3A_90 : memref<10240x128xf32, #tpu.memory_space<vmem_shared>>)
        tpu.yield
      }) : () -> ()
      %while3A_77 = arith.constant 0 : i32
      scf.yield %while3A_77 : i32
    }
    %barrier3A_36 = arith.constant 0 : index
    tpu.barrier barrier_id(%barrier3A_36)
    %mul3A_37 = arith.constant 10240 : i32
    %mul3A_38 = arith.muli %arg0, %mul3A_37 : i32
    %add3A_39 = arith.addi %mul3A_38, %mul3A_0 : i32
    "tpu.region"() ({
      %run_scoped3A = tpu.sem_alloc : memref<!tpu.dma_semaphore, #tpu.memory_space<semaphore_mem>>
      %dma_start3A = arith.constant 0 : i32
      %dma_start3A_40 = tpu.memref_slice %arg5[%add3A_39, %dma_start3A] : memref<20480x128xf32, #tpu.memory_space<hbm>> -> memref<640x128xf32, #tpu.memory_space<hbm>>
      %dma_start3A_41 = arith.constant 0 : i32
      %dma_start3A_42 = tpu.memref_slice %arg10[%mul3A_0, %dma_start3A_41] : memref<10240x128xf32, #tpu.memory_space<vmem_shared>> -> memref<640x128xf32, #tpu.memory_space<vmem_shared>>
      tpu.enqueue_dma source(%dma_start3A_42 : memref<640x128xf32, #tpu.memory_space<vmem_shared>>) target(%dma_start3A_40 : memref<640x128xf32, #tpu.memory_space<hbm>>) target_semaphore(%run_scoped3A : memref<!tpu.dma_semaphore, #tpu.memory_space<semaphore_mem>>)
      %dma_wait3A = arith.constant 0 : i32
      %dma_wait3A_43 = tpu.memref_slice %arg5[%add3A_39, %dma_wait3A] : memref<20480x128xf32, #tpu.memory_space<hbm>> -> memref<640x128xf32, #tpu.memory_space<hbm>>
      %dma_wait3A_44 = arith.constant 0 : i32
      %dma_wait3A_45 = tpu.memref_slice %arg10[%mul3A_0, %dma_wait3A_44] : memref<10240x128xf32, #tpu.memory_space<vmem_shared>> -> memref<640x128xf32, #tpu.memory_space<vmem_shared>>
      tpu.wait_dma2 semaphore(%run_scoped3A : memref<!tpu.dma_semaphore, #tpu.memory_space<semaphore_mem>>) src(%dma_wait3A_45 : memref<640x128xf32, #tpu.memory_space<vmem_shared>>) dst(%dma_wait3A_43 : memref<640x128xf32, #tpu.memory_space<hbm>>)
      tpu.yield
    }) : () -> ()
    return
  }
}

#map = affine_map<(d0, d1) -> (0, 0)>
module attributes {stable_mosaic.version = 14 : i64} {
  func.func @body(%arg0: i32, %arg1: i32, %arg2: memref<10000x128xf32, #tpu.memory_space<hbm>>, %arg3: memref<2560x128xi32, #tpu.memory_space<hbm>>, %arg4: memref<2560x128xi32, #tpu.memory_space<hbm>>, %arg5: memref<20480x128xf32, #tpu.memory_space<hbm>>, %arg6: memref<8x128xi32, #tpu.memory_space<vmem>>, %arg7: memref<8x128xi32, #tpu.memory_space<vmem>>, %arg8: memref<128x128xf32, #tpu.memory_space<vmem>>, %arg9: memref<128x128xf32, #tpu.memory_space<vmem>>, %arg10: memref<10240x128xf32, #tpu.memory_space<vmem_shared>>, %arg11: memref<!tpu.dma_semaphore, #tpu.memory_space<semaphore_mem>>, %arg12: memref<!tpu.dma_semaphore, #tpu.memory_space<semaphore_mem>>) attributes {dimension_semantics = [#tpu.dimension_semantics<core_parallel>, #tpu.dimension_semantics<subcore_parallel>], iteration_bounds = array<i64: 2, 16>, scalar_prefetch = 0 : i64, scratch_operands = 7 : i64, tpu.core_type = #tpu.core_type<sc_vector_subcore>, window_params = [{transform_indices = #map}, {transform_indices = #map}, {transform_indices = #map}, {transform_indices = #map}]} {
    %mul3A = arith.constant 640 : i32
    %mul3A_0 = arith.muli %arg1, %mul3A : i32
    %broadcast_in_dim3A = arith.constant 0.000000e+00 : f32
    %broadcast_in_dim3A_1 = vector.broadcast %broadcast_in_dim3A : f32 to vector<16xf32>
    %scan3A = arith.constant 0 : i32
    %scan3A_2 = arith.constant 0 : i32
    %scan3A_3 = arith.constant 128 : i32
    %scan3A_4 = arith.addi %scan3A_2, %scan3A_3 : i32
    %scan3A_5 = arith.constant 1 : i32
    %scan3A_6 = scf.for %scan3A_40 = %scan3A_2 to %scan3A_4 step %scan3A_5 iter_args(%scan3A_41 = %scan3A) -> (i32)  : i32 {
      %scan3A_42 = arith.constant 0 : i32
      %scan3A_43 = arith.constant 0 : i32
      %scan3A_44 = arith.constant 8 : i32
      %scan3A_45 = arith.addi %scan3A_43, %scan3A_44 : i32
      %scan3A_46 = arith.constant 1 : i32
      %scan3A_47 = scf.for %scan3A_49 = %scan3A_43 to %scan3A_45 step %scan3A_46 iter_args(%scan3A_50 = %scan3A_42) -> (i32)  : i32 {
        %mul3A_51 = arith.constant 16 : i32
        %mul3A_52 = arith.muli %scan3A_49, %mul3A_51 : i32
        %swap3A = arith.index_cast %scan3A_40 : i32 to index
        %swap3A_53 = arith.index_cast %mul3A_52 : i32 to index
        %swap3A_54 = tpu.vector_load %arg8[%swap3A, %swap3A_53] {strides = array<i32>} : memref<128x128xf32, #tpu.memory_space<vmem>>, vector<1x16xf32>,
        %swap3A_55 = vector.shape_cast %swap3A_54 : vector<1x16xf32> to vector<16xf32>
        %swap3A_56 = vector.shape_cast %broadcast_in_dim3A_1 : vector<16xf32> to vector<1x16xf32>
        tpu.vector_store %arg8[%swap3A, %swap3A_53], %swap3A_56 {strides = array<i32>} : memref<128x128xf32, #tpu.memory_space<vmem>>, vector<1x16xf32>,
        %scan3A_57 = arith.constant 0 : i32
        scf.yield %scan3A_57 : i32
      }
      %scan3A_48 = arith.constant 8 : i32
      scf.yield %scan3A_47 : i32
    }
    %scan3A_7 = arith.constant 128 : i32
    %scan3A_8 = arith.constant 0 : i32
    %scan3A_9 = arith.constant 0 : i32
    %scan3A_10 = arith.constant 5 : i32
    %scan3A_11 = arith.addi %scan3A_9, %scan3A_10 : i32
    %scan3A_12 = arith.constant 1 : i32
    %scan3A_13 = scf.for %scan3A_40 = %scan3A_9 to %scan3A_11 step %scan3A_12 iter_args(%scan3A_41 = %scan3A_8) -> (i32)  : i32 {
      %mul3A_42 = arith.constant 128 : i32
      %mul3A_43 = arith.muli %scan3A_40, %mul3A_42 : i32
      %add3A_44 = arith.addi %mul3A_0, %mul3A_43 : i32
      "tpu.region"() ({
        %run_scoped3A = tpu.sem_alloc : memref<!tpu.dma_semaphore, #tpu.memory_space<semaphore_mem>>
        %dma_start3A = arith.constant 0 : i32
        %dma_start3A_46 = tpu.memref_slice %arg10[%add3A_44, %dma_start3A] : memref<10240x128xf32, #tpu.memory_space<vmem_shared>> -> memref<128x128xf32, #tpu.memory_space<vmem_shared>>
        %dma_start3A_47 = arith.constant 0 : i32
        %dma_start3A_48 = tpu.memref_slice %arg10[%add3A_44, %dma_start3A_47] : memref<10240x128xf32, #tpu.memory_space<vmem_shared>> -> memref<128x128xf32, #tpu.memory_space<vmem_shared>>
        tpu.enqueue_dma source(%arg8 : memref<128x128xf32, #tpu.memory_space<vmem>>) target(%dma_start3A_48 : memref<128x128xf32, #tpu.memory_space<vmem_shared>>) target_semaphore(%run_scoped3A : memref<!tpu.dma_semaphore, #tpu.memory_space<semaphore_mem>>)
        %dma_wait3A = arith.constant 0 : i32
        %dma_wait3A_49 = tpu.memref_slice %arg10[%add3A_44, %dma_wait3A] : memref<10240x128xf32, #tpu.memory_space<vmem_shared>> -> memref<128x128xf32, #tpu.memory_space<vmem_shared>>
        %dma_wait3A_50 = arith.constant 0 : i32
        %dma_wait3A_51 = tpu.memref_slice %arg10[%add3A_44, %dma_wait3A_50] : memref<10240x128xf32, #tpu.memory_space<vmem_shared>> -> memref<128x128xf32, #tpu.memory_space<vmem_shared>>
        tpu.wait_dma2 semaphore(%run_scoped3A : memref<!tpu.dma_semaphore, #tpu.memory_space<semaphore_mem>>) src(%arg8 : memref<128x128xf32, #tpu.memory_space<vmem>>) dst(%dma_wait3A_51 : memref<128x128xf32, #tpu.memory_space<vmem_shared>>)
        tpu.yield
      }) : () -> ()
      %scan3A_45 = arith.constant 0 : i32
      scf.yield %scan3A_45 : i32
    }
    %scan3A_14 = arith.constant 5 : i32
    %barrier3A = arith.constant 0 : index
    tpu.barrier barrier_id(%barrier3A)
    %eq3A = arith.constant 0 : i32
    %eq3A_15 = arith.cmpi eq, %arg0, %eq3A : i32
    %mul3A_16 = arith.constant 152 : i32
    %mul3A_17 = arith.muli %arg1, %mul3A_16 : i32
    %mul3A_18 = arith.constant 8 : i32
    %mul3A_19 = arith.muli %arg1, %mul3A_18 : i32
    %add3A = arith.constant 2432 : i32
    %add3A_20 = arith.addi %add3A, %mul3A_19 : i32
    %select_n3A = arith.select %eq3A_15, %mul3A_17, %add3A_20 : i32
    %eq3A_21 = arith.constant 0 : i32
    %eq3A_22 = arith.cmpi eq, %arg0, %eq3A_21 : i32
    %jit3A = arith.constant 19 : i32
    %jit3A_23 = arith.constant 1 : i32
    %select_n3A_24 = arith.select %eq3A_22, %jit3A, %jit3A_23 : i32
    %while3A = arith.constant 0 : i32
    %while3A_25 = arith.constant 0 : i32
    %while3A_26 = arith.subi %select_n3A_24, %while3A : i32
    %while3A_27 = arith.addi %while3A, %while3A_26 : i32
    %while3A_28 = arith.constant 1 : i32
    %while3A_29 = arith.divsi %while3A_26, %while3A_28 : i32
    %while3A_30 = arith.muli %while3A_29, %while3A_28 : i32
    %while3A_31 = arith.addi %while3A, %while3A_30 : i32
    %while3A_32 = arith.constant 1 : i32
    %while3A_33 = scf.for %while3A_40 = %while3A to %while3A_31 step %while3A_32 iter_args(%while3A_41 = %while3A_25) -> (i32)  : i32 {
      %mul3A_42 = arith.constant 8 : i32
      %mul3A_43 = arith.muli %while3A_40, %mul3A_42 : i32
      %add3A_44 = arith.addi %select_n3A, %mul3A_43 : i32
      "tpu.region"() ({
        %run_scoped3A_78 = tpu.sem_alloc : memref<!tpu.dma_semaphore, #tpu.memory_space<semaphore_mem>>
        %dma_start3A_79 = arith.constant 0 : i32
        %dma_start3A_80 = tpu.memref_slice %arg3[%add3A_44, %dma_start3A_79] : memref<2560x128xi32, #tpu.memory_space<hbm>> -> memref<8x128xi32, #tpu.memory_space<hbm>>
        %dma_start3A_81 = arith.constant 0 : i32
        %dma_start3A_82 = tpu.memref_slice %arg3[%add3A_44, %dma_start3A_81] : memref<2560x128xi32, #tpu.memory_space<hbm>> -> memref<8x128xi32, #tpu.memory_space<hbm>>
        tpu.enqueue_dma source(%dma_start3A_82 : memref<8x128xi32, #tpu.memory_space<hbm>>) target(%arg6 : memref<8x128xi32, #tpu.memory_space<vmem>>) target_semaphore(%run_scoped3A_78 : memref<!tpu.dma_semaphore, #tpu.memory_space<semaphore_mem>>)
        %dma_wait3A_83 = arith.constant 0 : i32
        %dma_wait3A_84 = tpu.memref_slice %arg3[%add3A_44, %dma_wait3A_83] : memref<2560x128xi32, #tpu.memory_space<hbm>> -> memref<8x128xi32, #tpu.memory_space<hbm>>
        %dma_wait3A_85 = arith.constant 0 : i32
        %dma_wait3A_86 = tpu.memref_slice %arg3[%add3A_44, %dma_wait3A_85] : memref<2560x128xi32, #tpu.memory_space<hbm>> -> memref<8x128xi32, #tpu.memory_space<hbm>>
        tpu.wait_dma2 semaphore(%run_scoped3A_78 : memref<!tpu.dma_semaphore, #tpu.memory_space<semaphore_mem>>) src(%dma_wait3A_86 : memref<8x128xi32, #tpu.memory_space<hbm>>) dst(%arg6 : memref<8x128xi32, #tpu.memory_space<vmem>>)
        tpu.yield
      }) : () -> ()
      "tpu.region"() ({
        %run_scoped3A_78 = tpu.sem_alloc : memref<!tpu.dma_semaphore, #tpu.memory_space<semaphore_mem>>
        %dma_start3A_79 = arith.constant 0 : i32
        %dma_start3A_80 = tpu.memref_slice %arg4[%add3A_44, %dma_start3A_79] : memref<2560x128xi32, #tpu.memory_space<hbm>> -> memref<8x128xi32, #tpu.memory_space<hbm>>
        %dma_start3A_81 = arith.constant 0 : i32
        %dma_start3A_82 = tpu.memref_slice %arg4[%add3A_44, %dma_start3A_81] : memref<2560x128xi32, #tpu.memory_space<hbm>> -> memref<8x128xi32, #tpu.memory_space<hbm>>
        tpu.enqueue_dma source(%dma_start3A_82 : memref<8x128xi32, #tpu.memory_space<hbm>>) target(%arg7 : memref<8x128xi32, #tpu.memory_space<vmem>>) target_semaphore(%run_scoped3A_78 : memref<!tpu.dma_semaphore, #tpu.memory_space<semaphore_mem>>)
        %dma_wait3A_83 = arith.constant 0 : i32
        %dma_wait3A_84 = tpu.memref_slice %arg4[%add3A_44, %dma_wait3A_83] : memref<2560x128xi32, #tpu.memory_space<hbm>> -> memref<8x128xi32, #tpu.memory_space<hbm>>
        %dma_wait3A_85 = arith.constant 0 : i32
        %dma_wait3A_86 = tpu.memref_slice %arg4[%add3A_44, %dma_wait3A_85] : memref<2560x128xi32, #tpu.memory_space<hbm>> -> memref<8x128xi32, #tpu.memory_space<hbm>>
        tpu.wait_dma2 semaphore(%run_scoped3A_78 : memref<!tpu.dma_semaphore, #tpu.memory_space<semaphore_mem>>) src(%dma_wait3A_86 : memref<8x128xi32, #tpu.memory_space<hbm>>) dst(%arg7 : memref<8x128xi32, #tpu.memory_space<vmem>>)
        tpu.yield
      }) : () -> ()
      %dma_start3A = arith.constant 0 : i32
      %dma_start3A_45 = arith.constant 0 : i32
      %dma_start3A_46 = tpu.memref_slice %arg6[%dma_start3A, %dma_start3A_45] : memref<8x128xi32, #tpu.memory_space<vmem>> -> memref<1x128xi32, #tpu.memory_space<vmem>>
      %dma_start3A_47 = tpu.memref_squeeze %dma_start3A_46 : memref<1x128xi32, #tpu.memory_space<vmem>> -> memref<128xi32, #tpu.memory_space<vmem>>
      %dma_start3A_48 = arith.constant 0 : i32
      %dma_start3A_49 = arith.constant 0 : i32
      %dma_start3A_50 = tpu.memref_slice %arg2[%dma_start3A_48, %dma_start3A_49] : memref<10000x128xf32, #tpu.memory_space<hbm>> -> memref<10000x128xf32, #tpu.memory_space<hbm>>
      tpu.enqueue_indirect_dma source(%dma_start3A_50 : memref<10000x128xf32, #tpu.memory_space<hbm>>) target(%arg8 : memref<128x128xf32, #tpu.memory_space<vmem>>) offsets(%dma_start3A_47 : memref<128xi32, #tpu.memory_space<vmem>>) semaphore(%arg11 : memref<!tpu.dma_semaphore, #tpu.memory_space<semaphore_mem>>)
      %dma_start3A_51 = arith.constant 1 : i32
      %dma_start3A_52 = arith.constant 0 : i32
      %dma_start3A_53 = tpu.memref_slice %arg6[%dma_start3A_51, %dma_start3A_52] : memref<8x128xi32, #tpu.memory_space<vmem>> -> memref<1x128xi32, #tpu.memory_space<vmem>>
      %dma_start3A_54 = tpu.memref_squeeze %dma_start3A_53 : memref<1x128xi32, #tpu.memory_space<vmem>> -> memref<128xi32, #tpu.memory_space<vmem>>
      %dma_start3A_55 = arith.constant 0 : i32
      %dma_start3A_56 = arith.constant 0 : i32
      %dma_start3A_57 = tpu.memref_slice %arg2[%dma_start3A_55, %dma_start3A_56] : memref<10000x128xf32, #tpu.memory_space<hbm>> -> memref<10000x128xf32, #tpu.memory_space<hbm>>
      tpu.enqueue_indirect_dma source(%dma_start3A_57 : memref<10000x128xf32, #tpu.memory_space<hbm>>) target(%arg9 : memref<128x128xf32, #tpu.memory_space<vmem>>) offsets(%dma_start3A_54 : memref<128xi32, #tpu.memory_space<vmem>>) semaphore(%arg12 : memref<!tpu.dma_semaphore, #tpu.memory_space<semaphore_mem>>)
      %scan3A_58 = arith.constant 0 : i32
      %scan3A_59 = arith.constant 0 : i32
      %scan3A_60 = arith.constant 3 : i32
      %scan3A_61 = arith.addi %scan3A_59, %scan3A_60 : i32
      %scan3A_62 = arith.constant 1 : i32
      %scan3A_63 = scf.for %scan3A_78 = %scan3A_59 to %scan3A_61 step %scan3A_62 iter_args(%scan3A_79 = %scan3A_58) -> (i32)  : i32 {
        %dma_wait3A_80 = arith.constant 0 : i32
        %dma_wait3A_81 = arith.constant 0 : i32
        %dma_wait3A_82 = tpu.memref_slice %arg2[%dma_wait3A_80, %dma_wait3A_81] : memref<10000x128xf32, #tpu.memory_space<hbm>> -> memref<128x128xf32, #tpu.memory_space<hbm>>
        %dma_wait3A_83 = arith.constant 0 : i32
        %dma_wait3A_84 = arith.constant 0 : i32
        %dma_wait3A_85 = tpu.memref_slice %arg2[%dma_wait3A_83, %dma_wait3A_84] : memref<10000x128xf32, #tpu.memory_space<hbm>> -> memref<128x128xf32, #tpu.memory_space<hbm>>
        tpu.wait_dma2 semaphore(%arg11 : memref<!tpu.dma_semaphore, #tpu.memory_space<semaphore_mem>>) src(%dma_wait3A_85 : memref<128x128xf32, #tpu.memory_space<hbm>>) dst(%arg8 : memref<128x128xf32, #tpu.memory_space<vmem>>)
        %mul3A_86 = arith.constant 2 : i32
        %mul3A_87 = arith.muli %mul3A_86, %scan3A_78 : i32
        "tpu.region"() ({
          %run_scoped3A_119 = tpu.sem_alloc : memref<!tpu.dma_semaphore, #tpu.memory_space<semaphore_mem>>
          %dma_start3A_120 = arith.constant 0 : i32
          %dma_start3A_121 = tpu.memref_slice %arg7[%mul3A_87, %dma_start3A_120] : memref<8x128xi32, #tpu.memory_space<vmem>> -> memref<1x128xi32, #tpu.memory_space<vmem>>
          %dma_start3A_122 = tpu.memref_squeeze %dma_start3A_121 : memref<1x128xi32, #tpu.memory_space<vmem>> -> memref<128xi32, #tpu.memory_space<vmem>>
          %dma_start3A_123 = arith.constant 0 : i32
          %dma_start3A_124 = arith.constant 0 : i32
          %dma_start3A_125 = tpu.memref_slice %arg10[%dma_start3A_123, %dma_start3A_124] : memref<10240x128xf32, #tpu.memory_space<vmem_shared>> -> memref<10240x128xf32, #tpu.memory_space<vmem_shared>>
          tpu.enqueue_indirect_dma source(%arg8 : memref<128x128xf32, #tpu.memory_space<vmem>>) target(%dma_start3A_125 : memref<10240x128xf32, #tpu.memory_space<vmem_shared>>) offsets(%dma_start3A_122 : memref<128xi32, #tpu.memory_space<vmem>>) semaphore(%run_scoped3A_119 : memref<!tpu.dma_semaphore, #tpu.memory_space<semaphore_mem>>) {add = true}
          %dma_wait3A_126 = arith.constant 0 : i32
          %dma_wait3A_127 = tpu.memref_slice %arg7[%mul3A_87, %dma_wait3A_126] : memref<8x128xi32, #tpu.memory_space<vmem>> -> memref<1x128xi32, #tpu.memory_space<vmem>>
          %dma_wait3A_128 = tpu.memref_squeeze %dma_wait3A_127 : memref<1x128xi32, #tpu.memory_space<vmem>> -> memref<128xi32, #tpu.memory_space<vmem>>
          %dma_wait3A_129 = arith.constant 0 : i32
          %dma_wait3A_130 = arith.constant 0 : i32
          %dma_wait3A_131 = tpu.memref_slice %arg10[%dma_wait3A_129, %dma_wait3A_130] : memref<10240x128xf32, #tpu.memory_space<vmem_shared>> -> memref<10240x128xf32, #tpu.memory_space<vmem_shared>>
          tpu.wait_indirect_dma semaphore(%run_scoped3A_119 : memref<!tpu.dma_semaphore, #tpu.memory_space<semaphore_mem>>) src(%arg8 : memref<128x128xf32, #tpu.memory_space<vmem>>) dst(%dma_wait3A_131 : memref<10240x128xf32, #tpu.memory_space<vmem_shared>>)
          tpu.yield
        }) : () -> ()
        %mul3A_88 = arith.constant 2 : i32
        %mul3A_89 = arith.muli %mul3A_88, %scan3A_78 : i32
        %add3A_90 = arith.constant 2 : i32
        %add3A_91 = arith.addi %mul3A_89, %add3A_90 : i32
        %dma_start3A_92 = arith.constant 0 : i32
        %dma_start3A_93 = tpu.memref_slice %arg6[%add3A_91, %dma_start3A_92] : memref<8x128xi32, #tpu.memory_space<vmem>> -> memref<1x128xi32, #tpu.memory_space<vmem>>
        %dma_start3A_94 = tpu.memref_squeeze %dma_start3A_93 : memref<1x128xi32, #tpu.memory_space<vmem>> -> memref<128xi32, #tpu.memory_space<vmem>>
        %dma_start3A_95 = arith.constant 0 : i32
        %dma_start3A_96 = arith.constant 0 : i32
        %dma_start3A_97 = tpu.memref_slice %arg2[%dma_start3A_95, %dma_start3A_96] : memref<10000x128xf32, #tpu.memory_space<hbm>> -> memref<10000x128xf32, #tpu.memory_space<hbm>>
        tpu.enqueue_indirect_dma source(%dma_start3A_97 : memref<10000x128xf32, #tpu.memory_space<hbm>>) target(%arg8 : memref<128x128xf32, #tpu.memory_space<vmem>>) offsets(%dma_start3A_94 : memref<128xi32, #tpu.memory_space<vmem>>) semaphore(%arg11 : memref<!tpu.dma_semaphore, #tpu.memory_space<semaphore_mem>>)
        %dma_wait3A_98 = arith.constant 0 : i32
        %dma_wait3A_99 = arith.constant 0 : i32
        %dma_wait3A_100 = tpu.memref_slice %arg2[%dma_wait3A_98, %dma_wait3A_99] : memref<10000x128xf32, #tpu.memory_space<hbm>> -> memref<128x128xf32, #tpu.memory_space<hbm>>
        %dma_wait3A_101 = arith.constant 0 : i32
        %dma_wait3A_102 = arith.constant 0 : i32
        %dma_wait3A_103 = tpu.memref_slice %arg2[%dma_wait3A_101, %dma_wait3A_102] : memref<10000x128xf32, #tpu.memory_space<hbm>> -> memref<128x128xf32, #tpu.memory_space<hbm>>
        tpu.wait_dma2 semaphore(%arg12 : memref<!tpu.dma_semaphore, #tpu.memory_space<semaphore_mem>>) src(%dma_wait3A_103 : memref<128x128xf32, #tpu.memory_space<hbm>>) dst(%arg9 : memref<128x128xf32, #tpu.memory_space<vmem>>)
        %mul3A_104 = arith.constant 2 : i32
        %mul3A_105 = arith.muli %mul3A_104, %scan3A_78 : i32
        %add3A_106 = arith.constant 1 : i32
        %add3A_107 = arith.addi %mul3A_105, %add3A_106 : i32
        "tpu.region"() ({
          %run_scoped3A_119 = tpu.sem_alloc : memref<!tpu.dma_semaphore, #tpu.memory_space<semaphore_mem>>
          %dma_start3A_120 = arith.constant 0 : i32
          %dma_start3A_121 = tpu.memref_slice %arg7[%add3A_107, %dma_start3A_120] : memref<8x128xi32, #tpu.memory_space<vmem>> -> memref<1x128xi32, #tpu.memory_space<vmem>>
          %dma_start3A_122 = tpu.memref_squeeze %dma_start3A_121 : memref<1x128xi32, #tpu.memory_space<vmem>> -> memref<128xi32, #tpu.memory_space<vmem>>
          %dma_start3A_123 = arith.constant 0 : i32
          %dma_start3A_124 = arith.constant 0 : i32
          %dma_start3A_125 = tpu.memref_slice %arg10[%dma_start3A_123, %dma_start3A_124] : memref<10240x128xf32, #tpu.memory_space<vmem_shared>> -> memref<10240x128xf32, #tpu.memory_space<vmem_shared>>
          tpu.enqueue_indirect_dma source(%arg9 : memref<128x128xf32, #tpu.memory_space<vmem>>) target(%dma_start3A_125 : memref<10240x128xf32, #tpu.memory_space<vmem_shared>>) offsets(%dma_start3A_122 : memref<128xi32, #tpu.memory_space<vmem>>) semaphore(%run_scoped3A_119 : memref<!tpu.dma_semaphore, #tpu.memory_space<semaphore_mem>>) {add = true}
          %dma_wait3A_126 = arith.constant 0 : i32
          %dma_wait3A_127 = tpu.memref_slice %arg7[%add3A_107, %dma_wait3A_126] : memref<8x128xi32, #tpu.memory_space<vmem>> -> memref<1x128xi32, #tpu.memory_space<vmem>>
          %dma_wait3A_128 = tpu.memref_squeeze %dma_wait3A_127 : memref<1x128xi32, #tpu.memory_space<vmem>> -> memref<128xi32, #tpu.memory_space<vmem>>
          %dma_wait3A_129 = arith.constant 0 : i32
          %dma_wait3A_130 = arith.constant 0 : i32
          %dma_wait3A_131 = tpu.memref_slice %arg10[%dma_wait3A_129, %dma_wait3A_130] : memref<10240x128xf32, #tpu.memory_space<vmem_shared>> -> memref<10240x128xf32, #tpu.memory_space<vmem_shared>>
          tpu.wait_indirect_dma semaphore(%run_scoped3A_119 : memref<!tpu.dma_semaphore, #tpu.memory_space<semaphore_mem>>) src(%arg9 : memref<128x128xf32, #tpu.memory_space<vmem>>) dst(%dma_wait3A_131 : memref<10240x128xf32, #tpu.memory_space<vmem_shared>>)
          tpu.yield
        }) : () -> ()
        %mul3A_108 = arith.constant 2 : i32
        %mul3A_109 = arith.muli %mul3A_108, %scan3A_78 : i32
        %add3A_110 = arith.constant 3 : i32
        %add3A_111 = arith.addi %mul3A_109, %add3A_110 : i32
        %dma_start3A_112 = arith.constant 0 : i32
        %dma_start3A_113 = tpu.memref_slice %arg6[%add3A_111, %dma_start3A_112] : memref<8x128xi32, #tpu.memory_space<vmem>> -> memref<1x128xi32, #tpu.memory_space<vmem>>
        %dma_start3A_114 = tpu.memref_squeeze %dma_start3A_113 : memref<1x128xi32, #tpu.memory_space<vmem>> -> memref<128xi32, #tpu.memory_space<vmem>>
        %dma_start3A_115 = arith.constant 0 : i32
        %dma_start3A_116 = arith.constant 0 : i32
        %dma_start3A_117 = tpu.memref_slice %arg2[%dma_start3A_115, %dma_start3A_116] : memref<10000x128xf32, #tpu.memory_space<hbm>> -> memref<10000x128xf32, #tpu.memory_space<hbm>>
        tpu.enqueue_indirect_dma source(%dma_start3A_117 : memref<10000x128xf32, #tpu.memory_space<hbm>>) target(%arg9 : memref<128x128xf32, #tpu.memory_space<vmem>>) offsets(%dma_start3A_114 : memref<128xi32, #tpu.memory_space<vmem>>) semaphore(%arg12 : memref<!tpu.dma_semaphore, #tpu.memory_space<semaphore_mem>>)
        %scan3A_118 = arith.constant 0 : i32
        scf.yield %scan3A_118 : i32
      }
      %scan3A_64 = arith.constant 3 : i32
      %dma_wait3A = arith.constant 0 : i32
      %dma_wait3A_65 = arith.constant 0 : i32
      %dma_wait3A_66 = tpu.memref_slice %arg2[%dma_wait3A, %dma_wait3A_65] : memref<10000x128xf32, #tpu.memory_space<hbm>> -> memref<128x128xf32, #tpu.memory_space<hbm>>
      %dma_wait3A_67 = arith.constant 0 : i32
      %dma_wait3A_68 = arith.constant 0 : i32
      %dma_wait3A_69 = tpu.memref_slice %arg2[%dma_wait3A_67, %dma_wait3A_68] : memref<10000x128xf32, #tpu.memory_space<hbm>> -> memref<128x128xf32, #tpu.memory_space<hbm>>
      tpu.wait_dma2 semaphore(%arg11 : memref<!tpu.dma_semaphore, #tpu.memory_space<semaphore_mem>>) src(%dma_wait3A_69 : memref<128x128xf32, #tpu.memory_space<hbm>>) dst(%arg8 : memref<128x128xf32, #tpu.memory_space<vmem>>)
      %run_scoped3A = arith.constant 6 : i32
      "tpu.region"() ({
        %run_scoped3A_78 = tpu.sem_alloc : memref<!tpu.dma_semaphore, #tpu.memory_space<semaphore_mem>>
        %dma_start3A_79 = arith.constant 0 : i32
        %dma_start3A_80 = tpu.memref_slice %arg7[%run_scoped3A, %dma_start3A_79] : memref<8x128xi32, #tpu.memory_space<vmem>> -> memref<1x128xi32, #tpu.memory_space<vmem>>
        %dma_start3A_81 = tpu.memref_squeeze %dma_start3A_80 : memref<1x128xi32, #tpu.memory_space<vmem>> -> memref<128xi32, #tpu.memory_space<vmem>>
        %dma_start3A_82 = arith.constant 0 : i32
        %dma_start3A_83 = arith.constant 0 : i32
        %dma_start3A_84 = tpu.memref_slice %arg10[%dma_start3A_82, %dma_start3A_83] : memref<10240x128xf32, #tpu.memory_space<vmem_shared>> -> memref<10240x128xf32, #tpu.memory_space<vmem_shared>>
        tpu.enqueue_indirect_dma source(%arg8 : memref<128x128xf32, #tpu.memory_space<vmem>>) target(%dma_start3A_84 : memref<10240x128xf32, #tpu.memory_space<vmem_shared>>) offsets(%dma_start3A_81 : memref<128xi32, #tpu.memory_space<vmem>>) semaphore(%run_scoped3A_78 : memref<!tpu.dma_semaphore, #tpu.memory_space<semaphore_mem>>) {add = true}
        %dma_wait3A_85 = arith.constant 0 : i32
        %dma_wait3A_86 = tpu.memref_slice %arg7[%run_scoped3A, %dma_wait3A_85] : memref<8x128xi32, #tpu.memory_space<vmem>> -> memref<1x128xi32, #tpu.memory_space<vmem>>
        %dma_wait3A_87 = tpu.memref_squeeze %dma_wait3A_86 : memref<1x128xi32, #tpu.memory_space<vmem>> -> memref<128xi32, #tpu.memory_space<vmem>>
        %dma_wait3A_88 = arith.constant 0 : i32
        %dma_wait3A_89 = arith.constant 0 : i32
        %dma_wait3A_90 = tpu.memref_slice %arg10[%dma_wait3A_88, %dma_wait3A_89] : memref<10240x128xf32, #tpu.memory_space<vmem_shared>> -> memref<10240x128xf32, #tpu.memory_space<vmem_shared>>
        tpu.wait_indirect_dma semaphore(%run_scoped3A_78 : memref<!tpu.dma_semaphore, #tpu.memory_space<semaphore_mem>>) src(%arg8 : memref<128x128xf32, #tpu.memory_space<vmem>>) dst(%dma_wait3A_90 : memref<10240x128xf32, #tpu.memory_space<vmem_shared>>)
        tpu.yield
      }) : () -> ()
      %dma_wait3A_70 = arith.constant 0 : i32
      %dma_wait3A_71 = arith.constant 0 : i32
      %dma_wait3A_72 = tpu.memref_slice %arg2[%dma_wait3A_70, %dma_wait3A_71] : memref<10000x128xf32, #tpu.memory_space<hbm>> -> memref<128x128xf32, #tpu.memory_space<hbm>>
      %dma_wait3A_73 = arith.constant 0 : i32
      %dma_wait3A_74 = arith.constant 0 : i32
      %dma_wait3A_75 = tpu.memref_slice %arg2[%dma_wait3A_73, %dma_wait3A_74] : memref<10000x128xf32, #tpu.memory_space<hbm>> -> memref<128x128xf32, #tpu.memory_space<hbm>>
      tpu.wait_dma2 semaphore(%arg12 : memref<!tpu.dma_semaphore, #tpu.memory_space<semaphore_mem>>) src(%dma_wait3A_75 : memref<128x128xf32, #tpu.memory_space<hbm>>) dst(%arg9 : memref<128x128xf32, #tpu.memory_space<vmem>>)
      %run_scoped3A_76 = arith.constant 7 : i32
      "tpu.region"() ({
        %run_scoped3A_78 = tpu.sem_alloc : memref<!tpu.dma_semaphore, #tpu.memory_space<semaphore_mem>>
        %dma_start3A_79 = arith.constant 0 : i32
        %dma_start3A_80 = tpu.memref_slice %arg7[%run_scoped3A_76, %dma_start3A_79] : memref<8x128xi32, #tpu.memory_space<vmem>> -> memref<1x128xi32, #tpu.memory_space<vmem>>
        %dma_start3A_81 = tpu.memref_squeeze %dma_start3A_80 : memref<1x128xi32, #tpu.memory_space<vmem>> -> memref<128xi32, #tpu.memory_space<vmem>>
        %dma_start3A_82 = arith.constant 0 : i32
        %dma_start3A_83 = arith.constant 0 : i32
        %dma_start3A_84 = tpu.memref_slice %arg10[%dma_start3A_82, %dma_start3A_83] : memref<10240x128xf32, #tpu.memory_space<vmem_shared>> -> memref<10240x128xf32, #tpu.memory_space<vmem_shared>>
        tpu.enqueue_indirect_dma source(%arg9 : memref<128x128xf32, #tpu.memory_space<vmem>>) target(%dma_start3A_84 : memref<10240x128xf32, #tpu.memory_space<vmem_shared>>) offsets(%dma_start3A_81 : memref<128xi32, #tpu.memory_space<vmem>>) semaphore(%run_scoped3A_78 : memref<!tpu.dma_semaphore, #tpu.memory_space<semaphore_mem>>) {add = true}
        %dma_wait3A_85 = arith.constant 0 : i32
        %dma_wait3A_86 = tpu.memref_slice %arg7[%run_scoped3A_76, %dma_wait3A_85] : memref<8x128xi32, #tpu.memory_space<vmem>> -> memref<1x128xi32, #tpu.memory_space<vmem>>
        %dma_wait3A_87 = tpu.memref_squeeze %dma_wait3A_86 : memref<1x128xi32, #tpu.memory_space<vmem>> -> memref<128xi32, #tpu.memory_space<vmem>>
        %dma_wait3A_88 = arith.constant 0 : i32
        %dma_wait3A_89 = arith.constant 0 : i32
        %dma_wait3A_90 = tpu.memref_slice %arg10[%dma_wait3A_88, %dma_wait3A_89] : memref<10240x128xf32, #tpu.memory_space<vmem_shared>> -> memref<10240x128xf32, #tpu.memory_space<vmem_shared>>
        tpu.wait_indirect_dma semaphore(%run_scoped3A_78 : memref<!tpu.dma_semaphore, #tpu.memory_space<semaphore_mem>>) src(%arg9 : memref<128x128xf32, #tpu.memory_space<vmem>>) dst(%dma_wait3A_90 : memref<10240x128xf32, #tpu.memory_space<vmem_shared>>)
        tpu.yield
      }) : () -> ()
      %while3A_77 = arith.constant 0 : i32
      scf.yield %while3A_77 : i32
    }
    %while3A_34 = arith.constant 1 : i32
    %while3A_35 = scf.for %while3A_40 = %while3A_31 to %while3A_27 step %while3A_34 iter_args(%while3A_41 = %while3A_33) -> (i32)  : i32 {
      %mul3A_42 = arith.constant 8 : i32
      %mul3A_43 = arith.muli %while3A_40, %mul3A_42 : i32
      %add3A_44 = arith.addi %select_n3A, %mul3A_43 : i32
      "tpu.region"() ({
        %run_scoped3A_78 = tpu.sem_alloc : memref<!tpu.dma_semaphore, #tpu.memory_space<semaphore_mem>>
        %dma_start3A_79 = arith.constant 0 : i32
        %dma_start3A_80 = tpu.memref_slice %arg3[%add3A_44, %dma_start3A_79] : memref<2560x128xi32, #tpu.memory_space<hbm>> -> memref<8x128xi32, #tpu.memory_space<hbm>>
        %dma_start3A_81 = arith.constant 0 : i32
        %dma_start3A_82 = tpu.memref_slice %arg3[%add3A_44, %dma_start3A_81] : memref<2560x128xi32, #tpu.memory_space<hbm>> -> memref<8x128xi32, #tpu.memory_space<hbm>>
        tpu.enqueue_dma source(%dma_start3A_82 : memref<8x128xi32, #tpu.memory_space<hbm>>) target(%arg6 : memref<8x128xi32, #tpu.memory_space<vmem>>) target_semaphore(%run_scoped3A_78 : memref<!tpu.dma_semaphore, #tpu.memory_space<semaphore_mem>>)
        %dma_wait3A_83 = arith.constant 0 : i32
        %dma_wait3A_84 = tpu.memref_slice %arg3[%add3A_44, %dma_wait3A_83] : memref<2560x128xi32, #tpu.memory_space<hbm>> -> memref<8x128xi32, #tpu.memory_space<hbm>>
        %dma_wait3A_85 = arith.constant 0 : i32
        %dma_wait3A_86 = tpu.memref_slice %arg3[%add3A_44, %dma_wait3A_85] : memref<2560x128xi32, #tpu.memory_space<hbm>> -> memref<8x128xi32, #tpu.memory_space<hbm>>
        tpu.wait_dma2 semaphore(%run_scoped3A_78 : memref<!tpu.dma_semaphore, #tpu.memory_space<semaphore_mem>>) src(%dma_wait3A_86 : memref<8x128xi32, #tpu.memory_space<hbm>>) dst(%arg6 : memref<8x128xi32, #tpu.memory_space<vmem>>)
        tpu.yield
      }) : () -> ()
      "tpu.region"() ({
        %run_scoped3A_78 = tpu.sem_alloc : memref<!tpu.dma_semaphore, #tpu.memory_space<semaphore_mem>>
        %dma_start3A_79 = arith.constant 0 : i32
        %dma_start3A_80 = tpu.memref_slice %arg4[%add3A_44, %dma_start3A_79] : memref<2560x128xi32, #tpu.memory_space<hbm>> -> memref<8x128xi32, #tpu.memory_space<hbm>>
        %dma_start3A_81 = arith.constant 0 : i32
        %dma_start3A_82 = tpu.memref_slice %arg4[%add3A_44, %dma_start3A_81] : memref<2560x128xi32, #tpu.memory_space<hbm>> -> memref<8x128xi32, #tpu.memory_space<hbm>>
        tpu.enqueue_dma source(%dma_start3A_82 : memref<8x128xi32, #tpu.memory_space<hbm>>) target(%arg7 : memref<8x128xi32, #tpu.memory_space<vmem>>) target_semaphore(%run_scoped3A_78 : memref<!tpu.dma_semaphore, #tpu.memory_space<semaphore_mem>>)
        %dma_wait3A_83 = arith.constant 0 : i32
        %dma_wait3A_84 = tpu.memref_slice %arg4[%add3A_44, %dma_wait3A_83] : memref<2560x128xi32, #tpu.memory_space<hbm>> -> memref<8x128xi32, #tpu.memory_space<hbm>>
        %dma_wait3A_85 = arith.constant 0 : i32
        %dma_wait3A_86 = tpu.memref_slice %arg4[%add3A_44, %dma_wait3A_85] : memref<2560x128xi32, #tpu.memory_space<hbm>> -> memref<8x128xi32, #tpu.memory_space<hbm>>
        tpu.wait_dma2 semaphore(%run_scoped3A_78 : memref<!tpu.dma_semaphore, #tpu.memory_space<semaphore_mem>>) src(%dma_wait3A_86 : memref<8x128xi32, #tpu.memory_space<hbm>>) dst(%arg7 : memref<8x128xi32, #tpu.memory_space<vmem>>)
        tpu.yield
      }) : () -> ()
      %dma_start3A = arith.constant 0 : i32
      %dma_start3A_45 = arith.constant 0 : i32
      %dma_start3A_46 = tpu.memref_slice %arg6[%dma_start3A, %dma_start3A_45] : memref<8x128xi32, #tpu.memory_space<vmem>> -> memref<1x128xi32, #tpu.memory_space<vmem>>
      %dma_start3A_47 = tpu.memref_squeeze %dma_start3A_46 : memref<1x128xi32, #tpu.memory_space<vmem>> -> memref<128xi32, #tpu.memory_space<vmem>>
      %dma_start3A_48 = arith.constant 0 : i32
      %dma_start3A_49 = arith.constant 0 : i32
      %dma_start3A_50 = tpu.memref_slice %arg2[%dma_start3A_48, %dma_start3A_49] : memref<10000x128xf32, #tpu.memory_space<hbm>> -> memref<10000x128xf32, #tpu.memory_space<hbm>>
      tpu.enqueue_indirect_dma source(%dma_start3A_50 : memref<10000x128xf32, #tpu.memory_space<hbm>>) target(%arg8 : memref<128x128xf32, #tpu.memory_space<vmem>>) offsets(%dma_start3A_47 : memref<128xi32, #tpu.memory_space<vmem>>) semaphore(%arg11 : memref<!tpu.dma_semaphore, #tpu.memory_space<semaphore_mem>>)
      %dma_start3A_51 = arith.constant 1 : i32
      %dma_start3A_52 = arith.constant 0 : i32
      %dma_start3A_53 = tpu.memref_slice %arg6[%dma_start3A_51, %dma_start3A_52] : memref<8x128xi32, #tpu.memory_space<vmem>> -> memref<1x128xi32, #tpu.memory_space<vmem>>
      %dma_start3A_54 = tpu.memref_squeeze %dma_start3A_53 : memref<1x128xi32, #tpu.memory_space<vmem>> -> memref<128xi32, #tpu.memory_space<vmem>>
      %dma_start3A_55 = arith.constant 0 : i32
      %dma_start3A_56 = arith.constant 0 : i32
      %dma_start3A_57 = tpu.memref_slice %arg2[%dma_start3A_55, %dma_start3A_56] : memref<10000x128xf32, #tpu.memory_space<hbm>> -> memref<10000x128xf32, #tpu.memory_space<hbm>>
      tpu.enqueue_indirect_dma source(%dma_start3A_57 : memref<10000x128xf32, #tpu.memory_space<hbm>>) target(%arg9 : memref<128x128xf32, #tpu.memory_space<vmem>>) offsets(%dma_start3A_54 : memref<128xi32, #tpu.memory_space<vmem>>) semaphore(%arg12 : memref<!tpu.dma_semaphore, #tpu.memory_space<semaphore_mem>>)
      %scan3A_58 = arith.constant 0 : i32
      %scan3A_59 = arith.constant 0 : i32
      %scan3A_60 = arith.constant 3 : i32
      %scan3A_61 = arith.addi %scan3A_59, %scan3A_60 : i32
      %scan3A_62 = arith.constant 1 : i32
      %scan3A_63 = scf.for %scan3A_78 = %scan3A_59 to %scan3A_61 step %scan3A_62 iter_args(%scan3A_79 = %scan3A_58) -> (i32)  : i32 {
        %dma_wait3A_80 = arith.constant 0 : i32
        %dma_wait3A_81 = arith.constant 0 : i32
        %dma_wait3A_82 = tpu.memref_slice %arg2[%dma_wait3A_80, %dma_wait3A_81] : memref<10000x128xf32, #tpu.memory_space<hbm>> -> memref<128x128xf32, #tpu.memory_space<hbm>>
        %dma_wait3A_83 = arith.constant 0 : i32
        %dma_wait3A_84 = arith.constant 0 : i32
        %dma_wait3A_85 = tpu.memref_slice %arg2[%dma_wait3A_83, %dma_wait3A_84] : memref<10000x128xf32, #tpu.memory_space<hbm>> -> memref<128x128xf32, #tpu.memory_space<hbm>>
        tpu.wait_dma2 semaphore(%arg11 : memref<!tpu.dma_semaphore, #tpu.memory_space<semaphore_mem>>) src(%dma_wait3A_85 : memref<128x128xf32, #tpu.memory_space<hbm>>) dst(%arg8 : memref<128x128xf32, #tpu.memory_space<vmem>>)
        %mul3A_86 = arith.constant 2 : i32
        %mul3A_87 = arith.muli %mul3A_86, %scan3A_78 : i32
        "tpu.region"() ({
          %run_scoped3A_119 = tpu.sem_alloc : memref<!tpu.dma_semaphore, #tpu.memory_space<semaphore_mem>>
          %dma_start3A_120 = arith.constant 0 : i32
          %dma_start3A_121 = tpu.memref_slice %arg7[%mul3A_87, %dma_start3A_120] : memref<8x128xi32, #tpu.memory_space<vmem>> -> memref<1x128xi32, #tpu.memory_space<vmem>>
          %dma_start3A_122 = tpu.memref_squeeze %dma_start3A_121 : memref<1x128xi32, #tpu.memory_space<vmem>> -> memref<128xi32, #tpu.memory_space<vmem>>
          %dma_start3A_123 = arith.constant 0 : i32
          %dma_start3A_124 = arith.constant 0 : i32
          %dma_start3A_125 = tpu.memref_slice %arg10[%dma_start3A_123, %dma_start3A_124] : memref<10240x128xf32, #tpu.memory_space<vmem_shared>> -> memref<10240x128xf32, #tpu.memory_space<vmem_shared>>
          tpu.enqueue_indirect_dma source(%arg8 : memref<128x128xf32, #tpu.memory_space<vmem>>) target(%dma_start3A_125 : memref<10240x128xf32, #tpu.memory_space<vmem_shared>>) offsets(%dma_start3A_122 : memref<128xi32, #tpu.memory_space<vmem>>) semaphore(%run_scoped3A_119 : memref<!tpu.dma_semaphore, #tpu.memory_space<semaphore_mem>>) {add = true}
          %dma_wait3A_126 = arith.constant 0 : i32
          %dma_wait3A_127 = tpu.memref_slice %arg7[%mul3A_87, %dma_wait3A_126] : memref<8x128xi32, #tpu.memory_space<vmem>> -> memref<1x128xi32, #tpu.memory_space<vmem>>
          %dma_wait3A_128 = tpu.memref_squeeze %dma_wait3A_127 : memref<1x128xi32, #tpu.memory_space<vmem>> -> memref<128xi32, #tpu.memory_space<vmem>>
          %dma_wait3A_129 = arith.constant 0 : i32
          %dma_wait3A_130 = arith.constant 0 : i32
          %dma_wait3A_131 = tpu.memref_slice %arg10[%dma_wait3A_129, %dma_wait3A_130] : memref<10240x128xf32, #tpu.memory_space<vmem_shared>> -> memref<10240x128xf32, #tpu.memory_space<vmem_shared>>
          tpu.wait_indirect_dma semaphore(%run_scoped3A_119 : memref<!tpu.dma_semaphore, #tpu.memory_space<semaphore_mem>>) src(%arg8 : memref<128x128xf32, #tpu.memory_space<vmem>>) dst(%dma_wait3A_131 : memref<10240x128xf32, #tpu.memory_space<vmem_shared>>)
          tpu.yield
        }) : () -> ()
        %mul3A_88 = arith.constant 2 : i32
        %mul3A_89 = arith.muli %mul3A_88, %scan3A_78 : i32
        %add3A_90 = arith.constant 2 : i32
        %add3A_91 = arith.addi %mul3A_89, %add3A_90 : i32
        %dma_start3A_92 = arith.constant 0 : i32
        %dma_start3A_93 = tpu.memref_slice %arg6[%add3A_91, %dma_start3A_92] : memref<8x128xi32, #tpu.memory_space<vmem>> -> memref<1x128xi32, #tpu.memory_space<vmem>>
        %dma_start3A_94 = tpu.memref_squeeze %dma_start3A_93 : memref<1x128xi32, #tpu.memory_space<vmem>> -> memref<128xi32, #tpu.memory_space<vmem>>
        %dma_start3A_95 = arith.constant 0 : i32
        %dma_start3A_96 = arith.constant 0 : i32
        %dma_start3A_97 = tpu.memref_slice %arg2[%dma_start3A_95, %dma_start3A_96] : memref<10000x128xf32, #tpu.memory_space<hbm>> -> memref<10000x128xf32, #tpu.memory_space<hbm>>
        tpu.enqueue_indirect_dma source(%dma_start3A_97 : memref<10000x128xf32, #tpu.memory_space<hbm>>) target(%arg8 : memref<128x128xf32, #tpu.memory_space<vmem>>) offsets(%dma_start3A_94 : memref<128xi32, #tpu.memory_space<vmem>>) semaphore(%arg11 : memref<!tpu.dma_semaphore, #tpu.memory_space<semaphore_mem>>)
        %dma_wait3A_98 = arith.constant 0 : i32
        %dma_wait3A_99 = arith.constant 0 : i32
        %dma_wait3A_100 = tpu.memref_slice %arg2[%dma_wait3A_98, %dma_wait3A_99] : memref<10000x128xf32, #tpu.memory_space<hbm>> -> memref<128x128xf32, #tpu.memory_space<hbm>>
        %dma_wait3A_101 = arith.constant 0 : i32
        %dma_wait3A_102 = arith.constant 0 : i32
        %dma_wait3A_103 = tpu.memref_slice %arg2[%dma_wait3A_101, %dma_wait3A_102] : memref<10000x128xf32, #tpu.memory_space<hbm>> -> memref<128x128xf32, #tpu.memory_space<hbm>>
        tpu.wait_dma2 semaphore(%arg12 : memref<!tpu.dma_semaphore, #tpu.memory_space<semaphore_mem>>) src(%dma_wait3A_103 : memref<128x128xf32, #tpu.memory_space<hbm>>) dst(%arg9 : memref<128x128xf32, #tpu.memory_space<vmem>>)
        %mul3A_104 = arith.constant 2 : i32
        %mul3A_105 = arith.muli %mul3A_104, %scan3A_78 : i32
        %add3A_106 = arith.constant 1 : i32
        %add3A_107 = arith.addi %mul3A_105, %add3A_106 : i32
        "tpu.region"() ({
          %run_scoped3A_119 = tpu.sem_alloc : memref<!tpu.dma_semaphore, #tpu.memory_space<semaphore_mem>>
          %dma_start3A_120 = arith.constant 0 : i32
          %dma_start3A_121 = tpu.memref_slice %arg7[%add3A_107, %dma_start3A_120] : memref<8x128xi32, #tpu.memory_space<vmem>> -> memref<1x128xi32, #tpu.memory_space<vmem>>
          %dma_start3A_122 = tpu.memref_squeeze %dma_start3A_121 : memref<1x128xi32, #tpu.memory_space<vmem>> -> memref<128xi32, #tpu.memory_space<vmem>>
          %dma_start3A_123 = arith.constant 0 : i32
          %dma_start3A_124 = arith.constant 0 : i32
          %dma_start3A_125 = tpu.memref_slice %arg10[%dma_start3A_123, %dma_start3A_124] : memref<10240x128xf32, #tpu.memory_space<vmem_shared>> -> memref<10240x128xf32, #tpu.memory_space<vmem_shared>>
          tpu.enqueue_indirect_dma source(%arg9 : memref<128x128xf32, #tpu.memory_space<vmem>>) target(%dma_start3A_125 : memref<10240x128xf32, #tpu.memory_space<vmem_shared>>) offsets(%dma_start3A_122 : memref<128xi32, #tpu.memory_space<vmem>>) semaphore(%run_scoped3A_119 : memref<!tpu.dma_semaphore, #tpu.memory_space<semaphore_mem>>) {add = true}
          %dma_wait3A_126 = arith.constant 0 : i32
          %dma_wait3A_127 = tpu.memref_slice %arg7[%add3A_107, %dma_wait3A_126] : memref<8x128xi32, #tpu.memory_space<vmem>> -> memref<1x128xi32, #tpu.memory_space<vmem>>
          %dma_wait3A_128 = tpu.memref_squeeze %dma_wait3A_127 : memref<1x128xi32, #tpu.memory_space<vmem>> -> memref<128xi32, #tpu.memory_space<vmem>>
          %dma_wait3A_129 = arith.constant 0 : i32
          %dma_wait3A_130 = arith.constant 0 : i32
          %dma_wait3A_131 = tpu.memref_slice %arg10[%dma_wait3A_129, %dma_wait3A_130] : memref<10240x128xf32, #tpu.memory_space<vmem_shared>> -> memref<10240x128xf32, #tpu.memory_space<vmem_shared>>
          tpu.wait_indirect_dma semaphore(%run_scoped3A_119 : memref<!tpu.dma_semaphore, #tpu.memory_space<semaphore_mem>>) src(%arg9 : memref<128x128xf32, #tpu.memory_space<vmem>>) dst(%dma_wait3A_131 : memref<10240x128xf32, #tpu.memory_space<vmem_shared>>)
          tpu.yield
        }) : () -> ()
        %mul3A_108 = arith.constant 2 : i32
        %mul3A_109 = arith.muli %mul3A_108, %scan3A_78 : i32
        %add3A_110 = arith.constant 3 : i32
        %add3A_111 = arith.addi %mul3A_109, %add3A_110 : i32
        %dma_start3A_112 = arith.constant 0 : i32
        %dma_start3A_113 = tpu.memref_slice %arg6[%add3A_111, %dma_start3A_112] : memref<8x128xi32, #tpu.memory_space<vmem>> -> memref<1x128xi32, #tpu.memory_space<vmem>>
        %dma_start3A_114 = tpu.memref_squeeze %dma_start3A_113 : memref<1x128xi32, #tpu.memory_space<vmem>> -> memref<128xi32, #tpu.memory_space<vmem>>
        %dma_start3A_115 = arith.constant 0 : i32
        %dma_start3A_116 = arith.constant 0 : i32
        %dma_start3A_117 = tpu.memref_slice %arg2[%dma_start3A_115, %dma_start3A_116] : memref<10000x128xf32, #tpu.memory_space<hbm>> -> memref<10000x128xf32, #tpu.memory_space<hbm>>
        tpu.enqueue_indirect_dma source(%dma_start3A_117 : memref<10000x128xf32, #tpu.memory_space<hbm>>) target(%arg9 : memref<128x128xf32, #tpu.memory_space<vmem>>) offsets(%dma_start3A_114 : memref<128xi32, #tpu.memory_space<vmem>>) semaphore(%arg12 : memref<!tpu.dma_semaphore, #tpu.memory_space<semaphore_mem>>)
        %scan3A_118 = arith.constant 0 : i32
        scf.yield %scan3A_118 : i32
      }
      %scan3A_64 = arith.constant 3 : i32
      %dma_wait3A = arith.constant 0 : i32
      %dma_wait3A_65 = arith.constant 0 : i32
      %dma_wait3A_66 = tpu.memref_slice %arg2[%dma_wait3A, %dma_wait3A_65] : memref<10000x128xf32, #tpu.memory_space<hbm>> -> memref<128x128xf32, #tpu.memory_space<hbm>>
      %dma_wait3A_67 = arith.constant 0 : i32
      %dma_wait3A_68 = arith.constant 0 : i32
      %dma_wait3A_69 = tpu.memref_slice %arg2[%dma_wait3A_67, %dma_wait3A_68] : memref<10000x128xf32, #tpu.memory_space<hbm>> -> memref<128x128xf32, #tpu.memory_space<hbm>>
      tpu.wait_dma2 semaphore(%arg11 : memref<!tpu.dma_semaphore, #tpu.memory_space<semaphore_mem>>) src(%dma_wait3A_69 : memref<128x128xf32, #tpu.memory_space<hbm>>) dst(%arg8 : memref<128x128xf32, #tpu.memory_space<vmem>>)
      %run_scoped3A = arith.constant 6 : i32
      "tpu.region"() ({
        %run_scoped3A_78 = tpu.sem_alloc : memref<!tpu.dma_semaphore, #tpu.memory_space<semaphore_mem>>
        %dma_start3A_79 = arith.constant 0 : i32
        %dma_start3A_80 = tpu.memref_slice %arg7[%run_scoped3A, %dma_start3A_79] : memref<8x128xi32, #tpu.memory_space<vmem>> -> memref<1x128xi32, #tpu.memory_space<vmem>>
        %dma_start3A_81 = tpu.memref_squeeze %dma_start3A_80 : memref<1x128xi32, #tpu.memory_space<vmem>> -> memref<128xi32, #tpu.memory_space<vmem>>
        %dma_start3A_82 = arith.constant 0 : i32
        %dma_start3A_83 = arith.constant 0 : i32
        %dma_start3A_84 = tpu.memref_slice %arg10[%dma_start3A_82, %dma_start3A_83] : memref<10240x128xf32, #tpu.memory_space<vmem_shared>> -> memref<10240x128xf32, #tpu.memory_space<vmem_shared>>
        tpu.enqueue_indirect_dma source(%arg8 : memref<128x128xf32, #tpu.memory_space<vmem>>) target(%dma_start3A_84 : memref<10240x128xf32, #tpu.memory_space<vmem_shared>>) offsets(%dma_start3A_81 : memref<128xi32, #tpu.memory_space<vmem>>) semaphore(%run_scoped3A_78 : memref<!tpu.dma_semaphore, #tpu.memory_space<semaphore_mem>>) {add = true}
        %dma_wait3A_85 = arith.constant 0 : i32
        %dma_wait3A_86 = tpu.memref_slice %arg7[%run_scoped3A, %dma_wait3A_85] : memref<8x128xi32, #tpu.memory_space<vmem>> -> memref<1x128xi32, #tpu.memory_space<vmem>>
        %dma_wait3A_87 = tpu.memref_squeeze %dma_wait3A_86 : memref<1x128xi32, #tpu.memory_space<vmem>> -> memref<128xi32, #tpu.memory_space<vmem>>
        %dma_wait3A_88 = arith.constant 0 : i32
        %dma_wait3A_89 = arith.constant 0 : i32
        %dma_wait3A_90 = tpu.memref_slice %arg10[%dma_wait3A_88, %dma_wait3A_89] : memref<10240x128xf32, #tpu.memory_space<vmem_shared>> -> memref<10240x128xf32, #tpu.memory_space<vmem_shared>>
        tpu.wait_indirect_dma semaphore(%run_scoped3A_78 : memref<!tpu.dma_semaphore, #tpu.memory_space<semaphore_mem>>) src(%arg8 : memref<128x128xf32, #tpu.memory_space<vmem>>) dst(%dma_wait3A_90 : memref<10240x128xf32, #tpu.memory_space<vmem_shared>>)
        tpu.yield
      }) : () -> ()
      %dma_wait3A_70 = arith.constant 0 : i32
      %dma_wait3A_71 = arith.constant 0 : i32
      %dma_wait3A_72 = tpu.memref_slice %arg2[%dma_wait3A_70, %dma_wait3A_71] : memref<10000x128xf32, #tpu.memory_space<hbm>> -> memref<128x128xf32, #tpu.memory_space<hbm>>
      %dma_wait3A_73 = arith.constant 0 : i32
      %dma_wait3A_74 = arith.constant 0 : i32
      %dma_wait3A_75 = tpu.memref_slice %arg2[%dma_wait3A_73, %dma_wait3A_74] : memref<10000x128xf32, #tpu.memory_space<hbm>> -> memref<128x128xf32, #tpu.memory_space<hbm>>
      tpu.wait_dma2 semaphore(%arg12 : memref<!tpu.dma_semaphore, #tpu.memory_space<semaphore_mem>>) src(%dma_wait3A_75 : memref<128x128xf32, #tpu.memory_space<hbm>>) dst(%arg9 : memref<128x128xf32, #tpu.memory_space<vmem>>)
      %run_scoped3A_76 = arith.constant 7 : i32
      "tpu.region"() ({
        %run_scoped3A_78 = tpu.sem_alloc : memref<!tpu.dma_semaphore, #tpu.memory_space<semaphore_mem>>
        %dma_start3A_79 = arith.constant 0 : i32
        %dma_start3A_80 = tpu.memref_slice %arg7[%run_scoped3A_76, %dma_start3A_79] : memref<8x128xi32, #tpu.memory_space<vmem>> -> memref<1x128xi32, #tpu.memory_space<vmem>>
        %dma_start3A_81 = tpu.memref_squeeze %dma_start3A_80 : memref<1x128xi32, #tpu.memory_space<vmem>> -> memref<128xi32, #tpu.memory_space<vmem>>
        %dma_start3A_82 = arith.constant 0 : i32
        %dma_start3A_83 = arith.constant 0 : i32
        %dma_start3A_84 = tpu.memref_slice %arg10[%dma_start3A_82, %dma_start3A_83] : memref<10240x128xf32, #tpu.memory_space<vmem_shared>> -> memref<10240x128xf32, #tpu.memory_space<vmem_shared>>
        tpu.enqueue_indirect_dma source(%arg9 : memref<128x128xf32, #tpu.memory_space<vmem>>) target(%dma_start3A_84 : memref<10240x128xf32, #tpu.memory_space<vmem_shared>>) offsets(%dma_start3A_81 : memref<128xi32, #tpu.memory_space<vmem>>) semaphore(%run_scoped3A_78 : memref<!tpu.dma_semaphore, #tpu.memory_space<semaphore_mem>>) {add = true}
        %dma_wait3A_85 = arith.constant 0 : i32
        %dma_wait3A_86 = tpu.memref_slice %arg7[%run_scoped3A_76, %dma_wait3A_85] : memref<8x128xi32, #tpu.memory_space<vmem>> -> memref<1x128xi32, #tpu.memory_space<vmem>>
        %dma_wait3A_87 = tpu.memref_squeeze %dma_wait3A_86 : memref<1x128xi32, #tpu.memory_space<vmem>> -> memref<128xi32, #tpu.memory_space<vmem>>
        %dma_wait3A_88 = arith.constant 0 : i32
        %dma_wait3A_89 = arith.constant 0 : i32
        %dma_wait3A_90 = tpu.memref_slice %arg10[%dma_wait3A_88, %dma_wait3A_89] : memref<10240x128xf32, #tpu.memory_space<vmem_shared>> -> memref<10240x128xf32, #tpu.memory_space<vmem_shared>>
        tpu.wait_indirect_dma semaphore(%run_scoped3A_78 : memref<!tpu.dma_semaphore, #tpu.memory_space<semaphore_mem>>) src(%arg9 : memref<128x128xf32, #tpu.memory_space<vmem>>) dst(%dma_wait3A_90 : memref<10240x128xf32, #tpu.memory_space<vmem_shared>>)
        tpu.yield
      }) : () -> ()
      %while3A_77 = arith.constant 0 : i32
      scf.yield %while3A_77 : i32
    }
    %barrier3A_36 = arith.constant 0 : index
    tpu.barrier barrier_id(%barrier3A_36)
    %mul3A_37 = arith.constant 10240 : i32
    %mul3A_38 = arith.muli %arg0, %mul3A_37 : i32
    %add3A_39 = arith.addi %mul3A_38, %mul3A_0 : i32
    "tpu.region"() ({
      %run_scoped3A = tpu.sem_alloc : memref<!tpu.dma_semaphore, #tpu.memory_space<semaphore_mem>>
      %dma_start3A = arith.constant 0 : i32
      %dma_start3A_40 = tpu.memref_slice %arg5[%add3A_39, %dma_start3A] : memref<20480x128xf32, #tpu.memory_space<hbm>> -> memref<640x128xf32, #tpu.memory_space<hbm>>
      %dma_start3A_41 = arith.constant 0 : i32
      %dma_start3A_42 = tpu.memref_slice %arg10[%mul3A_0, %dma_start3A_41] : memref<10240x128xf32, #tpu.memory_space<vmem_shared>> -> memref<640x128xf32, #tpu.memory_space<vmem_shared>>
      tpu.enqueue_dma source(%dma_start3A_42 : memref<640x128xf32, #tpu.memory_space<vmem_shared>>) target(%dma_start3A_40 : memref<640x128xf32, #tpu.memory_space<hbm>>) target_semaphore(%run_scoped3A : memref<!tpu.dma_semaphore, #tpu.memory_space<semaphore_mem>>)
      %dma_wait3A = arith.constant 0 : i32
      %dma_wait3A_43 = tpu.memref_slice %arg5[%add3A_39, %dma_wait3A] : memref<20480x128xf32, #tpu.memory_space<hbm>> -> memref<640x128xf32, #tpu.memory_space<hbm>>
      %dma_wait3A_44 = arith.constant 0 : i32
      %dma_wait3A_45 = tpu.memref_slice %arg10[%mul3A_0, %dma_wait3A_44] : memref<10240x128xf32, #tpu.memory_space<vmem_shared>> -> memref<640x128xf32, #tpu.memory_space<vmem_shared>>
      tpu.wait_dma2 semaphore(%run_scoped3A : memref<!tpu.dma_semaphore, #tpu.memory_space<semaphore_mem>>) src(%dma_wait3A_45 : memref<640x128xf32, #tpu.memory_space<vmem_shared>>) dst(%dma_wait3A_43 : memref<640x128xf32, #tpu.memory_space<hbm>>)
      tpu.yield
    }) : () -> ()
    return
  }
}

module attributes {stable_mosaic.version = 14 : i64} {
  func.func @_mm_body(%arg0: i32, %arg1: memref<2000x128xf32, #tpu.memory_space<vmem>>, %arg2: memref<128x128xf32, #tpu.memory_space<vmem>>, %arg3: memref<2000x128xf32, #tpu.memory_space<vmem>>) attributes {dimension_semantics = [#tpu.dimension_semantics<arbitrary>], iteration_bounds = array<i64: 5>, scalar_prefetch = 0 : i64, scratch_operands = 0 : i64, tpu.core_type = #tpu.core_type<tc>, window_params = [{transform_indices = @transform_0, window_bounds = array<i64: 2000, 128>}, {pipeline_mode = #tpu.pipeline_mode<synchronous>, transform_indices = @transform_1, window_bounds = array<i64: 128, 128>}, {transform_indices = @transform_2, window_bounds = array<i64: 2000, 128>}]} {
    %get3A = arith.constant 0 : index
    %get3A_0 = arith.constant 0 : index
    %get3A_1 = vector.load %arg1[%get3A, %get3A_0] : memref<2000x128xf32, #tpu.memory_space<vmem>>, vector<2000x128xf32>
    %get3A_2 = arith.constant 0 : index
    %get3A_3 = arith.constant 0 : index
    %get3A_4 = vector.load %arg2[%get3A_2, %get3A_3] : memref<128x128xf32, #tpu.memory_space<vmem>>, vector<128x128xf32>
    %dot_general3A = arith.constant dense<0.000000e+00> : vector<2000x128xf32>
    %dot_general3A_5 = tpu.matmul %get3A_1, %get3A_4, %dot_general3A {dimension_numbers = #tpu.dot_dimension_numbers<[1], [0], [0], [1], [0, 0, 1, 1], [], []>, transpose_lhs_hint = false} : vector<2000x128xf32>, vector<128x128xf32>, vector<2000x128xf32> -> vector<2000x128xf32>
    %swap3A = arith.constant 0 : index
    %swap3A_6 = arith.constant 0 : index
    %swap3A_7 = vector.load %arg3[%swap3A, %swap3A_6] : memref<2000x128xf32, #tpu.memory_space<vmem>>, vector<2000x128xf32>
    tpu.vector_store %arg3[%swap3A, %swap3A_6], %dot_general3A_5 {strides = array<i32>} : memref<2000x128xf32, #tpu.memory_space<vmem>>, vector<2000x128xf32>,
    return
  }
  func.func @transform_0(%arg0: i32) -> (i32, i32) {
    %c0_i32 = arith.constant 0 : i32
    %c0_i32_0 = arith.constant 0 : i32
    return %arg0, %c0_i32 : i32, i32
  }
  func.func @transform_1(%arg0: i32) -> (i32, i32) {
    %c0_i32 = arith.constant 0 : i32
    %c0_i32_0 = arith.constant 0 : i32
    %c0_i32_1 = arith.constant 0 : i32
    return %c0_i32, %c0_i32_0 : i32, i32
  }
  func.func @transform_2(%arg0: i32) -> (i32, i32) {
    %c0_i32 = arith.constant 0 : i32
    %c0_i32_0 = arith.constant 0 : i32
    return %arg0, %c0_i32 : i32, i32
  }
}

module attributes {stable_mosaic.version = 14 : i64} {
  func.func @_fuse1_body(%arg0: i32, %arg1: memref<2000x128xf32, #tpu.memory_space<vmem>>, %arg2: memref<128x128xf32, #tpu.memory_space<vmem>>, %arg3: memref<1x128xf32, #tpu.memory_space<vmem>>, %arg4: memref<2x2000x128xf32, #tpu.memory_space<vmem>>, %arg5: memref<2x2000x1xf32, #tpu.memory_space<vmem>>, %arg6: memref<128x128xf32, #tpu.memory_space<vmem>>, %arg7: memref<2000x128xf32, #tpu.memory_space<vmem>>, %arg8: memref<2000x128xf32, #tpu.memory_space<vmem>>) attributes {dimension_semantics = [#tpu.dimension_semantics<arbitrary>], iteration_bounds = array<i64: 5>, scalar_prefetch = 0 : i64, scratch_operands = 0 : i64, tpu.core_type = #tpu.core_type<tc>, window_params = [{transform_indices = @transform_0, window_bounds = array<i64: 2000, 128>}, {pipeline_mode = #tpu.pipeline_mode<synchronous>, transform_indices = @transform_1, window_bounds = array<i64: 128, 128>}, {pipeline_mode = #tpu.pipeline_mode<synchronous>, transform_indices = @transform_2, window_bounds = array<i64: 1, 128>}, {transform_indices = @transform_3, window_bounds = array<i64: 2, 2000, 128>}, {transform_indices = @transform_4, window_bounds = array<i64: 2, 2000, 1>}, {pipeline_mode = #tpu.pipeline_mode<synchronous>, transform_indices = @transform_5, window_bounds = array<i64: 128, 128>}, {transform_indices = @transform_6, window_bounds = array<i64: 2000, 128>}, {transform_indices = @transform_7, window_bounds = array<i64: 2000, 128>}]} {
    %get3A = arith.constant 0 : index
    %get3A_0 = arith.constant 0 : index
    %get3A_1 = arith.constant 0 : index
    %get3A_2 = vector.load %arg4[%get3A, %get3A_0, %get3A_1] : memref<2x2000x128xf32, #tpu.memory_space<vmem>>, vector<1x2000x128xf32>
    %get3A_3 = vector.shape_cast %get3A_2 : vector<1x2000x128xf32> to vector<2000x128xf32>
    %get3A_4 = arith.constant 1 : index
    %get3A_5 = arith.constant 0 : index
    %get3A_6 = arith.constant 0 : index
    %get3A_7 = vector.load %arg4[%get3A_4, %get3A_5, %get3A_6] : memref<2x2000x128xf32, #tpu.memory_space<vmem>>, vector<1x2000x128xf32>
    %get3A_8 = vector.shape_cast %get3A_7 : vector<1x2000x128xf32> to vector<2000x128xf32>
    %add3A = arith.addf %get3A_3, %get3A_8 : vector<2000x128xf32>
    %get3A_9 = arith.constant 0 : index
    %get3A_10 = arith.constant 0 : index
    %get3A_11 = arith.constant 0 : index
    %get3A_12 = vector.load %arg5[%get3A_9, %get3A_10, %get3A_11] : memref<2x2000x1xf32, #tpu.memory_space<vmem>>, vector<1x2000x1xf32>
    %get3A_13 = vector.shape_cast %get3A_12 : vector<1x2000x1xf32> to vector<2000x1xf32>
    %get3A_14 = arith.constant 1 : index
    %get3A_15 = arith.constant 0 : index
    %get3A_16 = arith.constant 0 : index
    %get3A_17 = vector.load %arg5[%get3A_14, %get3A_15, %get3A_16] : memref<2x2000x1xf32, #tpu.memory_space<vmem>>, vector<1x2000x1xf32>
    %get3A_18 = vector.shape_cast %get3A_17 : vector<1x2000x1xf32> to vector<2000x1xf32>
    %add3A_19 = arith.addf %get3A_13, %get3A_18 : vector<2000x1xf32>
    %max3A = arith.constant 1.000000e+00 : f32
    %max3A_20 = vector.broadcast %max3A : f32 to vector<2000x1xf32>
    %max3A_21 = arith.maximumf %add3A_19, %max3A_20 : vector<2000x1xf32>
    %div3A = arith.constant 1.000000e+00 : f32
    %div3A_22 = vector.broadcast %div3A : f32 to vector<2000x1xf32>
    %div3A_23 = arith.divf %div3A_22, %max3A_21 : vector<2000x1xf32>
    %get3A_24 = arith.constant 0 : index
    %get3A_25 = arith.constant 0 : index
    %get3A_26 = vector.load %arg1[%get3A_24, %get3A_25] : memref<2000x128xf32, #tpu.memory_space<vmem>>, vector<2000x128xf32>
    %get3A_27 = arith.constant 0 : index
    %get3A_28 = arith.constant 0 : index
    %get3A_29 = vector.load %arg2[%get3A_27, %get3A_28] : memref<128x128xf32, #tpu.memory_space<vmem>>, vector<128x128xf32>
    %dot_general3A = arith.constant dense<0.000000e+00> : vector<2000x128xf32>
    %dot_general3A_30 = tpu.matmul %get3A_26, %get3A_29, %dot_general3A {dimension_numbers = #tpu.dot_dimension_numbers<[1], [0], [0], [1], [0, 0, 1, 1], [], []>, transpose_lhs_hint = false} : vector<2000x128xf32>, vector<128x128xf32>, vector<2000x128xf32> -> vector<2000x128xf32>
    %mul3A = vector.broadcast %div3A_23 : vector<2000x1xf32> to vector<2000x128xf32>
    %mul3A_31 = arith.mulf %add3A, %mul3A : vector<2000x128xf32>
    %add3A_32 = arith.addf %dot_general3A_30, %mul3A_31 : vector<2000x128xf32>
    %get3A_33 = arith.constant 0 : index
    %get3A_34 = arith.constant 0 : index
    %get3A_35 = vector.load %arg3[%get3A_33, %get3A_34] : memref<1x128xf32, #tpu.memory_space<vmem>>, vector<1x128xf32>
    %add3A_36 = vector.broadcast %get3A_35 : vector<1x128xf32> to vector<2000x128xf32>
    %add3A_37 = arith.addf %add3A_32, %add3A_36 : vector<2000x128xf32>
    %max3A_38 = arith.constant 0.000000e+00 : f32
    %max3A_39 = vector.broadcast %max3A_38 : f32 to vector<2000x128xf32>
    %max3A_40 = arith.maximumf %add3A_37, %max3A_39 : vector<2000x128xf32>
    %swap3A = arith.constant 0 : index
    %swap3A_41 = arith.constant 0 : index
    %swap3A_42 = vector.load %arg7[%swap3A, %swap3A_41] : memref<2000x128xf32, #tpu.memory_space<vmem>>, vector<2000x128xf32>
    tpu.vector_store %arg7[%swap3A, %swap3A_41], %max3A_40 {strides = array<i32>} : memref<2000x128xf32, #tpu.memory_space<vmem>>, vector<2000x128xf32>,
    %get3A_43 = arith.constant 0 : index
    %get3A_44 = arith.constant 0 : index
    %get3A_45 = vector.load %arg6[%get3A_43, %get3A_44] : memref<128x128xf32, #tpu.memory_space<vmem>>, vector<128x128xf32>
    %dot_general3A_46 = arith.constant dense<0.000000e+00> : vector<2000x128xf32>
    %dot_general3A_47 = tpu.matmul %max3A_40, %get3A_45, %dot_general3A_46 {dimension_numbers = #tpu.dot_dimension_numbers<[1], [0], [0], [1], [0, 0, 1, 1], [], []>, transpose_lhs_hint = false} : vector<2000x128xf32>, vector<128x128xf32>, vector<2000x128xf32> -> vector<2000x128xf32>
    %swap3A_48 = arith.constant 0 : index
    %swap3A_49 = arith.constant 0 : index
    %swap3A_50 = vector.load %arg8[%swap3A_48, %swap3A_49] : memref<2000x128xf32, #tpu.memory_space<vmem>>, vector<2000x128xf32>
    tpu.vector_store %arg8[%swap3A_48, %swap3A_49], %dot_general3A_47 {strides = array<i32>} : memref<2000x128xf32, #tpu.memory_space<vmem>>, vector<2000x128xf32>,
    return
  }
  func.func @transform_0(%arg0: i32) -> (i32, i32) {
    %c0_i32 = arith.constant 0 : i32
    %c0_i32_0 = arith.constant 0 : i32
    return %arg0, %c0_i32 : i32, i32
  }
  func.func @transform_1(%arg0: i32) -> (i32, i32) {
    %c0_i32 = arith.constant 0 : i32
    %c0_i32_0 = arith.constant 0 : i32
    %c0_i32_1 = arith.constant 0 : i32
    return %c0_i32, %c0_i32_0 : i32, i32
  }
  func.func @transform_2(%arg0: i32) -> (i32, i32) {
    %c0_i32 = arith.constant 0 : i32
    %c0_i32_0 = arith.constant 0 : i32
    %c0_i32_1 = arith.constant 0 : i32
    return %c0_i32, %c0_i32_0 : i32, i32
  }
  func.func @transform_3(%arg0: i32) -> (i32, i32, i32) {
    %c0_i32 = arith.constant 0 : i32
    %c0_i32_0 = arith.constant 0 : i32
    %c0_i32_1 = arith.constant 0 : i32
    return %c0_i32, %arg0, %c0_i32_0 : i32, i32, i32
  }
  func.func @transform_4(%arg0: i32) -> (i32, i32, i32) {
    %c0_i32 = arith.constant 0 : i32
    %c0_i32_0 = arith.constant 0 : i32
    %c0_i32_1 = arith.constant 0 : i32
    return %c0_i32, %arg0, %c0_i32_0 : i32, i32, i32
  }
  func.func @transform_5(%arg0: i32) -> (i32, i32) {
    %c0_i32 = arith.constant 0 : i32
    %c0_i32_0 = arith.constant 0 : i32
    %c0_i32_1 = arith.constant 0 : i32
    return %c0_i32, %c0_i32_0 : i32, i32
  }
  func.func @transform_6(%arg0: i32) -> (i32, i32) {
    %c0_i32 = arith.constant 0 : i32
    %c0_i32_0 = arith.constant 0 : i32
    return %arg0, %c0_i32 : i32, i32
  }
  func.func @transform_7(%arg0: i32) -> (i32, i32) {
    %c0_i32 = arith.constant 0 : i32
    %c0_i32_0 = arith.constant 0 : i32
    return %arg0, %c0_i32 : i32, i32
  }
}

module attributes {stable_mosaic.version = 14 : i64} {
  func.func @_fuse2_body(%arg0: i32, %arg1: memref<2000x128xf32, #tpu.memory_space<vmem>>, %arg2: memref<128x128xf32, #tpu.memory_space<vmem>>, %arg3: memref<1x128xf32, #tpu.memory_space<vmem>>, %arg4: memref<2x2000x128xf32, #tpu.memory_space<vmem>>, %arg5: memref<2x2000x1xf32, #tpu.memory_space<vmem>>, %arg6: memref<2000x128xf32, #tpu.memory_space<vmem>>) attributes {dimension_semantics = [#tpu.dimension_semantics<arbitrary>], iteration_bounds = array<i64: 5>, scalar_prefetch = 0 : i64, scratch_operands = 0 : i64, tpu.core_type = #tpu.core_type<tc>, window_params = [{transform_indices = @transform_0, window_bounds = array<i64: 2000, 128>}, {pipeline_mode = #tpu.pipeline_mode<synchronous>, transform_indices = @transform_1, window_bounds = array<i64: 128, 128>}, {pipeline_mode = #tpu.pipeline_mode<synchronous>, transform_indices = @transform_2, window_bounds = array<i64: 1, 128>}, {transform_indices = @transform_3, window_bounds = array<i64: 2, 2000, 128>}, {transform_indices = @transform_4, window_bounds = array<i64: 2, 2000, 1>}, {transform_indices = @transform_5, window_bounds = array<i64: 2000, 128>}]} {
    %get3A = arith.constant 0 : index
    %get3A_0 = arith.constant 0 : index
    %get3A_1 = arith.constant 0 : index
    %get3A_2 = vector.load %arg4[%get3A, %get3A_0, %get3A_1] : memref<2x2000x128xf32, #tpu.memory_space<vmem>>, vector<1x2000x128xf32>
    %get3A_3 = vector.shape_cast %get3A_2 : vector<1x2000x128xf32> to vector<2000x128xf32>
    %get3A_4 = arith.constant 1 : index
    %get3A_5 = arith.constant 0 : index
    %get3A_6 = arith.constant 0 : index
    %get3A_7 = vector.load %arg4[%get3A_4, %get3A_5, %get3A_6] : memref<2x2000x128xf32, #tpu.memory_space<vmem>>, vector<1x2000x128xf32>
    %get3A_8 = vector.shape_cast %get3A_7 : vector<1x2000x128xf32> to vector<2000x128xf32>
    %add3A = arith.addf %get3A_3, %get3A_8 : vector<2000x128xf32>
    %get3A_9 = arith.constant 0 : index
    %get3A_10 = arith.constant 0 : index
    %get3A_11 = arith.constant 0 : index
    %get3A_12 = vector.load %arg5[%get3A_9, %get3A_10, %get3A_11] : memref<2x2000x1xf32, #tpu.memory_space<vmem>>, vector<1x2000x1xf32>
    %get3A_13 = vector.shape_cast %get3A_12 : vector<1x2000x1xf32> to vector<2000x1xf32>
    %get3A_14 = arith.constant 1 : index
    %get3A_15 = arith.constant 0 : index
    %get3A_16 = arith.constant 0 : index
    %get3A_17 = vector.load %arg5[%get3A_14, %get3A_15, %get3A_16] : memref<2x2000x1xf32, #tpu.memory_space<vmem>>, vector<1x2000x1xf32>
    %get3A_18 = vector.shape_cast %get3A_17 : vector<1x2000x1xf32> to vector<2000x1xf32>
    %add3A_19 = arith.addf %get3A_13, %get3A_18 : vector<2000x1xf32>
    %max3A = arith.constant 1.000000e+00 : f32
    %max3A_20 = vector.broadcast %max3A : f32 to vector<2000x1xf32>
    %max3A_21 = arith.maximumf %add3A_19, %max3A_20 : vector<2000x1xf32>
    %div3A = arith.constant 1.000000e+00 : f32
    %div3A_22 = vector.broadcast %div3A : f32 to vector<2000x1xf32>
    %div3A_23 = arith.divf %div3A_22, %max3A_21 : vector<2000x1xf32>
    %get3A_24 = arith.constant 0 : index
    %get3A_25 = arith.constant 0 : index
    %get3A_26 = vector.load %arg1[%get3A_24, %get3A_25] : memref<2000x128xf32, #tpu.memory_space<vmem>>, vector<2000x128xf32>
    %get3A_27 = arith.constant 0 : index
    %get3A_28 = arith.constant 0 : index
    %get3A_29 = vector.load %arg2[%get3A_27, %get3A_28] : memref<128x128xf32, #tpu.memory_space<vmem>>, vector<128x128xf32>
    %dot_general3A = arith.constant dense<0.000000e+00> : vector<2000x128xf32>
    %dot_general3A_30 = tpu.matmul %get3A_26, %get3A_29, %dot_general3A {dimension_numbers = #tpu.dot_dimension_numbers<[1], [0], [0], [1], [0, 0, 1, 1], [], []>, transpose_lhs_hint = false} : vector<2000x128xf32>, vector<128x128xf32>, vector<2000x128xf32> -> vector<2000x128xf32>
    %mul3A = vector.broadcast %div3A_23 : vector<2000x1xf32> to vector<2000x128xf32>
    %mul3A_31 = arith.mulf %add3A, %mul3A : vector<2000x128xf32>
    %add3A_32 = arith.addf %dot_general3A_30, %mul3A_31 : vector<2000x128xf32>
    %get3A_33 = arith.constant 0 : index
    %get3A_34 = arith.constant 0 : index
    %get3A_35 = vector.load %arg3[%get3A_33, %get3A_34] : memref<1x128xf32, #tpu.memory_space<vmem>>, vector<1x128xf32>
    %add3A_36 = vector.broadcast %get3A_35 : vector<1x128xf32> to vector<2000x128xf32>
    %add3A_37 = arith.addf %add3A_32, %add3A_36 : vector<2000x128xf32>
    %swap3A = arith.constant 0 : index
    %swap3A_38 = arith.constant 0 : index
    %swap3A_39 = vector.load %arg6[%swap3A, %swap3A_38] : memref<2000x128xf32, #tpu.memory_space<vmem>>, vector<2000x128xf32>
    tpu.vector_store %arg6[%swap3A, %swap3A_38], %add3A_37 {strides = array<i32>} : memref<2000x128xf32, #tpu.memory_space<vmem>>, vector<2000x128xf32>,
    return
  }
  func.func @transform_0(%arg0: i32) -> (i32, i32) {
    %c0_i32 = arith.constant 0 : i32
    %c0_i32_0 = arith.constant 0 : i32
    return %arg0, %c0_i32 : i32, i32
  }
  func.func @transform_1(%arg0: i32) -> (i32, i32) {
    %c0_i32 = arith.constant 0 : i32
    %c0_i32_0 = arith.constant 0 : i32
    %c0_i32_1 = arith.constant 0 : i32
    return %c0_i32, %c0_i32_0 : i32, i32
  }
  func.func @transform_2(%arg0: i32) -> (i32, i32) {
    %c0_i32 = arith.constant 0 : i32
    %c0_i32_0 = arith.constant 0 : i32
    %c0_i32_1 = arith.constant 0 : i32
    return %c0_i32, %c0_i32_0 : i32, i32
  }
  func.func @transform_3(%arg0: i32) -> (i32, i32, i32) {
    %c0_i32 = arith.constant 0 : i32
    %c0_i32_0 = arith.constant 0 : i32
    %c0_i32_1 = arith.constant 0 : i32
    return %c0_i32, %arg0, %c0_i32_0 : i32, i32, i32
  }
  func.func @transform_4(%arg0: i32) -> (i32, i32, i32) {
    %c0_i32 = arith.constant 0 : i32
    %c0_i32_0 = arith.constant 0 : i32
    %c0_i32_1 = arith.constant 0 : i32
    return %c0_i32, %arg0, %c0_i32_0 : i32, i32, i32
  }
  func.func @transform_5(%arg0: i32) -> (i32, i32) {
    %c0_i32 = arith.constant 0 : i32
    %c0_i32_0 = arith.constant 0 : i32
    return %arg0, %c0_i32 : i32, i32
  }
}

</mosaic_0001>

<sc_bundles>
// kernel: kernel.11.cloned.1.call-start
scs
__scs_entry_jumppad:
0x0: {  	(pc) =	sbr.rel $0x88, $3  }
0x1: {  	(tag) =	ssettag $0x0;
	lr =	simm.s32 $0x1  }
0x2: {  	[smem:$0x3F99] =	sst lr;
	_ =	strace $0xD0000000  }
0x3: {  	_ = 	snop  }
0x4: {  	_ = 	snop  }
0x5: {  	_ = 	snop  }
0x6: {  	_ = 	snop  }
0x7: {  	_ = 	snop  }
__scs_overlays_trampoline_lowered:
0x8: {  	[smem:$0x3FA8] =	sst s0  }
0x9: {  	[smem:$0x3FA9] =	sst s1  }
0xa: {  	[smem:$0x3FAA] =	sst s2  }
0xb: {  	[smem:$0x3FAB] =	sst s3  }
0xc: {  	[smem:$0x3FAC] =	sst s4  }
0xd: {  	[smem:$0x3FAD] =	sst s5  }
0xe: {  	[smem:$0x3FAE] =	sst s6  }
0xf: {  	[smem:$0x3FAF] =	sst s7  }
0x10: {  	[smem:$0x3FB0] =	sst s8  }
0x11: {  	[smem:$0x3FB1] =	sst s9;
	s0 =	simm.s32 @!p0 $0x0  }
0x12: {  	s1 =	sld [smem:$0x3F97];
	s0 =	simm.s32 @p0 $0x1  }
0x13: {  	[smem:$0x3FB2] =	sst s0;
	s0 =	simm.s32 @!p1 $0x0  }
0x14: {  	s2 =	sld [smem:$0x3F96];
	s0 =	simm.s32 @p1 $0x1  }
0x15: {  	[smem:$0x3FB3] =	sst s0;
	s0 =	simm.s32 @!p2 $0x0  }
0x16: {  	s3 =	sld [smem:$0x3FDB];
	s0 =	simm.s32 @p2 $0x1  }
0x17: {  	s4 =	simm.s32 $0x1BF5;
	[smem:$0x3FB5] =	sst s0  }
0x18: {  	s0 =	sld [smem:$0x3F98];
	_ =	swait.ge [sflag:s4], $0x0  }
0x19: {  	s7 =	sld [smem:$0x3F99]  }
0x1a: {  	s8 =	sadd.s32 $0xFFFFE003, lr  }
0x1b: {  	s9 =	sadd.s32 $0xFFFFFEF7, lr;
	s5 =	simm.s32 $0xFFFFFFFF;
	p2 =	slt.u32 s8, $0xFFFFF086  }
0x1c: {  	p1 =	slt.u32 s9, $0xF7A;
	s5 =	simm.s32 @!p2 $0x0  }
0x1d: {  	s5 =	simm.s32 @p1 $0x1;
	p0 =	seq.s32 s7, s2  }
0x1e: {  	s7 =	smul.u32 @!p0 $0xF7A, s2;
	p2 =	seq.s32 @!p0 s5, $0x0  }
0x1f: {  	s9 =	smul.u32 $0xF7A, s1;
	s8 =	simm.s32 @!p0 $0x1BF5;
	p2 =	por !p2, p0  }
0x20: {  	[sflag:s8] =	ssyncset.s32 @!p0 $0xFFFFF086;
	s6 =	sadd.s32 @!p0 s3, s7;
	s7 =	simm.s32 @!p0 $0x108  }
0x21: {  	s3 =	sadd.s32 s3, s9;
	s6 =	sadd.s32 @!p0 $0x88, s6;
	s7 =	simm.s32 @p2 $0x1082  }
0x22: {  	[simem:s7], [sflag:s8] =	dma.local @!p0 [hbm:s6], $0xF7A  }
0x23: {  	s9 =	sor.u32 $0xD0000000, s2;
	s6 =	simm.s32 $0x108;
	_ =	swait.ge @!p0 [sflag:s8], $0x0  }
0x24: {  	s3 =	sadd.s32 $0x88, s3;
	s6 =	simm.s32 @!p1 $0x1082;
	[sflag:s4] =	ssyncset.s32 $0xFFFFF086  }
0x25: {  	[simem:s6], [sflag:s4] =	dma.local [hbm:s3], $0xF7A  }
0x26: {  	[smem:$0x3F99] =	sst s1;
	(tag) =	ssettag s2;
	_ =	strace s9  }
0x27: {  	s1 =	sld [smem:$0x3FA9]  }
0x28: {  	s2 =	sld [smem:$0x3FAA]  }
0x29: {  	s4 =	sld [smem:$0x3FAC]  }
0x2a: {  	p0 =	seq.s32 s5, $0x0;
	s5 =	sld [smem:$0x3FAD]  }
0x2b: {  	s6 =	sld [smem:$0x3FAE]  }
0x2c: {  	s7 =	sld [smem:$0x3FAF]  }
0x2d: {  	s3 =	simm.s32 $0x108;
	s8 =	sld [smem:$0x3FB0]  }
0x2e: {  	s3 =	simm.s32 @!p0 $0x1082;
	s9 =	sld [smem:$0x3FB1]  }
0x2f: {  	lr =	sadd.s32 s0, s3;
	s0 =	sld [smem:$0x3FA8]  }
0x30: {  	s3 =	sld [smem:$0x3FAB]  }
0x31: {  	[smem:$0x3FB4] =	sst s10  }
0x32: {  	s10 =	sld [smem:$0x3FB2];
	_ =	sdelay $0x3  }
0x33: {  	p0 =	seq.s32 s10, $0x1;
	s10 =	sld [smem:$0x3FB4];
	_ =	sdelay $0x3  }
0x34: {  	[smem:$0x3FB4] =	sst s10  }
0x35: {  	s10 =	sld [smem:$0x3FB3];
	_ =	sdelay $0x3  }
0x36: {  	p1 =	seq.s32 s10, $0x1;
	s10 =	sld [smem:$0x3FB4];
	_ =	sdelay $0x3  }
0x37: {  	[smem:$0x3FB4] =	sst s10  }
0x38: {  	s10 =	sld [smem:$0x3FB5]  }
0x39: {  	_ = 	snop;
	(pc) =	sbr.ind lr, $3  }
0x3a: {  	_ = 	snop  }
0x3b: {  	_ = 	snop  }
0x3c: {  	p2 =	seq.s32 s10, $0x1;
	s10 =	sld [smem:$0x3FB4]  }
0x3d: {  	_ =	shalt  }
0x3e: {  	_ =	shalt  }
0x3f: {  	_ =	shalt  }
0x40: {  	_ =	shalt  }
0x41: {  	_ =	shalt  }
0x42: {  	_ =	shalt  }
0x43: {  	_ =	shalt  }
0x44: {  	_ =	shalt  }
0x45: {  	_ =	shalt  }
0x46: {  	_ =	shalt  }
0x47: {  	_ =	shalt  }
0x48: {  	_ =	shalt  }
0x49: {  	_ =	shalt  }
0x4a: {  	_ =	shalt  }
0x4b: {  	_ =	shalt  }
0x4c: {  	_ =	shalt  }
0x4d: {  	_ =	shalt  }
0x4e: {  	_ =	shalt  }
0x4f: {  	_ =	shalt  }
0x50: {  	_ =	shalt  }
0x51: {  	_ =	shalt  }
0x52: {  	_ =	shalt  }
0x53: {  	_ =	shalt  }
0x54: {  	_ =	shalt  }
0x55: {  	_ =	shalt  }
0x56: {  	_ =	shalt  }
0x57: {  	_ =	shalt  }
0x58: {  	_ =	shalt  }
0x59: {  	_ =	shalt  }
0x5a: {  	_ =	shalt  }
0x5b: {  	_ =	shalt  }
0x5c: {  	_ =	shalt  }
0x5d: {  	_ =	shalt  }
0x5e: {  	_ =	shalt  }
0x5f: {  	_ =	shalt  }
0x60: {  	_ =	shalt  }
0x61: {  	_ =	shalt  }
0x62: {  	_ =	shalt  }
0x63: {  	_ =	shalt  }
0x64: {  	_ =	shalt  }
0x65: {  	_ =	shalt  }
0x66: {  	_ =	shalt  }
0x67: {  	_ =	shalt  }
0x68: {  	_ =	shalt  }
0x69: {  	_ =	shalt  }
0x6a: {  	_ =	shalt  }
0x6b: {  	_ =	shalt  }
0x6c: {  	_ =	shalt  }
0x6d: {  	_ =	shalt  }
0x6e: {  	_ =	shalt  }
0x6f: {  	_ =	shalt  }
0x70: {  	_ =	shalt  }
0x71: {  	_ =	shalt  }
0x72: {  	_ =	shalt  }
0x73: {  	_ =	shalt  }
0x74: {  	_ =	shalt  }
0x75: {  	_ =	shalt  }
0x76: {  	_ =	shalt  }
0x77: {  	_ =	shalt  }
0x78: {  	_ =	shalt  }
0x79: {  	_ =	shalt  }
0x7a: {  	_ =	shalt  }
0x7b: {  	_ =	shalt  }
0x7c: {  	_ =	shalt  }
0x7d: {  	_ =	shalt  }
0x7e: {  	_ =	shalt  }
0x7f: {  	_ =	shalt  }
0x80: {  	_ =	shalt  }
0x81: {  	_ =	shalt  }
0x82: {  	_ =	shalt  }
0x83: {  	_ =	shalt  }
0x84: {  	_ =	shalt  }
0x85: {  	_ =	shalt  }
0x86: {  	_ =	shalt  }
0x87: {  	_ =	shalt  }
.Lfunc_end0:
.L_simem_size_0:
called_computation.1_lowered:
.L_overlay_start_0:
0x88: {  	s2 =	sld [smem:$0x3FD9]  }
0x89: {  	s3 =	sld [smem:$0x3FFE];
	_ =	sdelay $0x1  }
0x8a: {  	s1 =	srdreg.scid  }
0x8b: {  	s0 =	sand.u32 $0x1, s1  }
0x8c: {  	s17 =	sshll.u32 s0, $0xA;
	s2 =	sadd.s32 s3, s2  }
0x8d: {  	s2 =	sadd.s32 s2, s17  }
0x8e: {  	[smem:$0x3FC0] =	sst s2  }
0x8f: {  	_ = 	snop  }
0x90: {  	s2 =	sld [smem:$0x3FD0];
	(tm) =	ssettm $0x1  }
0x91: {  	s18 =	sld [smem:$0x3FFB];
	_ =	sdelay $0x3  }
0x92: {  	_ =	strace s18  }
0x93: {  	s3 =	sld [smem:$0x3FFC];
	_ =	sdelay $0x3  }
0x94: {  	_ =	strace s3  }
0x95: {  	s3 =	sld [smem:$0x3FFD];
	_ =	sdelay $0x3  }
0x96: {  	_ =	strace s3  }
0x97: {  	_ =	strace $0x8FFFFFFF  }
0x98: {  	s19 =	sld [smem:$0x3FDB];
	_ =	sdelay $0x1  }
0x99: {  	s4 =	simm.s32 $_scs_section_size  }
0x9a: {  	s5 =	simm.s32 $_size__tile_overlayer_lowered;
	s6 =	simm.s32 $_tile_overlayer_lowered  }
0x9b: {  	s22 =	simm.s32 $0x1BFF;
	s21 =	sshll.u32 s6, $0x1;
	s3 =	sadd.s32 s4, s19  }
0x9c: {  	s7 =	simm.s32 $0x0;
	s20 =	sshll.u32 s5, $0x1;
	s5 =	sadd.s32 s21, s3  }
0x9d: {  	[timem:s7], [sflag:s22] =	dma.local [hbm:s5], s20  }
0x9e: {  	_ =	swait.ge [sflag:s22], s20  }
0x9f: {  	s4 =	ssub.s32 $0x0, s20;
	[sflag:s22] =	ssyncset.done $0x0  }
0xa0: {  	[sflag:s22] =	ssyncadd.s32 s4;
	_ =	sdelay $0x1  }
0xa1: {  	s23 =	simm.s32 $0x1B8B  }
0xa2: {  	_ =	swait.ge [sflag:s23], $0x1  }
0xa3: {  	[sflag:s23] =	ssyncset.done $0x0  }
0xa4: {  	s25 =	simm.s32 $0x1B8E;
	s24 =	sld [smem:$0x3FFE];
	[sflag:s23] =	ssyncadd.s32 $0xFFFFFFFF  }
0xa5: {  	s26 =	simm.s32 $execute0_lowered;
	[smem:$0x3FD2] =	sst s25  }
0xa6: {  	s5 =	sshll.u32 s26, $0x1;
	_ =	strace $0x80000046;
	[dreg:$0x1] =	wrdreg $0xFFFFFFFF  }
0xa7: {  	s28 =	simm.s32 $_size_execute0_lowered;
	s3 =	sadd.s32 s3, s5;
	[dreg:$0x0] =	wrdreg $0x0  }
0xa8: {  	s5 =	sshll.u32 s28, $0x1;
	[dreg:$0x2] =	wrdreg s3  }
0xa9: {  	[dreg:$0x3] =	wrdreg s5  }
0xaa: {  	[dreg:$0x4] =	wrdreg $0xC0  }
0xab: {  	_ =	task [dreg:s7], $0x5FFFF  }
0xac: {  	[dreg:$0x1] =	wrdreg $0xFFFFFFFF  }
0xad: {  	[dreg:$0x0] =	wrdreg $0x60  }
0xae: {  	[dreg:$0x2] =	wrdreg s2  }
0xaf: {  	[dreg:$0x3] =	wrdreg s24  }
0xb0: {  	[dreg:$0x4] =	wrdreg $0x88000  }
0xb1: {  	[dreg:$0x5] =	wrdreg $0xA  }
0xb2: {  	_ =	task.clear_ibuf [dreg:s7], $0x6FFFF;
	_ =	strace $0x90000046  }
0xb3: {  	s29 =	simm.s32 $0xA;
	_ =	strace $0x80000048  }
0xb4: {  	_ =	swait.ge [sflag:s29], $0x1  }
0xb5: {  	[sflag:s29] =	ssyncadd.s32 $0xFFFFFFFF  }
0xb6: {  	_ =	strace $0x90000048  }
0xb7: {  	_ =	sfence  }
0xb8: {  	s30 =	sld [smem:$0x0];
	_ =	sdelay $0x2  }
0xb9: {  	s31 =	sshll.u32 s1, $0xD;
	s1 =	sshrl.u32 s1, $0x2  }
0xba: {  	s3 =	sand.u32 $0x4000, s31;
	s1 =	sadd.s32 s1, s30  }
0xbb: {  	s0 =	sor.u32 s3, s0;
	s1 =	sshll.u32 s1, $0x11  }
0xbc: {  	s0 =	sor.u32 s1, s0  }
0xbd: {  	s0 =	sadd.s32 $0x8F2B, s0  }
0xbe: {  	[sflag:s0] =	ssyncadd.remote.s32 $0x1  }
0xbf: {  	_ =	sfence.sel $0xFFFF  }
0xc0: {  	[dreg:$0x0] =	wrdreg $0xFFFFFFFF;
	(pc) =	sbr.abs _section_cstart, $3  }
0xc1: {  	[dreg:$0x1] =	wrdreg $0xFFFFFFFF  }
0xc2: {  	_ =	task.clear_ibuf [dreg:s7], $0x2FFFF;
	_ =	strace $0x9FFFFFFF  }
0xc3: {  	(tm) =	ssettm $0x7FFFFFFF  }
tec
execute0_lowered:
.L_overlay_start_1:
0x0: {  	(tag) =	ssettag $0x1  }
0x1: {  	s1 =	rddreg [dreg:$0x0]  }
0x2: {  	s0 =	rddreg [dreg:$0x1]  }
0x3: {  	s3 =	rddreg [dreg:$0x2];
	s2 =	srdreg.scid  }
0x4: {  	s8 =	stileid.u32;
	s14 =	simm.s32 $0x800;
	s15 =	simm.s32 $0x3  }
0x5: {  	s16 =	simm.s32 $0x400;
	s17 =	simm.s32 $0x80;
	s18 =	simm.s32 $0x4800  }
0x6: {  	s19 =	simm.s32 $0x1;
	s20 =	simm.s32 $0x100;
	s28 =	simm.s32 $0x280  }
0x7: {  	s29 =	simm.s32 $0x600;
	s30 =	simm.s32 $0x300;
	s5 =	smul.u32 $0x98, s8  }
0x8: {  	s31 =	simm.s32 $0x680;
	s2 =	sand.u32 $0x1, s2;
	s7 =	smul.u32 $0x2800, s8  }
0x9: {  	s4 =	sshll.u32 s8, $0x3;
	s8 =	smul.u32 $0x50000, s8;
	p0 =	seq.s32 s2, $0x0  }
0xa: {  	s6 =	sor.u32 $0x980, s4;
	s4 =	simm.s32 $0x0;
	s21 =	smul.u32 $0x28000, s2  }
0xb: {  	s9 =	ssub.s32 $0x2, s2;
	s6 =	smov.u32 @p0 s5;
	[smem:$0x7FF] =	sst s4  }
0xc: {  	s22 =	sshrl.u32 s9, $0x1;
	s8 =	sshrl.u32 s8, $0x2;
	p0 =	sne.s32 s2, $0x0  }
0xd: {  	s2 =	simm.s32 $0x700;
	s6 =	sshll.u32 s6, $0x4;
	_ =	strace $0x80000047  }
0xe: {  	s5 =	sadd.s32 s7, s21;
	s7 =	ssub.s32 s9, s22;
	s21 =	simm.s32 $0x2  }
0xf: {  	s22 =	simm.s32 $0x480;
	s6 =	sadd.s32 s6, s0;
	s0 =	sadd.s32 s5, s0  }
0x10: {  	s5 =	sadd.s32 s8, s3;
	s23 =	smax.u32 s7, $0x1;
	s7 =	simm.s32 $0x0  }
0x11: {  	s0 =	sadd.s32 $0x15C00, s0;
	[dreg:$0x5] =	wrdreg s23;
	s24 =	sadd.s32 $0x4000, s5  }
0x12: {  	s25 =	sadd.s32 $0x8000, s5;
	s26 =	sadd.s32 $0xC000, s5;
	[dreg:$0x4] =	wrdreg s0  }
0x13: {  	s11 =	sadd.s32 $0x10000, s5;
	s9 =	sadd.s32 $0x1C00, s6;
	[dreg:$0x6] =	wrdreg s24  }
0x14: {  	s8 =	sadd.s32 $0xBC00, s6;
	s23 =	simm.s32 $0x180;
	[dreg:$0x7] =	wrdreg s25  }
0x15: {  	s6 =	simm.s32 $0x780;
	[dreg:$0x8] =	wrdreg s26;
	s24 =	simm.s32 $0x500  }
0x16: {  	v0 =	vimm.f32 $0.0e+00;
	s25 =	simm.s32 $0x200;
	s26 =	simm.s32 $0x580;
	s0 =	simm.s32 $0x380  }
.LBB2_1:
0x17: {  	s10 =	simm.s32 $0x0;
	s12 =	simm.s32 $0x200  }
.LBB2_2:
0x18: {  	p1 =	sne.s32 s12, $0xFE00;
	[tilespmem:s10+$0x870] =	vst v0  }
0x19: {  	[tilespmem:s10+$0x800] =	vst v0  }
0x1a: {  	[tilespmem:s10+$0x810] =	vst v0  }
.Ltmp0:
0x1b: {  	[tilespmem:s10+$0x820] =	vst v0;
	(pc) =	sbr.rel @p1 .LBB2_2-.Ltmp0, $4  }
0x1c: {  	[tilespmem:s10+$0x830] =	vst v0  }
0x1d: {  	[tilespmem:s10+$0x840] =	vst v0  }
0x1e: {  	[tilespmem:s10+$0x850] =	vst v0  }
0x1f: {  	[tilespmem:s10+$0x860] =	vst v0;
	s10 =	sshra.s32 s12, $0x2;
	s12 =	sadd.s32 $0x200, s12  }
0x20: {  	[tilespmem:s10+$0x870] =	vst v0  }
0x21: {  	[tilespmem:s10+$0x800] =	vst v0  }
0x22: {  	[tilespmem:s10+$0x810] =	vst v0  }
0x23: {  	[tilespmem:s10+$0x820] =	vst v0  }
0x24: {  	[tilespmem:s10+$0x830] =	vst v0  }
0x25: {  	[tilespmem:s10+$0x840] =	vst v0  }
0x26: {  	[tilespmem:s10+$0x850] =	vst v0  }
0x27: {  	[tilespmem:s10+$0x860] =	vst v0  }
0x28: {  	[spmem:s5] =	stream.linear.scatter [tilespmem:s14], [sflag:$0x3], $0x4000, $0x38;
	[tilespmem:$0x1C800] =	vst v63  }
0x29: {  	_ =	swait.ge [sflag:s15], $0x4000  }
0x2a: {  	[sflag:s15] =	ssyncset.done $0x0  }
0x2b: {  	s13 =	rddreg [dreg:$0x6];
	[sflag:s15] =	ssyncadd.s32 $0xFFFFC000  }
0x2c: {  	[spmem:s13] =	stream.linear.scatter [tilespmem:s14], [sflag:$0x3], $0x4000, $0x38;
	[tilespmem:$0x1C800] =	vst v63  }
0x2d: {  	_ =	swait.ge [sflag:s15], $0x4000  }
0x2e: {  	[sflag:s15] =	ssyncset.done $0x0  }
0x2f: {  	s12 =	rddreg [dreg:$0x7];
	[sflag:s15] =	ssyncadd.s32 $0xFFFFC000  }
0x30: {  	[spmem:s12] =	stream.linear.scatter [tilespmem:s14], [sflag:$0x3], $0x4000, $0x38;
	[tilespmem:$0x1C800] =	vst v63  }
0x31: {  	_ =	swait.ge [sflag:s15], $0x4000  }
0x32: {  	[sflag:s15] =	ssyncset.done $0x0  }
0x33: {  	s13 =	rddreg [dreg:$0x8];
	[sflag:s15] =	ssyncadd.s32 $0xFFFFC000  }
0x34: {  	[spmem:s13] =	stream.linear.scatter [tilespmem:s14], [sflag:$0x3], $0x4000, $0x38;
	[tilespmem:$0x1C800] =	vst v63  }
0x35: {  	_ =	swait.ge [sflag:s15], $0x4000  }
0x36: {  	[sflag:s15] =	ssyncset.done $0x0  }
0x37: {  	[sflag:s15] =	ssyncadd.s32 $0xFFFFC000  }
0x38: {  	[spmem:s11] =	stream.linear.scatter [tilespmem:s14], [sflag:$0x3], $0x4000, $0x38;
	[tilespmem:$0x1C800] =	vst v63  }
0x39: {  	_ =	swait.ge [sflag:s15], $0x4000  }
0x3a: {  	[sflag:s15] =	ssyncset.done $0x0  }
0x3b: {  	s10 =	simm.s32 $0x0;
	[sflag:s15] =	ssyncadd.s32 $0xFFFFC000  }
0x3c: {  	s12 =	smov.u32 s9;
	s13 =	smov.u32 s8;
	[bflag:$0x0] =	sbarrier.arrive $0xFFFF  }
.LBB2_4:
0x3d: {  	[tilespmem:s4], [sflag:$0x3] =	stream.linear.gather [hbm4b:s13+s4], $0x400, $0x38;
	[tilespmem:$0x1C800] =	vst v63  }
0x3e: {  	_ =	swait.ge [sflag:s15], $0x400  }
0x3f: {  	[sflag:s15] =	ssyncset.done $0x0  }
0x40: {  	[sflag:s15] =	ssyncadd.s32 $0xFFFFFC00  }
0x41: {  	[tilespmem:s16], [sflag:$0x3] =	stream.linear.gather [hbm4b:s12+s4], $0x400, $0x38;
	[tilespmem:$0x1C800] =	vst v63  }
0x42: {  	_ =	swait.ge [sflag:s15], $0x400  }
0x43: {  	[sflag:s15] =	ssyncset.done $0x0  }
0x44: {  	[sflag:s15] =	ssyncadd.s32 $0xFFFFFC00  }
0x45: {  	[tilespmem:s14], [sflag:$0x1] =	stream.indirect.gather [hbm4b:s1+s17], $0x80, s4, s17, $0xb8;
	[tilespmem:$0x1C800] =	vst v63  }
0x46: {  	_ = 	snop  }
0x47: {  	[tilespmem:s18], [sflag:$0x2] =	stream.indirect.gather [hbm4b:s1+s17], $0x80, s17, s17, $0xb8;
	[tilespmem:$0x1C800] =	vst v63  }
0x48: {  	_ =	swait.ge [sflag:s19], $0x4000  }
0x49: {  	[sflag:s19] =	ssyncset.done $0x0  }
0x4a: {  	[sflag:s19] =	ssyncadd.s32 $0xFFFFC000  }
0x4b: {  	[spmem:s3] =	stream.indirect.scatter.add.f32 [tilespmem:s14], [sflag:$0x3], $0x80, s16, s17, $0xb8;
	[tilespmem:$0x1C800] =	vst v63  }
0x4c: {  	_ =	swait.ge [sflag:s15], $0x4000  }
0x4d: {  	[sflag:s15] =	ssyncset.done $0x0  }
0x4e: {  	[sflag:s15] =	ssyncadd.s32 $0xFFFFC000  }
0x4f: {  	[tilespmem:s14], [sflag:$0x1] =	stream.indirect.gather [hbm4b:s1+s17], $0x80, s20, s17, $0xb8;
	[tilespmem:$0x1C800] =	vst v63  }
0x50: {  	_ =	swait.ge [sflag:s21], $0x4000  }
0x51: {  	[sflag:s21] =	ssyncset.done $0x0  }
0x52: {  	[sflag:s21] =	ssyncadd.s32 $0xFFFFC000  }
0x53: {  	[spmem:s3] =	stream.indirect.scatter.add.f32 [tilespmem:s18], [sflag:$0x3], $0x80, s22, s17, $0xb8;
	[tilespmem:$0x1C800] =	vst v63  }
0x54: {  	_ =	swait.ge [sflag:s15], $0x4000  }
0x55: {  	[sflag:s15] =	ssyncset.done $0x0  }
0x56: {  	[sflag:s15] =	ssyncadd.s32 $0xFFFFC000  }
0x57: {  	[tilespmem:s18], [sflag:$0x2] =	stream.indirect.gather [hbm4b:s1+s17], $0x80, s23, s17, $0xb8;
	[tilespmem:$0x1C800] =	vst v63  }
0x58: {  	_ =	swait.ge [sflag:s19], $0x4000  }
0x59: {  	[sflag:s19] =	ssyncset.done $0x0  }
0x5a: {  	[sflag:s19] =	ssyncadd.s32 $0xFFFFC000  }
0x5b: {  	[spmem:s3] =	stream.indirect.scatter.add.f32 [tilespmem:s14], [sflag:$0x3], $0x80, s24, s17, $0xb8;
	[tilespmem:$0x1C800] =	vst v63  }
0x5c: {  	_ =	swait.ge [sflag:s15], $0x4000  }
0x5d: {  	[sflag:s15] =	ssyncset.done $0x0  }
0x5e: {  	[sflag:s15] =	ssyncadd.s32 $0xFFFFC000  }
0x5f: {  	[tilespmem:s14], [sflag:$0x1] =	stream.indirect.gather [hbm4b:s1+s17], $0x80, s25, s17, $0xb8;
	[tilespmem:$0x1C800] =	vst v63  }
0x60: {  	_ =	swait.ge [sflag:s21], $0x4000  }
0x61: {  	[sflag:s21] =	ssyncset.done $0x0  }
0x62: {  	[sflag:s21] =	ssyncadd.s32 $0xFFFFC000  }
0x63: {  	[spmem:s3] =	stream.indirect.scatter.add.f32 [tilespmem:s18], [sflag:$0x3], $0x80, s26, s17, $0xb8;
	[tilespmem:$0x1C800] =	vst v63  }
0x64: {  	_ =	swait.ge [sflag:s15], $0x4000  }
0x65: {  	[sflag:s15] =	ssyncset.done $0x0  }
0x66: {  	[sflag:s15] =	ssyncadd.s32 $0xFFFFC000  }
0x67: {  	[tilespmem:s18], [sflag:$0x2] =	stream.indirect.gather [hbm4b:s1+s17], $0x80, s28, s17, $0xb8;
	[tilespmem:$0x1C800] =	vst v63  }
0x68: {  	_ =	swait.ge [sflag:s19], $0x4000  }
0x69: {  	[sflag:s19] =	ssyncset.done $0x0  }
0x6a: {  	[sflag:s19] =	ssyncadd.s32 $0xFFFFC000  }
0x6b: {  	[spmem:s3] =	stream.indirect.scatter.add.f32 [tilespmem:s14], [sflag:$0x3], $0x80, s29, s17, $0xb8;
	[tilespmem:$0x1C800] =	vst v63  }
0x6c: {  	_ =	swait.ge [sflag:s15], $0x4000  }
0x6d: {  	[sflag:s15] =	ssyncset.done $0x0  }
0x6e: {  	[sflag:s15] =	ssyncadd.s32 $0xFFFFC000  }
0x6f: {  	[tilespmem:s14], [sflag:$0x1] =	stream.indirect.gather [hbm4b:s1+s17], $0x80, s30, s17, $0xb8;
	[tilespmem:$0x1C800] =	vst v63  }
0x70: {  	_ =	swait.ge [sflag:s21], $0x4000  }
0x71: {  	[sflag:s21] =	ssyncset.done $0x0  }
0x72: {  	[sflag:s21] =	ssyncadd.s32 $0xFFFFC000  }
0x73: {  	[spmem:s3] =	stream.indirect.scatter.add.f32 [tilespmem:s18], [sflag:$0x3], $0x80, s31, s17, $0xb8;
	[tilespmem:$0x1C800] =	vst v63  }
0x74: {  	_ =	swait.ge [sflag:s15], $0x4000  }
0x75: {  	[sflag:s15] =	ssyncset.done $0x0  }
0x76: {  	[sflag:s15] =	ssyncadd.s32 $0xFFFFC000  }
0x77: {  	[tilespmem:s18], [sflag:$0x2] =	stream.indirect.gather [hbm4b:s1+s17], $0x80, s0, s17, $0xb8;
	[tilespmem:$0x1C800] =	vst v63  }
0x78: {  	_ =	swait.ge [sflag:s19], $0x4000  }
0x79: {  	[sflag:s19] =	ssyncset.done $0x0  }
0x7a: {  	[sflag:s19] =	ssyncadd.s32 $0xFFFFC000  }
0x7b: {  	[spmem:s3] =	stream.indirect.scatter.add.f32 [tilespmem:s14], [sflag:$0x3], $0x80, s2, s17, $0xb8;
	[tilespmem:$0x1C800] =	vst v63  }
0x7c: {  	_ =	swait.ge [sflag:s15], $0x4000  }
0x7d: {  	[sflag:s15] =	ssyncset.done $0x0  }
0x7e: {  	[sflag:s15] =	ssyncadd.s32 $0xFFFFC000  }
0x7f: {  	p1 =	slt.u32 @!p0 s10, $0x12;
	_ =	swait.ge [sflag:s21], $0x4000  }
0x80: {  	p1 =	por p0, !p1;
	[sflag:s21] =	ssyncset.done $0x0  }
.Ltmp1:
0x81: {  	[sflag:s21] =	ssyncadd.s32 $0xFFFFC000;
	(pc) =	sbr.rel @!p1 .LBB2_4-.Ltmp1, $4  }
0x82: {  	[spmem:s3] =	stream.indirect.scatter.add.f32 [tilespmem:s18], [sflag:$0x3], $0x80, s6, s17, $0xb8;
	[tilespmem:$0x1C800] =	vst v63  }
0x83: {  	_ =	swait.ge [sflag:s15], $0x4000  }
0x84: {  	s10 =	sadd.s32 $0x1, s10;
	[sflag:s15] =	ssyncset.done $0x0  }
0x85: {  	s13 =	sadd.s32 $0x80, s13;
	s12 =	sadd.s32 $0x80, s12;
	[sflag:s15] =	ssyncadd.s32 $0xFFFFC000  }
0x86: {  	s10 =	stileid.u32  }
0x87: {  	[bflag:$0x0] =	sbarrier.arrive $0xFFFF;
	s10 =	sshll.u32 s10, $0x6  }
0x88: {  	s12 =	sshrl.u32 s5, $0x3;
	s13 =	rddreg [dreg:$0x4];
	s10 =	sor.u32 $0x1C03, s10  }
0x89: {  	[hbm:s13], [sflag:s10] =	dma.local [spmem:s12], $0x2800  }
0x8a: {  	_ =	swait.ge [sflag:s15], $0x2800  }
0x8b: {  	s7 =	sadd.s32 $0x1, s7;
	s13 =	rddreg [dreg:$0x5]  }
0x8c: {  	p1 =	sne.s32 s7, s13  }
.Ltmp2:
0x8d: {  	_ = 	snop;
	(pc) =	sbr.rel @p1 .LBB2_1-.Ltmp2, $3  }
0x8e: {  	_ =	sdelay $0x1  }
0x8f: {  	[sflag:s15] =	ssyncset.done $0x0  }
0x90: {  	[sflag:s15] =	ssyncadd.s32 $0xFFFFD800  }
0x91: {  	_ =	sfence.sel $0x180000  }
0x92: {  	[bflag:$0x0] =	sbarrier.arrive $0xFFFF  }
0x93: {  	_ =	strace $0x90000047  }
0x94: {  	s0 =	stileid.u32;
	[bflag:$0x2] =	sbarrier.arrive $0xFFFF  }
0x95: {  	p0 =	sne.s32 s0, $0x0;
	s0 =	rddreg [dreg:$0x3]  }
0x96: {  	s0 =	sadd.s32 @!p0 $0x100000, s0  }
0x97: {  	[sflag:s0] =	ssyncadd.tile.s32 @!p0 $0x1;
	_ =	shalt  }
.Lfunc_end2:
_tile_overlayer_lowered:
.L_overlay_start_2:
0x98: {  	(tag) =	ssettag $0x2  }
0x99: {  	s0 =	rddreg [dreg:$0x0];
	s2 =	stileid.u32  }
0x9a: {  	s1 =	rddreg [dreg:$0x1];
	p0 =	sne.s32 s2, $0x0  }
0x9b: {  	s3 =	rddreg [dreg:$0x2];
	[bflag:$0x3] =	sbarrier.arrive $0xFFFF;
	s2 =	simm.s32 @!p0 $0x1C03  }
0x9c: {  	[timem:s3], [sflag:s2] =	dma.local @!p0 [hbm:s0], s1  }
0x9d: {  	s0 =	simm.s32 @!p0 $0x3  }
0x9e: {  	_ =	swait.ge @!p0 [sflag:s0], s1  }
0x9f: {  	s1 =	ssub.s32 @!p0 $0x0, s1;
	[sflag:s0] =	ssyncset.done @!p0 $0x0  }
0xa0: {  	[sflag:s0] =	ssyncadd.s32 @!p0 s1  }
0xa1: {  	[bflag:$0x3] =	sbarrier.arrive $0xFFFF  }
0xa2: {  	_ =	shalt  }

// kernel: kernel.14.cloned.1.call-start
scs
__scs_entry_jumppad:
0x0: {  	(pc) =	sbr.rel $0x88, $3  }
0x1: {  	(tag) =	ssettag $0x0;
	lr =	simm.s32 $0x1  }
0x2: {  	[smem:$0x3F99] =	sst lr;
	_ =	strace $0xD0000000  }
0x3: {  	_ = 	snop  }
0x4: {  	_ = 	snop  }
0x5: {  	_ = 	snop  }
0x6: {  	_ = 	snop  }
0x7: {  	_ = 	snop  }
__scs_overlays_trampoline_lowered:
0x8: {  	[smem:$0x3FA8] =	sst s0  }
0x9: {  	[smem:$0x3FA9] =	sst s1  }
0xa: {  	[smem:$0x3FAA] =	sst s2  }
0xb: {  	[smem:$0x3FAB] =	sst s3  }
0xc: {  	[smem:$0x3FAC] =	sst s4  }
0xd: {  	[smem:$0x3FAD] =	sst s5  }
0xe: {  	[smem:$0x3FAE] =	sst s6  }
0xf: {  	[smem:$0x3FAF] =	sst s7  }
0x10: {  	[smem:$0x3FB0] =	sst s8  }
0x11: {  	[smem:$0x3FB1] =	sst s9;
	s0 =	simm.s32 @!p0 $0x0  }
0x12: {  	s1 =	sld [smem:$0x3F97];
	s0 =	simm.s32 @p0 $0x1  }
0x13: {  	[smem:$0x3FB2] =	sst s0;
	s0 =	simm.s32 @!p1 $0x0  }
0x14: {  	s2 =	sld [smem:$0x3F96];
	s0 =	simm.s32 @p1 $0x1  }
0x15: {  	[smem:$0x3FB3] =	sst s0;
	s0 =	simm.s32 @!p2 $0x0  }
0x16: {  	s3 =	sld [smem:$0x3FDB];
	s0 =	simm.s32 @p2 $0x1  }
0x17: {  	s4 =	simm.s32 $0x1BF5;
	[smem:$0x3FB5] =	sst s0  }
0x18: {  	s0 =	sld [smem:$0x3F98];
	_ =	swait.ge [sflag:s4], $0x0  }
0x19: {  	s7 =	sld [smem:$0x3F99]  }
0x1a: {  	s8 =	sadd.s32 $0xFFFFE003, lr  }
0x1b: {  	s9 =	sadd.s32 $0xFFFFFEF7, lr;
	s5 =	simm.s32 $0xFFFFFFFF;
	p2 =	slt.u32 s8, $0xFFFFF086  }
0x1c: {  	p1 =	slt.u32 s9, $0xF7A;
	s5 =	simm.s32 @!p2 $0x0  }
0x1d: {  	s5 =	simm.s32 @p1 $0x1;
	p0 =	seq.s32 s7, s2  }
0x1e: {  	s7 =	smul.u32 @!p0 $0xF7A, s2;
	p2 =	seq.s32 @!p0 s5, $0x0  }
0x1f: {  	s9 =	smul.u32 $0xF7A, s1;
	s8 =	simm.s32 @!p0 $0x1BF5;
	p2 =	por !p2, p0  }
0x20: {  	[sflag:s8] =	ssyncset.s32 @!p0 $0xFFFFF086;
	s6 =	sadd.s32 @!p0 s3, s7;
	s7 =	simm.s32 @!p0 $0x108  }
0x21: {  	s3 =	sadd.s32 s3, s9;
	s6 =	sadd.s32 @!p0 $0x88, s6;
	s7 =	simm.s32 @p2 $0x1082  }
0x22: {  	[simem:s7], [sflag:s8] =	dma.local @!p0 [hbm:s6], $0xF7A  }
0x23: {  	s9 =	sor.u32 $0xD0000000, s2;
	s6 =	simm.s32 $0x108;
	_ =	swait.ge @!p0 [sflag:s8], $0x0  }
0x24: {  	s3 =	sadd.s32 $0x88, s3;
	s6 =	simm.s32 @!p1 $0x1082;
	[sflag:s4] =	ssyncset.s32 $0xFFFFF086  }
0x25: {  	[simem:s6], [sflag:s4] =	dma.local [hbm:s3], $0xF7A  }
0x26: {  	[smem:$0x3F99] =	sst s1;
	(tag) =	ssettag s2;
	_ =	strace s9  }
0x27: {  	s1 =	sld [smem:$0x3FA9]  }
0x28: {  	s2 =	sld [smem:$0x3FAA]  }
0x29: {  	s4 =	sld [smem:$0x3FAC]  }
0x2a: {  	p0 =	seq.s32 s5, $0x0;
	s5 =	sld [smem:$0x3FAD]  }
0x2b: {  	s6 =	sld [smem:$0x3FAE]  }
0x2c: {  	s7 =	sld [smem:$0x3FAF]  }
0x2d: {  	s3 =	simm.s32 $0x108;
	s8 =	sld [smem:$0x3FB0]  }
0x2e: {  	s3 =	simm.s32 @!p0 $0x1082;
	s9 =	sld [smem:$0x3FB1]  }
0x2f: {  	lr =	sadd.s32 s0, s3;
	s0 =	sld [smem:$0x3FA8]  }
0x30: {  	s3 =	sld [smem:$0x3FAB]  }
0x31: {  	[smem:$0x3FB4] =	sst s10  }
0x32: {  	s10 =	sld [smem:$0x3FB2];
	_ =	sdelay $0x3  }
0x33: {  	p0 =	seq.s32 s10, $0x1;
	s10 =	sld [smem:$0x3FB4];
	_ =	sdelay $0x3  }
0x34: {  	[smem:$0x3FB4] =	sst s10  }
0x35: {  	s10 =	sld [smem:$0x3FB3];
	_ =	sdelay $0x3  }
0x36: {  	p1 =	seq.s32 s10, $0x1;
	s10 =	sld [smem:$0x3FB4];
	_ =	sdelay $0x3  }
0x37: {  	[smem:$0x3FB4] =	sst s10  }
0x38: {  	s10 =	sld [smem:$0x3FB5]  }
0x39: {  	_ = 	snop;
	(pc) =	sbr.ind lr, $3  }
0x3a: {  	_ = 	snop  }
0x3b: {  	_ = 	snop  }
0x3c: {  	p2 =	seq.s32 s10, $0x1;
	s10 =	sld [smem:$0x3FB4]  }
0x3d: {  	_ =	shalt  }
0x3e: {  	_ =	shalt  }
0x3f: {  	_ =	shalt  }
0x40: {  	_ =	shalt  }
0x41: {  	_ =	shalt  }
0x42: {  	_ =	shalt  }
0x43: {  	_ =	shalt  }
0x44: {  	_ =	shalt  }
0x45: {  	_ =	shalt  }
0x46: {  	_ =	shalt  }
0x47: {  	_ =	shalt  }
0x48: {  	_ =	shalt  }
0x49: {  	_ =	shalt  }
0x4a: {  	_ =	shalt  }
0x4b: {  	_ =	shalt  }
0x4c: {  	_ =	shalt  }
0x4d: {  	_ =	shalt  }
0x4e: {  	_ =	shalt  }
0x4f: {  	_ =	shalt  }
0x50: {  	_ =	shalt  }
0x51: {  	_ =	shalt  }
0x52: {  	_ =	shalt  }
0x53: {  	_ =	shalt  }
0x54: {  	_ =	shalt  }
0x55: {  	_ =	shalt  }
0x56: {  	_ =	shalt  }
0x57: {  	_ =	shalt  }
0x58: {  	_ =	shalt  }
0x59: {  	_ =	shalt  }
0x5a: {  	_ =	shalt  }
0x5b: {  	_ =	shalt  }
0x5c: {  	_ =	shalt  }
0x5d: {  	_ =	shalt  }
0x5e: {  	_ =	shalt  }
0x5f: {  	_ =	shalt  }
0x60: {  	_ =	shalt  }
0x61: {  	_ =	shalt  }
0x62: {  	_ =	shalt  }
0x63: {  	_ =	shalt  }
0x64: {  	_ =	shalt  }
0x65: {  	_ =	shalt  }
0x66: {  	_ =	shalt  }
0x67: {  	_ =	shalt  }
0x68: {  	_ =	shalt  }
0x69: {  	_ =	shalt  }
0x6a: {  	_ =	shalt  }
0x6b: {  	_ =	shalt  }
0x6c: {  	_ =	shalt  }
0x6d: {  	_ =	shalt  }
0x6e: {  	_ =	shalt  }
0x6f: {  	_ =	shalt  }
0x70: {  	_ =	shalt  }
0x71: {  	_ =	shalt  }
0x72: {  	_ =	shalt  }
0x73: {  	_ =	shalt  }
0x74: {  	_ =	shalt  }
0x75: {  	_ =	shalt  }
0x76: {  	_ =	shalt  }
0x77: {  	_ =	shalt  }
0x78: {  	_ =	shalt  }
0x79: {  	_ =	shalt  }
0x7a: {  	_ =	shalt  }
0x7b: {  	_ =	shalt  }
0x7c: {  	_ =	shalt  }
0x7d: {  	_ =	shalt  }
0x7e: {  	_ =	shalt  }
0x7f: {  	_ =	shalt  }
0x80: {  	_ =	shalt  }
0x81: {  	_ =	shalt  }
0x82: {  	_ =	shalt  }
0x83: {  	_ =	shalt  }
0x84: {  	_ =	shalt  }
0x85: {  	_ =	shalt  }
0x86: {  	_ =	shalt  }
0x87: {  	_ =	shalt  }
.Lfunc_end0:
.L_simem_size_0:
called_computation.2_lowered:
.L_overlay_start_0:
0x88: {  	s2 =	sld [smem:$0x3FD9]  }
0x89: {  	s3 =	sld [smem:$0x3FFE];
	_ =	sdelay $0x1  }
0x8a: {  	s1 =	srdreg.scid  }
0x8b: {  	s0 =	sand.u32 $0x1, s1  }
0x8c: {  	s17 =	sshll.u32 s0, $0xA;
	s2 =	sadd.s32 s3, s2  }
0x8d: {  	s2 =	sadd.s32 s2, s17  }
0x8e: {  	[smem:$0x3FC0] =	sst s2  }
0x8f: {  	_ = 	snop  }
0x90: {  	s2 =	sld [smem:$0x3FD0];
	(tm) =	ssettm $0x1  }
0x91: {  	s18 =	sld [smem:$0x3FFB];
	_ =	sdelay $0x3  }
0x92: {  	_ =	strace s18  }
0x93: {  	s3 =	sld [smem:$0x3FFC];
	_ =	sdelay $0x3  }
0x94: {  	_ =	strace s3  }
0x95: {  	s3 =	sld [smem:$0x3FFD];
	_ =	sdelay $0x3  }
0x96: {  	_ =	strace s3  }
0x97: {  	_ =	strace $0x8FFFFFFF  }
0x98: {  	s19 =	sld [smem:$0x3FDB];
	_ =	sdelay $0x1  }
0x99: {  	s4 =	simm.s32 $_scs_section_size  }
0x9a: {  	s5 =	simm.s32 $_size__tile_overlayer_lowered;
	s6 =	simm.s32 $_tile_overlayer_lowered  }
0x9b: {  	s22 =	simm.s32 $0x1BFF;
	s21 =	sshll.u32 s6, $0x1;
	s3 =	sadd.s32 s4, s19  }
0x9c: {  	s7 =	simm.s32 $0x0;
	s20 =	sshll.u32 s5, $0x1;
	s5 =	sadd.s32 s21, s3  }
0x9d: {  	[timem:s7], [sflag:s22] =	dma.local [hbm:s5], s20  }
0x9e: {  	_ =	swait.ge [sflag:s22], s20  }
0x9f: {  	s4 =	ssub.s32 $0x0, s20;
	[sflag:s22] =	ssyncset.done $0x0  }
0xa0: {  	[sflag:s22] =	ssyncadd.s32 s4;
	_ =	sdelay $0x1  }
0xa1: {  	s23 =	simm.s32 $0x1B8B  }
0xa2: {  	_ =	swait.ge [sflag:s23], $0x1  }
0xa3: {  	[sflag:s23] =	ssyncset.done $0x0  }
0xa4: {  	s25 =	simm.s32 $0x1B8E;
	s24 =	sld [smem:$0x3FFE];
	[sflag:s23] =	ssyncadd.s32 $0xFFFFFFFF  }
0xa5: {  	s26 =	simm.s32 $execute0_lowered;
	[smem:$0x3FD2] =	sst s25  }
0xa6: {  	s5 =	sshll.u32 s26, $0x1;
	_ =	strace $0x8000004C;
	[dreg:$0x1] =	wrdreg $0xFFFFFFFF  }
0xa7: {  	s28 =	simm.s32 $_size_execute0_lowered;
	s3 =	sadd.s32 s3, s5;
	[dreg:$0x0] =	wrdreg $0x0  }
0xa8: {  	s5 =	sshll.u32 s28, $0x1;
	[dreg:$0x2] =	wrdreg s3  }
0xa9: {  	[dreg:$0x3] =	wrdreg s5  }
0xaa: {  	[dreg:$0x4] =	wrdreg $0xC0  }
0xab: {  	_ =	task [dreg:s7], $0x5FFFF  }
0xac: {  	[dreg:$0x1] =	wrdreg $0xFFFFFFFF  }
0xad: {  	[dreg:$0x0] =	wrdreg $0x60  }
0xae: {  	[dreg:$0x2] =	wrdreg s2  }
0xaf: {  	[dreg:$0x3] =	wrdreg s24  }
0xb0: {  	[dreg:$0x4] =	wrdreg $0x88000  }
0xb1: {  	[dreg:$0x5] =	wrdreg $0x9  }
0xb2: {  	_ =	task.clear_ibuf [dreg:s7], $0x6FFFF;
	_ =	strace $0x9000004C  }
0xb3: {  	s29 =	simm.s32 $0x9;
	_ =	strace $0x8000004E  }
0xb4: {  	_ =	swait.ge [sflag:s29], $0x1  }
0xb5: {  	[sflag:s29] =	ssyncadd.s32 $0xFFFFFFFF  }
0xb6: {  	_ =	strace $0x9000004E  }
0xb7: {  	_ =	sfence  }
0xb8: {  	s30 =	sld [smem:$0x0];
	_ =	sdelay $0x2  }
0xb9: {  	s31 =	sshll.u32 s1, $0xD;
	s1 =	sshrl.u32 s1, $0x2  }
0xba: {  	s3 =	sand.u32 $0x4000, s31;
	s1 =	sadd.s32 s1, s30  }
0xbb: {  	s0 =	sor.u32 s3, s0;
	s1 =	sshll.u32 s1, $0x11  }
0xbc: {  	s0 =	sor.u32 s1, s0  }
0xbd: {  	s0 =	sadd.s32 $0x8F2B, s0  }
0xbe: {  	[sflag:s0] =	ssyncadd.remote.s32 $0x1  }
0xbf: {  	_ =	sfence.sel $0xFFFF  }
0xc0: {  	[dreg:$0x0] =	wrdreg $0xFFFFFFFF;
	(pc) =	sbr.abs _section_cstart, $3  }
0xc1: {  	[dreg:$0x1] =	wrdreg $0xFFFFFFFF  }
0xc2: {  	_ =	task.clear_ibuf [dreg:s7], $0x2FFFF;
	_ =	strace $0x9FFFFFFF  }
0xc3: {  	(tm) =	ssettm $0x7FFFFFFF  }
tec
execute0_lowered:
.L_overlay_start_1:
0x0: {  	(tag) =	ssettag $0x1  }
0x1: {  	s1 =	rddreg [dreg:$0x0]  }
0x2: {  	s0 =	rddreg [dreg:$0x1]  }
0x3: {  	s3 =	rddreg [dreg:$0x2];
	s2 =	srdreg.scid  }
0x4: {  	s8 =	stileid.u32;
	s14 =	simm.s32 $0x800;
	s15 =	simm.s32 $0x3  }
0x5: {  	s16 =	simm.s32 $0x400;
	s17 =	simm.s32 $0x80;
	s18 =	simm.s32 $0x4800  }
0x6: {  	s19 =	simm.s32 $0x1;
	s20 =	simm.s32 $0x100;
	s28 =	simm.s32 $0x280  }
0x7: {  	s29 =	simm.s32 $0x600;
	s30 =	simm.s32 $0x300;
	s5 =	smul.u32 $0x98, s8  }
0x8: {  	s31 =	simm.s32 $0x680;
	s2 =	sand.u32 $0x1, s2;
	s7 =	smul.u32 $0x2800, s8  }
0x9: {  	s4 =	sshll.u32 s8, $0x3;
	s8 =	smul.u32 $0x50000, s8;
	p0 =	seq.s32 s2, $0x0  }
0xa: {  	s6 =	sor.u32 $0x980, s4;
	s4 =	simm.s32 $0x0;
	s21 =	smul.u32 $0x28000, s2  }
0xb: {  	s9 =	ssub.s32 $0x2, s2;
	s6 =	smov.u32 @p0 s5;
	[smem:$0x7FF] =	sst s4  }
0xc: {  	s22 =	sshrl.u32 s9, $0x1;
	s8 =	sshrl.u32 s8, $0x2;
	p0 =	sne.s32 s2, $0x0  }
0xd: {  	s2 =	simm.s32 $0x700;
	s6 =	sshll.u32 s6, $0x4;
	_ =	strace $0x8000004D  }
0xe: {  	s5 =	sadd.s32 s7, s21;
	s7 =	ssub.s32 s9, s22;
	s21 =	simm.s32 $0x2  }
0xf: {  	s22 =	simm.s32 $0x480;
	s6 =	sadd.s32 s6, s0;
	s0 =	sadd.s32 s5, s0  }
0x10: {  	s5 =	sadd.s32 s8, s3;
	s23 =	smax.u32 s7, $0x1;
	s7 =	simm.s32 $0x0  }
0x11: {  	s0 =	sadd.s32 $0x15C00, s0;
	[dreg:$0x5] =	wrdreg s23;
	s24 =	sadd.s32 $0x4000, s5  }
0x12: {  	s25 =	sadd.s32 $0x8000, s5;
	s26 =	sadd.s32 $0xC000, s5;
	[dreg:$0x4] =	wrdreg s0  }
0x13: {  	s11 =	sadd.s32 $0x10000, s5;
	s9 =	sadd.s32 $0x1C00, s6;
	[dreg:$0x6] =	wrdreg s24  }
0x14: {  	s8 =	sadd.s32 $0xBC00, s6;
	s23 =	simm.s32 $0x180;
	[dreg:$0x7] =	wrdreg s25  }
0x15: {  	s6 =	simm.s32 $0x780;
	[dreg:$0x8] =	wrdreg s26;
	s24 =	simm.s32 $0x500  }
0x16: {  	v0 =	vimm.f32 $0.0e+00;
	s25 =	simm.s32 $0x200;
	s26 =	simm.s32 $0x580;
	s0 =	simm.s32 $0x380  }
.LBB2_1:
0x17: {  	s10 =	simm.s32 $0x0;
	s12 =	simm.s32 $0x200  }
.LBB2_2:
0x18: {  	p1 =	sne.s32 s12, $0xFE00;
	[tilespmem:s10+$0x870] =	vst v0  }
0x19: {  	[tilespmem:s10+$0x800] =	vst v0  }
0x1a: {  	[tilespmem:s10+$0x810] =	vst v0  }
.Ltmp0:
0x1b: {  	[tilespmem:s10+$0x820] =	vst v0;
	(pc) =	sbr.rel @p1 .LBB2_2-.Ltmp0, $4  }
0x1c: {  	[tilespmem:s10+$0x830] =	vst v0  }
0x1d: {  	[tilespmem:s10+$0x840] =	vst v0  }
0x1e: {  	[tilespmem:s10+$0x850] =	vst v0  }
0x1f: {  	[tilespmem:s10+$0x860] =	vst v0;
	s10 =	sshra.s32 s12, $0x2;
	s12 =	sadd.s32 $0x200, s12  }
0x20: {  	[tilespmem:s10+$0x870] =	vst v0  }
0x21: {  	[tilespmem:s10+$0x800] =	vst v0  }
0x22: {  	[tilespmem:s10+$0x810] =	vst v0  }
0x23: {  	[tilespmem:s10+$0x820] =	vst v0  }
0x24: {  	[tilespmem:s10+$0x830] =	vst v0  }
0x25: {  	[tilespmem:s10+$0x840] =	vst v0  }
0x26: {  	[tilespmem:s10+$0x850] =	vst v0  }
0x27: {  	[tilespmem:s10+$0x860] =	vst v0  }
0x28: {  	[spmem:s5] =	stream.linear.scatter [tilespmem:s14], [sflag:$0x3], $0x4000, $0x38;
	[tilespmem:$0x1C800] =	vst v63  }
0x29: {  	_ =	swait.ge [sflag:s15], $0x4000  }
0x2a: {  	[sflag:s15] =	ssyncset.done $0x0  }
0x2b: {  	s13 =	rddreg [dreg:$0x6];
	[sflag:s15] =	ssyncadd.s32 $0xFFFFC000  }
0x2c: {  	[spmem:s13] =	stream.linear.scatter [tilespmem:s14], [sflag:$0x3], $0x4000, $0x38;
	[tilespmem:$0x1C800] =	vst v63  }
0x2d: {  	_ =	swait.ge [sflag:s15], $0x4000  }
0x2e: {  	[sflag:s15] =	ssyncset.done $0x0  }
0x2f: {  	s12 =	rddreg [dreg:$0x7];
	[sflag:s15] =	ssyncadd.s32 $0xFFFFC000  }
0x30: {  	[spmem:s12] =	stream.linear.scatter [tilespmem:s14], [sflag:$0x3], $0x4000, $0x38;
	[tilespmem:$0x1C800] =	vst v63  }
0x31: {  	_ =	swait.ge [sflag:s15], $0x4000  }
0x32: {  	[sflag:s15] =	ssyncset.done $0x0  }
0x33: {  	s13 =	rddreg [dreg:$0x8];
	[sflag:s15] =	ssyncadd.s32 $0xFFFFC000  }
0x34: {  	[spmem:s13] =	stream.linear.scatter [tilespmem:s14], [sflag:$0x3], $0x4000, $0x38;
	[tilespmem:$0x1C800] =	vst v63  }
0x35: {  	_ =	swait.ge [sflag:s15], $0x4000  }
0x36: {  	[sflag:s15] =	ssyncset.done $0x0  }
0x37: {  	[sflag:s15] =	ssyncadd.s32 $0xFFFFC000  }
0x38: {  	[spmem:s11] =	stream.linear.scatter [tilespmem:s14], [sflag:$0x3], $0x4000, $0x38;
	[tilespmem:$0x1C800] =	vst v63  }
0x39: {  	_ =	swait.ge [sflag:s15], $0x4000  }
0x3a: {  	[sflag:s15] =	ssyncset.done $0x0  }
0x3b: {  	s10 =	simm.s32 $0x0;
	[sflag:s15] =	ssyncadd.s32 $0xFFFFC000  }
0x3c: {  	s12 =	smov.u32 s9;
	s13 =	smov.u32 s8;
	[bflag:$0x0] =	sbarrier.arrive $0xFFFF  }
.LBB2_4:
0x3d: {  	[tilespmem:s4], [sflag:$0x3] =	stream.linear.gather [hbm4b:s13+s4], $0x400, $0x38;
	[tilespmem:$0x1C800] =	vst v63  }
0x3e: {  	_ =	swait.ge [sflag:s15], $0x400  }
0x3f: {  	[sflag:s15] =	ssyncset.done $0x0  }
0x40: {  	[sflag:s15] =	ssyncadd.s32 $0xFFFFFC00  }
0x41: {  	[tilespmem:s16], [sflag:$0x3] =	stream.linear.gather [hbm4b:s12+s4], $0x400, $0x38;
	[tilespmem:$0x1C800] =	vst v63  }
0x42: {  	_ =	swait.ge [sflag:s15], $0x400  }
0x43: {  	[sflag:s15] =	ssyncset.done $0x0  }
0x44: {  	[sflag:s15] =	ssyncadd.s32 $0xFFFFFC00  }
0x45: {  	[tilespmem:s14], [sflag:$0x1] =	stream.indirect.gather [hbm4b:s1+s17], $0x80, s4, s17, $0xb8;
	[tilespmem:$0x1C800] =	vst v63  }
0x46: {  	_ = 	snop  }
0x47: {  	[tilespmem:s18], [sflag:$0x2] =	stream.indirect.gather [hbm4b:s1+s17], $0x80, s17, s17, $0xb8;
	[tilespmem:$0x1C800] =	vst v63  }
0x48: {  	_ =	swait.ge [sflag:s19], $0x4000  }
0x49: {  	[sflag:s19] =	ssyncset.done $0x0  }
0x4a: {  	[sflag:s19] =	ssyncadd.s32 $0xFFFFC000  }
0x4b: {  	[spmem:s3] =	stream.indirect.scatter.add.f32 [tilespmem:s14], [sflag:$0x3], $0x80, s16, s17, $0xb8;
	[tilespmem:$0x1C800] =	vst v63  }
0x4c: {  	_ =	swait.ge [sflag:s15], $0x4000  }
0x4d: {  	[sflag:s15] =	ssyncset.done $0x0  }
0x4e: {  	[sflag:s15] =	ssyncadd.s32 $0xFFFFC000  }
0x4f: {  	[tilespmem:s14], [sflag:$0x1] =	stream.indirect.gather [hbm4b:s1+s17], $0x80, s20, s17, $0xb8;
	[tilespmem:$0x1C800] =	vst v63  }
0x50: {  	_ =	swait.ge [sflag:s21], $0x4000  }
0x51: {  	[sflag:s21] =	ssyncset.done $0x0  }
0x52: {  	[sflag:s21] =	ssyncadd.s32 $0xFFFFC000  }
0x53: {  	[spmem:s3] =	stream.indirect.scatter.add.f32 [tilespmem:s18], [sflag:$0x3], $0x80, s22, s17, $0xb8;
	[tilespmem:$0x1C800] =	vst v63  }
0x54: {  	_ =	swait.ge [sflag:s15], $0x4000  }
0x55: {  	[sflag:s15] =	ssyncset.done $0x0  }
0x56: {  	[sflag:s15] =	ssyncadd.s32 $0xFFFFC000  }
0x57: {  	[tilespmem:s18], [sflag:$0x2] =	stream.indirect.gather [hbm4b:s1+s17], $0x80, s23, s17, $0xb8;
	[tilespmem:$0x1C800] =	vst v63  }
0x58: {  	_ =	swait.ge [sflag:s19], $0x4000  }
0x59: {  	[sflag:s19] =	ssyncset.done $0x0  }
0x5a: {  	[sflag:s19] =	ssyncadd.s32 $0xFFFFC000  }
0x5b: {  	[spmem:s3] =	stream.indirect.scatter.add.f32 [tilespmem:s14], [sflag:$0x3], $0x80, s24, s17, $0xb8;
	[tilespmem:$0x1C800] =	vst v63  }
0x5c: {  	_ =	swait.ge [sflag:s15], $0x4000  }
0x5d: {  	[sflag:s15] =	ssyncset.done $0x0  }
0x5e: {  	[sflag:s15] =	ssyncadd.s32 $0xFFFFC000  }
0x5f: {  	[tilespmem:s14], [sflag:$0x1] =	stream.indirect.gather [hbm4b:s1+s17], $0x80, s25, s17, $0xb8;
	[tilespmem:$0x1C800] =	vst v63  }
0x60: {  	_ =	swait.ge [sflag:s21], $0x4000  }
0x61: {  	[sflag:s21] =	ssyncset.done $0x0  }
0x62: {  	[sflag:s21] =	ssyncadd.s32 $0xFFFFC000  }
0x63: {  	[spmem:s3] =	stream.indirect.scatter.add.f32 [tilespmem:s18], [sflag:$0x3], $0x80, s26, s17, $0xb8;
	[tilespmem:$0x1C800] =	vst v63  }
0x64: {  	_ =	swait.ge [sflag:s15], $0x4000  }
0x65: {  	[sflag:s15] =	ssyncset.done $0x0  }
0x66: {  	[sflag:s15] =	ssyncadd.s32 $0xFFFFC000  }
0x67: {  	[tilespmem:s18], [sflag:$0x2] =	stream.indirect.gather [hbm4b:s1+s17], $0x80, s28, s17, $0xb8;
	[tilespmem:$0x1C800] =	vst v63  }
0x68: {  	_ =	swait.ge [sflag:s19], $0x4000  }
0x69: {  	[sflag:s19] =	ssyncset.done $0x0  }
0x6a: {  	[sflag:s19] =	ssyncadd.s32 $0xFFFFC000  }
0x6b: {  	[spmem:s3] =	stream.indirect.scatter.add.f32 [tilespmem:s14], [sflag:$0x3], $0x80, s29, s17, $0xb8;
	[tilespmem:$0x1C800] =	vst v63  }
0x6c: {  	_ =	swait.ge [sflag:s15], $0x4000  }
0x6d: {  	[sflag:s15] =	ssyncset.done $0x0  }
0x6e: {  	[sflag:s15] =	ssyncadd.s32 $0xFFFFC000  }
0x6f: {  	[tilespmem:s14], [sflag:$0x1] =	stream.indirect.gather [hbm4b:s1+s17], $0x80, s30, s17, $0xb8;
	[tilespmem:$0x1C800] =	vst v63  }
0x70: {  	_ =	swait.ge [sflag:s21], $0x4000  }
0x71: {  	[sflag:s21] =	ssyncset.done $0x0  }
0x72: {  	[sflag:s21] =	ssyncadd.s32 $0xFFFFC000  }
0x73: {  	[spmem:s3] =	stream.indirect.scatter.add.f32 [tilespmem:s18], [sflag:$0x3], $0x80, s31, s17, $0xb8;
	[tilespmem:$0x1C800] =	vst v63  }
0x74: {  	_ =	swait.ge [sflag:s15], $0x4000  }
0x75: {  	[sflag:s15] =	ssyncset.done $0x0  }
0x76: {  	[sflag:s15] =	ssyncadd.s32 $0xFFFFC000  }
0x77: {  	[tilespmem:s18], [sflag:$0x2] =	stream.indirect.gather [hbm4b:s1+s17], $0x80, s0, s17, $0xb8;
	[tilespmem:$0x1C800] =	vst v63  }
0x78: {  	_ =	swait.ge [sflag:s19], $0x4000  }
0x79: {  	[sflag:s19] =	ssyncset.done $0x0  }
0x7a: {  	[sflag:s19] =	ssyncadd.s32 $0xFFFFC000  }
0x7b: {  	[spmem:s3] =	stream.indirect.scatter.add.f32 [tilespmem:s14], [sflag:$0x3], $0x80, s2, s17, $0xb8;
	[tilespmem:$0x1C800] =	vst v63  }
0x7c: {  	_ =	swait.ge [sflag:s15], $0x4000  }
0x7d: {  	[sflag:s15] =	ssyncset.done $0x0  }
0x7e: {  	[sflag:s15] =	ssyncadd.s32 $0xFFFFC000  }
0x7f: {  	p1 =	slt.u32 @!p0 s10, $0x12;
	_ =	swait.ge [sflag:s21], $0x4000  }
0x80: {  	p1 =	por p0, !p1;
	[sflag:s21] =	ssyncset.done $0x0  }
.Ltmp1:
0x81: {  	[sflag:s21] =	ssyncadd.s32 $0xFFFFC000;
	(pc) =	sbr.rel @!p1 .LBB2_4-.Ltmp1, $4  }
0x82: {  	[spmem:s3] =	stream.indirect.scatter.add.f32 [tilespmem:s18], [sflag:$0x3], $0x80, s6, s17, $0xb8;
	[tilespmem:$0x1C800] =	vst v63  }
0x83: {  	_ =	swait.ge [sflag:s15], $0x4000  }
0x84: {  	s10 =	sadd.s32 $0x1, s10;
	[sflag:s15] =	ssyncset.done $0x0  }
0x85: {  	s13 =	sadd.s32 $0x80, s13;
	s12 =	sadd.s32 $0x80, s12;
	[sflag:s15] =	ssyncadd.s32 $0xFFFFC000  }
0x86: {  	s10 =	stileid.u32  }
0x87: {  	[bflag:$0x0] =	sbarrier.arrive $0xFFFF;
	s10 =	sshll.u32 s10, $0x6  }
0x88: {  	s12 =	sshrl.u32 s5, $0x3;
	s13 =	rddreg [dreg:$0x4];
	s10 =	sor.u32 $0x1C03, s10  }
0x89: {  	[hbm:s13], [sflag:s10] =	dma.local [spmem:s12], $0x2800  }
0x8a: {  	_ =	swait.ge [sflag:s15], $0x2800  }
0x8b: {  	s7 =	sadd.s32 $0x1, s7;
	s13 =	rddreg [dreg:$0x5]  }
0x8c: {  	p1 =	sne.s32 s7, s13  }
.Ltmp2:
0x8d: {  	_ = 	snop;
	(pc) =	sbr.rel @p1 .LBB2_1-.Ltmp2, $3  }
0x8e: {  	_ =	sdelay $0x1  }
0x8f: {  	[sflag:s15] =	ssyncset.done $0x0  }
0x90: {  	[sflag:s15] =	ssyncadd.s32 $0xFFFFD800  }
0x91: {  	_ =	sfence.sel $0x180000  }
0x92: {  	[bflag:$0x0] =	sbarrier.arrive $0xFFFF  }
0x93: {  	_ =	strace $0x9000004D  }
0x94: {  	s0 =	stileid.u32;
	[bflag:$0x2] =	sbarrier.arrive $0xFFFF  }
0x95: {  	p0 =	sne.s32 s0, $0x0;
	s0 =	rddreg [dreg:$0x3]  }
0x96: {  	s0 =	sadd.s32 @!p0 $0x100000, s0  }
0x97: {  	[sflag:s0] =	ssyncadd.tile.s32 @!p0 $0x1;
	_ =	shalt  }
.Lfunc_end2:
_tile_overlayer_lowered:
.L_overlay_start_2:
0x98: {  	(tag) =	ssettag $0x2  }
0x99: {  	s0 =	rddreg [dreg:$0x0];
	s2 =	stileid.u32  }
0x9a: {  	s1 =	rddreg [dreg:$0x1];
	p0 =	sne.s32 s2, $0x0  }
0x9b: {  	s3 =	rddreg [dreg:$0x2];
	[bflag:$0x3] =	sbarrier.arrive $0xFFFF;
	s2 =	simm.s32 @!p0 $0x1C03  }
0x9c: {  	[timem:s3], [sflag:s2] =	dma.local @!p0 [hbm:s0], s1  }
0x9d: {  	s0 =	simm.s32 @!p0 $0x3  }
0x9e: {  	_ =	swait.ge @!p0 [sflag:s0], s1  }
0x9f: {  	s1 =	ssub.s32 @!p0 $0x0, s1;
	[sflag:s0] =	ssyncset.done @!p0 $0x0  }
0xa0: {  	[sflag:s0] =	ssyncadd.s32 @!p0 s1  }
0xa1: {  	[bflag:$0x3] =	sbarrier.arrive $0xFFFF  }
0xa2: {  	_ =	shalt  }

// kernel: kernel.8.cloned.1.call-start
scs
__scs_entry_jumppad:
0x0: {  	(pc) =	sbr.rel $0x88, $3  }
0x1: {  	(tag) =	ssettag $0x0;
	lr =	simm.s32 $0x1  }
0x2: {  	[smem:$0x3F99] =	sst lr;
	_ =	strace $0xD0000000  }
0x3: {  	_ = 	snop  }
0x4: {  	_ = 	snop  }
0x5: {  	_ = 	snop  }
0x6: {  	_ = 	snop  }
0x7: {  	_ = 	snop  }
__scs_overlays_trampoline_lowered:
0x8: {  	[smem:$0x3FA8] =	sst s0  }
0x9: {  	[smem:$0x3FA9] =	sst s1  }
0xa: {  	[smem:$0x3FAA] =	sst s2  }
0xb: {  	[smem:$0x3FAB] =	sst s3  }
0xc: {  	[smem:$0x3FAC] =	sst s4  }
0xd: {  	[smem:$0x3FAD] =	sst s5  }
0xe: {  	[smem:$0x3FAE] =	sst s6  }
0xf: {  	[smem:$0x3FAF] =	sst s7  }
0x10: {  	[smem:$0x3FB0] =	sst s8  }
0x11: {  	[smem:$0x3FB1] =	sst s9;
	s0 =	simm.s32 @!p0 $0x0  }
0x12: {  	s1 =	sld [smem:$0x3F97];
	s0 =	simm.s32 @p0 $0x1  }
0x13: {  	[smem:$0x3FB2] =	sst s0;
	s0 =	simm.s32 @!p1 $0x0  }
0x14: {  	s2 =	sld [smem:$0x3F96];
	s0 =	simm.s32 @p1 $0x1  }
0x15: {  	[smem:$0x3FB3] =	sst s0;
	s0 =	simm.s32 @!p2 $0x0  }
0x16: {  	s3 =	sld [smem:$0x3FDB];
	s0 =	simm.s32 @p2 $0x1  }
0x17: {  	s4 =	simm.s32 $0x1BF5;
	[smem:$0x3FB5] =	sst s0  }
0x18: {  	s0 =	sld [smem:$0x3F98];
	_ =	swait.ge [sflag:s4], $0x0  }
0x19: {  	s7 =	sld [smem:$0x3F99]  }
0x1a: {  	s8 =	sadd.s32 $0xFFFFE003, lr  }
0x1b: {  	s9 =	sadd.s32 $0xFFFFFEF7, lr;
	s5 =	simm.s32 $0xFFFFFFFF;
	p2 =	slt.u32 s8, $0xFFFFF086  }
0x1c: {  	p1 =	slt.u32 s9, $0xF7A;
	s5 =	simm.s32 @!p2 $0x0  }
0x1d: {  	s5 =	simm.s32 @p1 $0x1;
	p0 =	seq.s32 s7, s2  }
0x1e: {  	s7 =	smul.u32 @!p0 $0xF7A, s2;
	p2 =	seq.s32 @!p0 s5, $0x0  }
0x1f: {  	s9 =	smul.u32 $0xF7A, s1;
	s8 =	simm.s32 @!p0 $0x1BF5;
	p2 =	por !p2, p0  }
0x20: {  	[sflag:s8] =	ssyncset.s32 @!p0 $0xFFFFF086;
	s6 =	sadd.s32 @!p0 s3, s7;
	s7 =	simm.s32 @!p0 $0x108  }
0x21: {  	s3 =	sadd.s32 s3, s9;
	s6 =	sadd.s32 @!p0 $0x88, s6;
	s7 =	simm.s32 @p2 $0x1082  }
0x22: {  	[simem:s7], [sflag:s8] =	dma.local @!p0 [hbm:s6], $0xF7A  }
0x23: {  	s9 =	sor.u32 $0xD0000000, s2;
	s6 =	simm.s32 $0x108;
	_ =	swait.ge @!p0 [sflag:s8], $0x0  }
0x24: {  	s3 =	sadd.s32 $0x88, s3;
	s6 =	simm.s32 @!p1 $0x1082;
	[sflag:s4] =	ssyncset.s32 $0xFFFFF086  }
0x25: {  	[simem:s6], [sflag:s4] =	dma.local [hbm:s3], $0xF7A  }
0x26: {  	[smem:$0x3F99] =	sst s1;
	(tag) =	ssettag s2;
	_ =	strace s9  }
0x27: {  	s1 =	sld [smem:$0x3FA9]  }
0x28: {  	s2 =	sld [smem:$0x3FAA]  }
0x29: {  	s4 =	sld [smem:$0x3FAC]  }
0x2a: {  	p0 =	seq.s32 s5, $0x0;
	s5 =	sld [smem:$0x3FAD]  }
0x2b: {  	s6 =	sld [smem:$0x3FAE]  }
0x2c: {  	s7 =	sld [smem:$0x3FAF]  }
0x2d: {  	s3 =	simm.s32 $0x108;
	s8 =	sld [smem:$0x3FB0]  }
0x2e: {  	s3 =	simm.s32 @!p0 $0x1082;
	s9 =	sld [smem:$0x3FB1]  }
0x2f: {  	lr =	sadd.s32 s0, s3;
	s0 =	sld [smem:$0x3FA8]  }
0x30: {  	s3 =	sld [smem:$0x3FAB]  }
0x31: {  	[smem:$0x3FB4] =	sst s10  }
0x32: {  	s10 =	sld [smem:$0x3FB2];
	_ =	sdelay $0x3  }
0x33: {  	p0 =	seq.s32 s10, $0x1;
	s10 =	sld [smem:$0x3FB4];
	_ =	sdelay $0x3  }
0x34: {  	[smem:$0x3FB4] =	sst s10  }
0x35: {  	s10 =	sld [smem:$0x3FB3];
	_ =	sdelay $0x3  }
0x36: {  	p1 =	seq.s32 s10, $0x1;
	s10 =	sld [smem:$0x3FB4];
	_ =	sdelay $0x3  }
0x37: {  	[smem:$0x3FB4] =	sst s10  }
0x38: {  	s10 =	sld [smem:$0x3FB5]  }
0x39: {  	_ = 	snop;
	(pc) =	sbr.ind lr, $3  }
0x3a: {  	_ = 	snop  }
0x3b: {  	_ = 	snop  }
0x3c: {  	p2 =	seq.s32 s10, $0x1;
	s10 =	sld [smem:$0x3FB4]  }
0x3d: {  	_ =	shalt  }
0x3e: {  	_ =	shalt  }
0x3f: {  	_ =	shalt  }
0x40: {  	_ =	shalt  }
0x41: {  	_ =	shalt  }
0x42: {  	_ =	shalt  }
0x43: {  	_ =	shalt  }
0x44: {  	_ =	shalt  }
0x45: {  	_ =	shalt  }
0x46: {  	_ =	shalt  }
0x47: {  	_ =	shalt  }
0x48: {  	_ =	shalt  }
0x49: {  	_ =	shalt  }
0x4a: {  	_ =	shalt  }
0x4b: {  	_ =	shalt  }
0x4c: {  	_ =	shalt  }
0x4d: {  	_ =	shalt  }
0x4e: {  	_ =	shalt  }
0x4f: {  	_ =	shalt  }
0x50: {  	_ =	shalt  }
0x51: {  	_ =	shalt  }
0x52: {  	_ =	shalt  }
0x53: {  	_ =	shalt  }
0x54: {  	_ =	shalt  }
0x55: {  	_ =	shalt  }
0x56: {  	_ =	shalt  }
0x57: {  	_ =	shalt  }
0x58: {  	_ =	shalt  }
0x59: {  	_ =	shalt  }
0x5a: {  	_ =	shalt  }
0x5b: {  	_ =	shalt  }
0x5c: {  	_ =	shalt  }
0x5d: {  	_ =	shalt  }
0x5e: {  	_ =	shalt  }
0x5f: {  	_ =	shalt  }
0x60: {  	_ =	shalt  }
0x61: {  	_ =	shalt  }
0x62: {  	_ =	shalt  }
0x63: {  	_ =	shalt  }
0x64: {  	_ =	shalt  }
0x65: {  	_ =	shalt  }
0x66: {  	_ =	shalt  }
0x67: {  	_ =	shalt  }
0x68: {  	_ =	shalt  }
0x69: {  	_ =	shalt  }
0x6a: {  	_ =	shalt  }
0x6b: {  	_ =	shalt  }
0x6c: {  	_ =	shalt  }
0x6d: {  	_ =	shalt  }
0x6e: {  	_ =	shalt  }
0x6f: {  	_ =	shalt  }
0x70: {  	_ =	shalt  }
0x71: {  	_ =	shalt  }
0x72: {  	_ =	shalt  }
0x73: {  	_ =	shalt  }
0x74: {  	_ =	shalt  }
0x75: {  	_ =	shalt  }
0x76: {  	_ =	shalt  }
0x77: {  	_ =	shalt  }
0x78: {  	_ =	shalt  }
0x79: {  	_ =	shalt  }
0x7a: {  	_ =	shalt  }
0x7b: {  	_ =	shalt  }
0x7c: {  	_ =	shalt  }
0x7d: {  	_ =	shalt  }
0x7e: {  	_ =	shalt  }
0x7f: {  	_ =	shalt  }
0x80: {  	_ =	shalt  }
0x81: {  	_ =	shalt  }
0x82: {  	_ =	shalt  }
0x83: {  	_ =	shalt  }
0x84: {  	_ =	shalt  }
0x85: {  	_ =	shalt  }
0x86: {  	_ =	shalt  }
0x87: {  	_ =	shalt  }
.Lfunc_end0:
.L_simem_size_0:
called_computation_lowered:
.L_overlay_start_0:
0x88: {  	s2 =	sld [smem:$0x3FD9]  }
0x89: {  	s3 =	sld [smem:$0x3FFE];
	_ =	sdelay $0x1  }
0x8a: {  	s1 =	srdreg.scid  }
0x8b: {  	s0 =	sand.u32 $0x1, s1  }
0x8c: {  	s17 =	sshll.u32 s0, $0xA;
	s2 =	sadd.s32 s3, s2  }
0x8d: {  	s2 =	sadd.s32 s2, s17  }
0x8e: {  	[smem:$0x3FC0] =	sst s2  }
0x8f: {  	_ = 	snop  }
0x90: {  	(tm) =	ssettm $0x1  }
0x91: {  	s18 =	sld [smem:$0x3FFB];
	_ =	sdelay $0x3  }
0x92: {  	_ =	strace s18  }
0x93: {  	s2 =	sld [smem:$0x3FFC];
	_ =	sdelay $0x3  }
0x94: {  	_ =	strace s2  }
0x95: {  	s2 =	sld [smem:$0x3FFD];
	_ =	sdelay $0x3  }
0x96: {  	_ =	strace s2  }
0x97: {  	_ =	strace $0x8FFFFFFF  }
0x98: {  	s19 =	sld [smem:$0x3FDB];
	_ =	sdelay $0x1  }
0x99: {  	s20 =	simm.s32 $_scs_section_size  }
0x9a: {  	s4 =	simm.s32 $_size__tile_overlayer_lowered;
	s5 =	simm.s32 $_tile_overlayer_lowered  }
0x9b: {  	s6 =	simm.s32 $0x1BFF;
	s21 =	sshll.u32 s5, $0x1;
	s3 =	sadd.s32 s20, s19  }
0x9c: {  	s22 =	simm.s32 $0x0;
	s4 =	sshll.u32 s4, $0x1;
	s5 =	sadd.s32 s21, s3  }
0x9d: {  	[timem:s22], [sflag:s6] =	dma.local [hbm:s5], s4  }
0x9e: {  	_ =	swait.ge [sflag:s6], s4  }
0x9f: {  	s4 =	ssub.s32 $0x0, s4;
	[sflag:s6] =	ssyncset.done $0x0  }
0xa0: {  	[sflag:s6] =	ssyncadd.s32 s4;
	_ =	sdelay $0x1  }
0xa1: {  	s23 =	simm.s32 $0x1B8B  }
0xa2: {  	_ =	swait.ge [sflag:s23], $0x1  }
0xa3: {  	[sflag:s23] =	ssyncset.done $0x0  }
0xa4: {  	[sflag:s23] =	ssyncadd.s32 $0xFFFFFFFF  }
0xa5: {  	s4 =	sld [smem:$0x0]  }
0xa6: {  	s5 =	sand.u32 $0xFFFFFFFE, s1  }
0xa7: {  	p0 =	sne.s32 s1, s5  }
0xa8: {  	s5 =	sshll.u32 @p0 s5, $0xE  }
0xa9: {  	s5 =	sadd.s32 @p0 $0x11B8D, s5;
	s6 =	sshll.u32 @p0 s4, $0x11  }
0xaa: {  	s5 =	sor.u32 @p0 s6, s5  }
0xab: {  	[sflag:s5] =	ssyncadd.remote.s32 @p0 $0x1;
	_ =	sdelay $0x1  }
0xac: {  	s5 =	simm.s32 @p0 $0x1B8D  }
0xad: {  	_ =	swait.eq @p0 [sflag:s5], $0x1  }
0xae: {  	[sflag:s5] =	ssyncadd.s32 @p0 $0xFFFFFFFF  }
0xaf: {  	s6 =	sshll.u32 @!p0 s1, $0xE  }
0xb0: {  	s6 =	sor.u32 @!p0 $0x4000, s6;
	s5 =	simm.s32 @!p0 $0x1B8D  }
0xb1: {  	s4 =	sshll.u32 @!p0 s4, $0x11;
	s6 =	sadd.s32 @!p0 $0x11B8D, s6;
	_ =	swait.eq @!p0 [sflag:s5], $0x1  }
0xb2: {  	s4 =	sor.u32 @!p0 s4, s6;
	[sflag:s5] =	ssyncadd.s32 @!p0 $0xFFFFFFFF  }
0xb3: {  	s25 =	simm.s32 $0x1B8E;
	s24 =	sld [smem:$0x3FFE];
	[sflag:s4] =	ssyncadd.remote.s32 @!p0 $0x1  }
0xb4: {  	s26 =	simm.s32 $execute0_lowered;
	[smem:$0x3FD2] =	sst s25  }
0xb5: {  	s5 =	sshll.u32 s26, $0x1;
	_ =	strace $0x80000049;
	[dreg:$0x1] =	wrdreg $0xFFFFFFFF  }
0xb6: {  	s28 =	simm.s32 $_size_execute0_lowered;
	s3 =	sadd.s32 s3, s5;
	[dreg:$0x0] =	wrdreg $0x0  }
0xb7: {  	s5 =	sshll.u32 s28, $0x1;
	[dreg:$0x2] =	wrdreg s3  }
0xb8: {  	[dreg:$0x3] =	wrdreg s5  }
0xb9: {  	[dreg:$0x4] =	wrdreg $0xC0  }
0xba: {  	_ =	task [dreg:s22], $0x5FFFF  }
0xbb: {  	[dreg:$0x1] =	wrdreg $0xFFFFFFFF  }
0xbc: {  	[dreg:$0x0] =	wrdreg $0x60  }
0xbd: {  	[dreg:$0x2] =	wrdreg s24  }
0xbe: {  	[dreg:$0x3] =	wrdreg $0x50000  }
0xbf: {  	[dreg:$0x4] =	wrdreg $0x9  }
0xc0: {  	_ =	task.clear_ibuf [dreg:s22], $0x5FFFF;
	_ =	strace $0x90000049  }
0xc1: {  	s29 =	simm.s32 $0x9;
	_ =	strace $0x8000004B  }
0xc2: {  	_ =	swait.ge [sflag:s29], $0x1  }
0xc3: {  	[sflag:s29] =	ssyncadd.s32 $0xFFFFFFFF  }
0xc4: {  	_ =	strace $0x9000004B  }
0xc5: {  	_ =	sfence  }
0xc6: {  	s30 =	sld [smem:$0x0];
	_ =	sdelay $0x2  }
0xc7: {  	s31 =	sshll.u32 s1, $0xD;
	s1 =	sshrl.u32 s1, $0x2  }
0xc8: {  	s4 =	sand.u32 $0x4000, s31;
	s1 =	sadd.s32 s1, s30  }
0xc9: {  	s0 =	sor.u32 s4, s0;
	s1 =	sshll.u32 s1, $0x11  }
0xca: {  	s0 =	sor.u32 s1, s0  }
0xcb: {  	s0 =	sadd.s32 $0x8F2B, s0  }
0xcc: {  	[sflag:s0] =	ssyncadd.remote.s32 $0x1  }
0xcd: {  	_ =	sfence.sel $0xFFFF  }
0xce: {  	[dreg:$0x0] =	wrdreg $0xFFFFFFFF;
	(pc) =	sbr.abs _section_cstart, $3  }
0xcf: {  	[dreg:$0x1] =	wrdreg $0xFFFFFFFF  }
0xd0: {  	_ =	task.clear_ibuf [dreg:s22], $0x2FFFF;
	_ =	strace $0x9FFFFFFF  }
0xd1: {  	(tm) =	ssettm $0x7FFFFFFF  }
tec
execute0_lowered:
.L_overlay_start_1:
0x0: {  	(tag) =	ssettag $0x1  }
0x1: {  	s0 =	rddreg [dreg:$0x0]  }
0x2: {  	s2 =	rddreg [dreg:$0x1];
	s1 =	srdreg.scid  }
0x3: {  	s8 =	stileid.u32;
	s3 =	simm.s32 $0x0;
	s12 =	simm.s32 $0x4800  }
0x4: {  	s13 =	simm.s32 $0x1;
	s14 =	simm.s32 $0x80;
	s15 =	simm.s32 $0x800  }
0x5: {  	s16 =	simm.s32 $0x100;
	s17 =	simm.s32 $0x180;
	s18 =	simm.s32 $0x200  }
0x6: {  	s19 =	simm.s32 $0x280;
	s20 =	simm.s32 $0x300;
	s21 =	simm.s32 $0x380  }
0x7: {  	s22 =	simm.s32 $0x400;
	s23 =	simm.s32 $0x480;
	s28 =	simm.s32 $0x680  }
0x8: {  	s29 =	simm.s32 $0x700;
	s30 =	simm.s32 $0x780;
	s31 =	simm.s32 $0x0  }
0x9: {  	s1 =	sand.u32 $0x1, s1;
	s4 =	smul.u32 $0x2800, s8;
	[smem:$0x7FF] =	sst s3  }
0xa: {  	s7 =	sadd.s32 $0x1C00, s0;
	s25 =	smul.u32 $0x50000, s8;
	s6 =	sshll.u32 s1, $0x4  }
0xb: {  	s5 =	smul.u32 $0x28000, s1;
	s1 =	ssub.s32 $0x2, s1;
	s6 =	sor.u32 s8, s6  }
0xc: {  	_ =	strace $0x8000004A;
	s26 =	sshrl.u32 s1, $0x1;
	s24 =	smul.u32 $0x2800, s6  }
0xd: {  	s4 =	sadd.s32 s4, s5;
	s6 =	smul.u32 $0x500, s6;
	s1 =	ssub.s32 s1, s26  }
0xe: {  	s26 =	simm.s32 $0x600;
	s0 =	sadd.s32 s4, s0;
	s4 =	sshrl.u32 s25, $0x2  }
0xf: {  	s11 =	smax.u32 s1, $0x1;
	s25 =	simm.s32 $0x580;
	s5 =	sshrl.u32 s24, $0x3  }
0x10: {  	s4 =	sadd.s32 s4, s2;
	s10 =	sadd.s32 $0x65C00, s0;
	s9 =	sadd.s32 s7, s5  }
0x11: {  	s24 =	simm.s32 $0x500;
	s5 =	sadd.s32 s7, s6;
	s6 =	sadd.s32 $0x100, s9  }
0x12: {  	v0 =	vimm.f32 $0.0e+00;
	v1 =	vimm.f32 $1.000000000e+00;
	s7 =	sadd.s32 $0x200, s9;
	s8 =	sadd.s32 $0x300, s9;
	s9 =	sadd.s32 $0x400, s9  }
.LBB2_1:
0x13: {  	s0 =	simm.s32 $0x0;
	s1 =	simm.s32 $0x200  }
.LBB2_2:
0x14: {  	p0 =	sne.s32 s1, $0x1E00;
	[tilespmem:s0+$0x4870] =	vst v0  }
0x15: {  	[tilespmem:s0+$0x4800] =	vst v0  }
0x16: {  	[tilespmem:s0+$0x4810] =	vst v0  }
.Ltmp0:
0x17: {  	[tilespmem:s0+$0x4820] =	vst v0;
	(pc) =	sbr.rel @p0 .LBB2_2-.Ltmp0, $4  }
0x18: {  	[tilespmem:s0+$0x4830] =	vst v0  }
0x19: {  	[tilespmem:s0+$0x4840] =	vst v0  }
0x1a: {  	[tilespmem:s0+$0x4850] =	vst v0  }
0x1b: {  	[tilespmem:s0+$0x4860] =	vst v0;
	s0 =	sshra.s32 s1, $0x2;
	s1 =	sadd.s32 $0x200, s1  }
0x1c: {  	[tilespmem:s0+$0x4870] =	vst v0  }
0x1d: {  	[tilespmem:s0+$0x4800] =	vst v0  }
0x1e: {  	[tilespmem:s0+$0x4810] =	vst v0  }
0x1f: {  	[tilespmem:s0+$0x4820] =	vst v0  }
0x20: {  	[tilespmem:s0+$0x4830] =	vst v0  }
0x21: {  	[tilespmem:s0+$0x4840] =	vst v0  }
0x22: {  	[tilespmem:s0+$0x4850] =	vst v0  }
0x23: {  	[tilespmem:s0+$0x4860] =	vst v0;
	s0 =	simm.s32 $0x0;
	s1 =	simm.s32 $0x200  }
.LBB2_4:
0x24: {  	p0 =	sne.s32 s1, $0xFE00;
	[tilespmem:s0+$0x870] =	vst v1  }
0x25: {  	[tilespmem:s0+$0x800] =	vst v1  }
0x26: {  	[tilespmem:s0+$0x810] =	vst v1  }
.Ltmp1:
0x27: {  	[tilespmem:s0+$0x820] =	vst v1;
	(pc) =	sbr.rel @p0 .LBB2_4-.Ltmp1, $4  }
0x28: {  	[tilespmem:s0+$0x830] =	vst v1  }
0x29: {  	[tilespmem:s0+$0x840] =	vst v1  }
0x2a: {  	[tilespmem:s0+$0x850] =	vst v1  }
0x2b: {  	[tilespmem:s0+$0x860] =	vst v1;
	s0 =	sshra.s32 s1, $0x2;
	s1 =	sadd.s32 $0x200, s1  }
0x2c: {  	[tilespmem:s0+$0x870] =	vst v1  }
0x2d: {  	[tilespmem:s0+$0x800] =	vst v1  }
0x2e: {  	[tilespmem:s0+$0x810] =	vst v1  }
0x2f: {  	[tilespmem:s0+$0x820] =	vst v1  }
0x30: {  	[tilespmem:s0+$0x830] =	vst v1  }
0x31: {  	[tilespmem:s0+$0x840] =	vst v1  }
0x32: {  	[tilespmem:s0+$0x850] =	vst v1  }
0x33: {  	[tilespmem:s0+$0x860] =	vst v1;
	s1 =	sadd.s32 $0x0, s4  }
0x34: {  	[spmem:s1] =	stream.linear.scatter [tilespmem:s12], [sflag:$0x1], $0x800, $0x38;
	[tilespmem:$0x19000] =	vst v63  }
0x35: {  	s0 =	simm.s32 $0x2000;
	_ =	swait.ge [sflag:s13], $0x800  }
.LBB2_6:
0x36: {  	s1 =	sshra.s32 s0, $0x2;
	[sflag:s13] =	ssyncset.done $0x0;
	p0 =	sne.s32 s0, $0x4E000  }
.Ltmp2:
0x37: {  	s1 =	sadd.s32 s1, s4;
	[sflag:s13] =	ssyncadd.s32 $0xFFFFF800;
	(pc) =	sbr.rel @p0 .LBB2_6-.Ltmp2, $3  }
0x38: {  	[spmem:s1] =	stream.linear.scatter [tilespmem:s12], [sflag:$0x1], $0x800, $0x38;
	[tilespmem:$0x19000] =	vst v63  }
0x39: {  	s0 =	sadd.s32 $0x2000, s0;
	_ =	sdelay $0x1  }
0x3a: {  	_ =	swait.ge [sflag:s13], $0x800  }
0x3b: {  	[sflag:s13] =	ssyncset.done $0x0  }
0x3c: {  	[sflag:s13] =	ssyncadd.s32 $0xFFFFF800  }
0x3d: {  	[bflag:$0x0] =	sbarrier.arrive $0xFFFF  }
0x3e: {  	[tilespmem:s3], [sflag:$0x1] =	stream.linear.gather [hbm4b:s5+s3], $0x800, $0x38;
	[tilespmem:$0x19000] =	vst v63  }
0x3f: {  	_ =	swait.ge [sflag:s13], $0x800  }
0x40: {  	[sflag:s13] =	ssyncset.done $0x0  }
0x41: {  	[sflag:s13] =	ssyncadd.s32 $0xFFFFF800  }
0x42: {  	[spmem:s2] =	stream.indirect.scatter.add.f32 [tilespmem:s15], [sflag:$0x1], $0x80, s3, s14, $0xb8;
	[tilespmem:$0x19000] =	vst v63  }
0x43: {  	_ =	swait.ge [sflag:s13], $0x4000  }
0x44: {  	[sflag:s13] =	ssyncset.done $0x0  }
0x45: {  	[sflag:s13] =	ssyncadd.s32 $0xFFFFC000  }
0x46: {  	[spmem:s2] =	stream.indirect.scatter.add.f32 [tilespmem:s15], [sflag:$0x1], $0x80, s14, s14, $0xb8;
	[tilespmem:$0x19000] =	vst v63  }
0x47: {  	_ =	swait.ge [sflag:s13], $0x4000  }
0x48: {  	[sflag:s13] =	ssyncset.done $0x0  }
0x49: {  	[sflag:s13] =	ssyncadd.s32 $0xFFFFC000  }
0x4a: {  	[spmem:s2] =	stream.indirect.scatter.add.f32 [tilespmem:s15], [sflag:$0x1], $0x80, s16, s14, $0xb8;
	[tilespmem:$0x19000] =	vst v63  }
0x4b: {  	_ =	swait.ge [sflag:s13], $0x4000  }
0x4c: {  	[sflag:s13] =	ssyncset.done $0x0  }
0x4d: {  	[sflag:s13] =	ssyncadd.s32 $0xFFFFC000  }
0x4e: {  	[spmem:s2] =	stream.indirect.scatter.add.f32 [tilespmem:s15], [sflag:$0x1], $0x80, s17, s14, $0xb8;
	[tilespmem:$0x19000] =	vst v63  }
0x4f: {  	_ =	swait.ge [sflag:s13], $0x4000  }
0x50: {  	[sflag:s13] =	ssyncset.done $0x0  }
0x51: {  	[sflag:s13] =	ssyncadd.s32 $0xFFFFC000  }
0x52: {  	[spmem:s2] =	stream.indirect.scatter.add.f32 [tilespmem:s15], [sflag:$0x1], $0x80, s18, s14, $0xb8;
	[tilespmem:$0x19000] =	vst v63  }
0x53: {  	_ =	swait.ge [sflag:s13], $0x4000  }
0x54: {  	[sflag:s13] =	ssyncset.done $0x0  }
0x55: {  	[sflag:s13] =	ssyncadd.s32 $0xFFFFC000  }
0x56: {  	[spmem:s2] =	stream.indirect.scatter.add.f32 [tilespmem:s15], [sflag:$0x1], $0x80, s19, s14, $0xb8;
	[tilespmem:$0x19000] =	vst v63  }
0x57: {  	_ =	swait.ge [sflag:s13], $0x4000  }
0x58: {  	[sflag:s13] =	ssyncset.done $0x0  }
0x59: {  	[sflag:s13] =	ssyncadd.s32 $0xFFFFC000  }
0x5a: {  	[spmem:s2] =	stream.indirect.scatter.add.f32 [tilespmem:s15], [sflag:$0x1], $0x80, s20, s14, $0xb8;
	[tilespmem:$0x19000] =	vst v63  }
0x5b: {  	_ =	swait.ge [sflag:s13], $0x4000  }
0x5c: {  	[sflag:s13] =	ssyncset.done $0x0  }
0x5d: {  	[sflag:s13] =	ssyncadd.s32 $0xFFFFC000  }
0x5e: {  	[spmem:s2] =	stream.indirect.scatter.add.f32 [tilespmem:s15], [sflag:$0x1], $0x80, s21, s14, $0xb8;
	[tilespmem:$0x19000] =	vst v63  }
0x5f: {  	_ =	swait.ge [sflag:s13], $0x4000  }
0x60: {  	[sflag:s13] =	ssyncset.done $0x0  }
0x61: {  	[sflag:s13] =	ssyncadd.s32 $0xFFFFC000  }
0x62: {  	[spmem:s2] =	stream.indirect.scatter.add.f32 [tilespmem:s15], [sflag:$0x1], $0x80, s22, s14, $0xb8;
	[tilespmem:$0x19000] =	vst v63  }
0x63: {  	_ =	swait.ge [sflag:s13], $0x4000  }
0x64: {  	[sflag:s13] =	ssyncset.done $0x0  }
0x65: {  	[sflag:s13] =	ssyncadd.s32 $0xFFFFC000  }
0x66: {  	[spmem:s2] =	stream.indirect.scatter.add.f32 [tilespmem:s15], [sflag:$0x1], $0x80, s23, s14, $0xb8;
	[tilespmem:$0x19000] =	vst v63  }
0x67: {  	_ =	swait.ge [sflag:s13], $0x4000  }
0x68: {  	[sflag:s13] =	ssyncset.done $0x0  }
0x69: {  	[sflag:s13] =	ssyncadd.s32 $0xFFFFC000  }
0x6a: {  	[spmem:s2] =	stream.indirect.scatter.add.f32 [tilespmem:s15], [sflag:$0x1], $0x80, s24, s14, $0xb8;
	[tilespmem:$0x19000] =	vst v63  }
0x6b: {  	_ =	swait.ge [sflag:s13], $0x4000  }
0x6c: {  	[sflag:s13] =	ssyncset.done $0x0  }
0x6d: {  	[sflag:s13] =	ssyncadd.s32 $0xFFFFC000  }
0x6e: {  	[spmem:s2] =	stream.indirect.scatter.add.f32 [tilespmem:s15], [sflag:$0x1], $0x80, s25, s14, $0xb8;
	[tilespmem:$0x19000] =	vst v63  }
0x6f: {  	_ =	swait.ge [sflag:s13], $0x4000  }
0x70: {  	[sflag:s13] =	ssyncset.done $0x0  }
0x71: {  	[sflag:s13] =	ssyncadd.s32 $0xFFFFC000  }
0x72: {  	[spmem:s2] =	stream.indirect.scatter.add.f32 [tilespmem:s15], [sflag:$0x1], $0x80, s26, s14, $0xb8;
	[tilespmem:$0x19000] =	vst v63  }
0x73: {  	_ =	swait.ge [sflag:s13], $0x4000  }
0x74: {  	[sflag:s13] =	ssyncset.done $0x0  }
0x75: {  	[sflag:s13] =	ssyncadd.s32 $0xFFFFC000  }
0x76: {  	[spmem:s2] =	stream.indirect.scatter.add.f32 [tilespmem:s15], [sflag:$0x1], $0x80, s28, s14, $0xb8;
	[tilespmem:$0x19000] =	vst v63  }
0x77: {  	_ =	swait.ge [sflag:s13], $0x4000  }
0x78: {  	[sflag:s13] =	ssyncset.done $0x0  }
0x79: {  	[sflag:s13] =	ssyncadd.s32 $0xFFFFC000  }
0x7a: {  	[spmem:s2] =	stream.indirect.scatter.add.f32 [tilespmem:s15], [sflag:$0x1], $0x80, s29, s14, $0xb8;
	[tilespmem:$0x19000] =	vst v63  }
0x7b: {  	_ =	swait.ge [sflag:s13], $0x4000  }
0x7c: {  	[sflag:s13] =	ssyncset.done $0x0  }
0x7d: {  	[sflag:s13] =	ssyncadd.s32 $0xFFFFC000  }
0x7e: {  	[spmem:s2] =	stream.indirect.scatter.add.f32 [tilespmem:s15], [sflag:$0x1], $0x80, s30, s14, $0xb8;
	[tilespmem:$0x19000] =	vst v63  }
0x7f: {  	_ =	swait.ge [sflag:s13], $0x4000  }
0x80: {  	[sflag:s13] =	ssyncset.done $0x0  }
0x81: {  	[sflag:s13] =	ssyncadd.s32 $0xFFFFC000  }
0x82: {  	[tilespmem:s3], [sflag:$0x1] =	stream.linear.gather [hbm4b:s6+s3], $0x800, $0x38;
	[tilespmem:$0x19000] =	vst v63  }
0x83: {  	_ =	swait.ge [sflag:s13], $0x800  }
0x84: {  	[sflag:s13] =	ssyncset.done $0x0  }
0x85: {  	[sflag:s13] =	ssyncadd.s32 $0xFFFFF800  }
0x86: {  	[spmem:s2] =	stream.indirect.scatter.add.f32 [tilespmem:s15], [sflag:$0x1], $0x80, s3, s14, $0xb8;
	[tilespmem:$0x19000] =	vst v63  }
0x87: {  	_ =	swait.ge [sflag:s13], $0x4000  }
0x88: {  	[sflag:s13] =	ssyncset.done $0x0  }
0x89: {  	[sflag:s13] =	ssyncadd.s32 $0xFFFFC000  }
0x8a: {  	[spmem:s2] =	stream.indirect.scatter.add.f32 [tilespmem:s15], [sflag:$0x1], $0x80, s14, s14, $0xb8;
	[tilespmem:$0x19000] =	vst v63  }
0x8b: {  	_ =	swait.ge [sflag:s13], $0x4000  }
0x8c: {  	[sflag:s13] =	ssyncset.done $0x0  }
0x8d: {  	[sflag:s13] =	ssyncadd.s32 $0xFFFFC000  }
0x8e: {  	[spmem:s2] =	stream.indirect.scatter.add.f32 [tilespmem:s15], [sflag:$0x1], $0x80, s16, s14, $0xb8;
	[tilespmem:$0x19000] =	vst v63  }
0x8f: {  	_ =	swait.ge [sflag:s13], $0x4000  }
0x90: {  	[sflag:s13] =	ssyncset.done $0x0  }
0x91: {  	[sflag:s13] =	ssyncadd.s32 $0xFFFFC000  }
0x92: {  	[spmem:s2] =	stream.indirect.scatter.add.f32 [tilespmem:s15], [sflag:$0x1], $0x80, s17, s14, $0xb8;
	[tilespmem:$0x19000] =	vst v63  }
0x93: {  	_ =	swait.ge [sflag:s13], $0x4000  }
0x94: {  	[sflag:s13] =	ssyncset.done $0x0  }
0x95: {  	[sflag:s13] =	ssyncadd.s32 $0xFFFFC000  }
0x96: {  	[spmem:s2] =	stream.indirect.scatter.add.f32 [tilespmem:s15], [sflag:$0x1], $0x80, s18, s14, $0xb8;
	[tilespmem:$0x19000] =	vst v63  }
0x97: {  	_ =	swait.ge [sflag:s13], $0x4000  }
0x98: {  	[sflag:s13] =	ssyncset.done $0x0  }
0x99: {  	[sflag:s13] =	ssyncadd.s32 $0xFFFFC000  }
0x9a: {  	[spmem:s2] =	stream.indirect.scatter.add.f32 [tilespmem:s15], [sflag:$0x1], $0x80, s19, s14, $0xb8;
	[tilespmem:$0x19000] =	vst v63  }
0x9b: {  	_ =	swait.ge [sflag:s13], $0x4000  }
0x9c: {  	[sflag:s13] =	ssyncset.done $0x0  }
0x9d: {  	[sflag:s13] =	ssyncadd.s32 $0xFFFFC000  }
0x9e: {  	[spmem:s2] =	stream.indirect.scatter.add.f32 [tilespmem:s15], [sflag:$0x1], $0x80, s20, s14, $0xb8;
	[tilespmem:$0x19000] =	vst v63  }
0x9f: {  	_ =	swait.ge [sflag:s13], $0x4000  }
0xa0: {  	[sflag:s13] =	ssyncset.done $0x0  }
0xa1: {  	[sflag:s13] =	ssyncadd.s32 $0xFFFFC000  }
0xa2: {  	[spmem:s2] =	stream.indirect.scatter.add.f32 [tilespmem:s15], [sflag:$0x1], $0x80, s21, s14, $0xb8;
	[tilespmem:$0x19000] =	vst v63  }
0xa3: {  	_ =	swait.ge [sflag:s13], $0x4000  }
0xa4: {  	[sflag:s13] =	ssyncset.done $0x0  }
0xa5: {  	[sflag:s13] =	ssyncadd.s32 $0xFFFFC000  }
0xa6: {  	[spmem:s2] =	stream.indirect.scatter.add.f32 [tilespmem:s15], [sflag:$0x1], $0x80, s22, s14, $0xb8;
	[tilespmem:$0x19000] =	vst v63  }
0xa7: {  	_ =	swait.ge [sflag:s13], $0x4000  }
0xa8: {  	[sflag:s13] =	ssyncset.done $0x0  }
0xa9: {  	[sflag:s13] =	ssyncadd.s32 $0xFFFFC000  }
0xaa: {  	[spmem:s2] =	stream.indirect.scatter.add.f32 [tilespmem:s15], [sflag:$0x1], $0x80, s23, s14, $0xb8;
	[tilespmem:$0x19000] =	vst v63  }
0xab: {  	_ =	swait.ge [sflag:s13], $0x4000  }
0xac: {  	[sflag:s13] =	ssyncset.done $0x0  }
0xad: {  	[sflag:s13] =	ssyncadd.s32 $0xFFFFC000  }
0xae: {  	[spmem:s2] =	stream.indirect.scatter.add.f32 [tilespmem:s15], [sflag:$0x1], $0x80, s24, s14, $0xb8;
	[tilespmem:$0x19000] =	vst v63  }
0xaf: {  	_ =	swait.ge [sflag:s13], $0x4000  }
0xb0: {  	[sflag:s13] =	ssyncset.done $0x0  }
0xb1: {  	[sflag:s13] =	ssyncadd.s32 $0xFFFFC000  }
0xb2: {  	[spmem:s2] =	stream.indirect.scatter.add.f32 [tilespmem:s15], [sflag:$0x1], $0x80, s25, s14, $0xb8;
	[tilespmem:$0x19000] =	vst v63  }
0xb3: {  	_ =	swait.ge [sflag:s13], $0x4000  }
0xb4: {  	[sflag:s13] =	ssyncset.done $0x0  }
0xb5: {  	[sflag:s13] =	ssyncadd.s32 $0xFFFFC000  }
0xb6: {  	[spmem:s2] =	stream.indirect.scatter.add.f32 [tilespmem:s15], [sflag:$0x1], $0x80, s26, s14, $0xb8;
	[tilespmem:$0x19000] =	vst v63  }
0xb7: {  	_ =	swait.ge [sflag:s13], $0x4000  }
0xb8: {  	[sflag:s13] =	ssyncset.done $0x0  }
0xb9: {  	[sflag:s13] =	ssyncadd.s32 $0xFFFFC000  }
0xba: {  	[spmem:s2] =	stream.indirect.scatter.add.f32 [tilespmem:s15], [sflag:$0x1], $0x80, s28, s14, $0xb8;
	[tilespmem:$0x19000] =	vst v63  }
0xbb: {  	_ =	swait.ge [sflag:s13], $0x4000  }
0xbc: {  	[sflag:s13] =	ssyncset.done $0x0  }
0xbd: {  	[sflag:s13] =	ssyncadd.s32 $0xFFFFC000  }
0xbe: {  	[spmem:s2] =	stream.indirect.scatter.add.f32 [tilespmem:s15], [sflag:$0x1], $0x80, s29, s14, $0xb8;
	[tilespmem:$0x19000] =	vst v63  }
0xbf: {  	_ =	swait.ge [sflag:s13], $0x4000  }
0xc0: {  	[sflag:s13] =	ssyncset.done $0x0  }
0xc1: {  	[sflag:s13] =	ssyncadd.s32 $0xFFFFC000  }
0xc2: {  	[spmem:s2] =	stream.indirect.scatter.add.f32 [tilespmem:s15], [sflag:$0x1], $0x80, s30, s14, $0xb8;
	[tilespmem:$0x19000] =	vst v63  }
0xc3: {  	_ =	swait.ge [sflag:s13], $0x4000  }
0xc4: {  	[sflag:s13] =	ssyncset.done $0x0  }
0xc5: {  	[sflag:s13] =	ssyncadd.s32 $0xFFFFC000  }
0xc6: {  	[tilespmem:s3], [sflag:$0x1] =	stream.linear.gather [hbm4b:s7+s3], $0x800, $0x38;
	[tilespmem:$0x19000] =	vst v63  }
0xc7: {  	_ =	swait.ge [sflag:s13], $0x800  }
0xc8: {  	[sflag:s13] =	ssyncset.done $0x0  }
0xc9: {  	[sflag:s13] =	ssyncadd.s32 $0xFFFFF800  }
0xca: {  	[spmem:s2] =	stream.indirect.scatter.add.f32 [tilespmem:s15], [sflag:$0x1], $0x80, s3, s14, $0xb8;
	[tilespmem:$0x19000] =	vst v63  }
0xcb: {  	_ =	swait.ge [sflag:s13], $0x4000  }
0xcc: {  	[sflag:s13] =	ssyncset.done $0x0  }
0xcd: {  	[sflag:s13] =	ssyncadd.s32 $0xFFFFC000  }
0xce: {  	[spmem:s2] =	stream.indirect.scatter.add.f32 [tilespmem:s15], [sflag:$0x1], $0x80, s14, s14, $0xb8;
	[tilespmem:$0x19000] =	vst v63  }
0xcf: {  	_ =	swait.ge [sflag:s13], $0x4000  }
0xd0: {  	[sflag:s13] =	ssyncset.done $0x0  }
0xd1: {  	[sflag:s13] =	ssyncadd.s32 $0xFFFFC000  }
0xd2: {  	[spmem:s2] =	stream.indirect.scatter.add.f32 [tilespmem:s15], [sflag:$0x1], $0x80, s16, s14, $0xb8;
	[tilespmem:$0x19000] =	vst v63  }
0xd3: {  	_ =	swait.ge [sflag:s13], $0x4000  }
0xd4: {  	[sflag:s13] =	ssyncset.done $0x0  }
0xd5: {  	[sflag:s13] =	ssyncadd.s32 $0xFFFFC000  }
0xd6: {  	[spmem:s2] =	stream.indirect.scatter.add.f32 [tilespmem:s15], [sflag:$0x1], $0x80, s17, s14, $0xb8;
	[tilespmem:$0x19000] =	vst v63  }
0xd7: {  	_ =	swait.ge [sflag:s13], $0x4000  }
0xd8: {  	[sflag:s13] =	ssyncset.done $0x0  }
0xd9: {  	[sflag:s13] =	ssyncadd.s32 $0xFFFFC000  }
0xda: {  	[spmem:s2] =	stream.indirect.scatter.add.f32 [tilespmem:s15], [sflag:$0x1], $0x80, s18, s14, $0xb8;
	[tilespmem:$0x19000] =	vst v63  }
0xdb: {  	_ =	swait.ge [sflag:s13], $0x4000  }
0xdc: {  	[sflag:s13] =	ssyncset.done $0x0  }
0xdd: {  	[sflag:s13] =	ssyncadd.s32 $0xFFFFC000  }
0xde: {  	[spmem:s2] =	stream.indirect.scatter.add.f32 [tilespmem:s15], [sflag:$0x1], $0x80, s19, s14, $0xb8;
	[tilespmem:$0x19000] =	vst v63  }
0xdf: {  	_ =	swait.ge [sflag:s13], $0x4000  }
0xe0: {  	[sflag:s13] =	ssyncset.done $0x0  }
0xe1: {  	[sflag:s13] =	ssyncadd.s32 $0xFFFFC000  }
0xe2: {  	[spmem:s2] =	stream.indirect.scatter.add.f32 [tilespmem:s15], [sflag:$0x1], $0x80, s20, s14, $0xb8;
	[tilespmem:$0x19000] =	vst v63  }
0xe3: {  	_ =	swait.ge [sflag:s13], $0x4000  }
0xe4: {  	[sflag:s13] =	ssyncset.done $0x0  }
0xe5: {  	[sflag:s13] =	ssyncadd.s32 $0xFFFFC000  }
0xe6: {  	[spmem:s2] =	stream.indirect.scatter.add.f32 [tilespmem:s15], [sflag:$0x1], $0x80, s21, s14, $0xb8;
	[tilespmem:$0x19000] =	vst v63  }
0xe7: {  	_ =	swait.ge [sflag:s13], $0x4000  }
0xe8: {  	[sflag:s13] =	ssyncset.done $0x0  }
0xe9: {  	[sflag:s13] =	ssyncadd.s32 $0xFFFFC000  }
0xea: {  	[spmem:s2] =	stream.indirect.scatter.add.f32 [tilespmem:s15], [sflag:$0x1], $0x80, s22, s14, $0xb8;
	[tilespmem:$0x19000] =	vst v63  }
0xeb: {  	_ =	swait.ge [sflag:s13], $0x4000  }
0xec: {  	[sflag:s13] =	ssyncset.done $0x0  }
0xed: {  	[sflag:s13] =	ssyncadd.s32 $0xFFFFC000  }
0xee: {  	[spmem:s2] =	stream.indirect.scatter.add.f32 [tilespmem:s15], [sflag:$0x1], $0x80, s23, s14, $0xb8;
	[tilespmem:$0x19000] =	vst v63  }
0xef: {  	_ =	swait.ge [sflag:s13], $0x4000  }
0xf0: {  	[sflag:s13] =	ssyncset.done $0x0  }
0xf1: {  	[sflag:s13] =	ssyncadd.s32 $0xFFFFC000  }
0xf2: {  	[spmem:s2] =	stream.indirect.scatter.add.f32 [tilespmem:s15], [sflag:$0x1], $0x80, s24, s14, $0xb8;
	[tilespmem:$0x19000] =	vst v63  }
0xf3: {  	_ =	swait.ge [sflag:s13], $0x4000  }
0xf4: {  	[sflag:s13] =	ssyncset.done $0x0  }
0xf5: {  	[sflag:s13] =	ssyncadd.s32 $0xFFFFC000  }
0xf6: {  	[spmem:s2] =	stream.indirect.scatter.add.f32 [tilespmem:s15], [sflag:$0x1], $0x80, s25, s14, $0xb8;
	[tilespmem:$0x19000] =	vst v63  }
0xf7: {  	_ =	swait.ge [sflag:s13], $0x4000  }
0xf8: {  	[sflag:s13] =	ssyncset.done $0x0  }
0xf9: {  	[sflag:s13] =	ssyncadd.s32 $0xFFFFC000  }
0xfa: {  	[spmem:s2] =	stream.indirect.scatter.add.f32 [tilespmem:s15], [sflag:$0x1], $0x80, s26, s14, $0xb8;
	[tilespmem:$0x19000] =	vst v63  }
0xfb: {  	_ =	swait.ge [sflag:s13], $0x4000  }
0xfc: {  	[sflag:s13] =	ssyncset.done $0x0  }
0xfd: {  	[sflag:s13] =	ssyncadd.s32 $0xFFFFC000  }
0xfe: {  	[spmem:s2] =	stream.indirect.scatter.add.f32 [tilespmem:s15], [sflag:$0x1], $0x80, s28, s14, $0xb8;
	[tilespmem:$0x19000] =	vst v63  }
0xff: {  	_ =	swait.ge [sflag:s13], $0x4000  }
0x100: {  	[sflag:s13] =	ssyncset.done $0x0  }
0x101: {  	[sflag:s13] =	ssyncadd.s32 $0xFFFFC000  }
0x102: {  	[spmem:s2] =	stream.indirect.scatter.add.f32 [tilespmem:s15], [sflag:$0x1], $0x80, s29, s14, $0xb8;
	[tilespmem:$0x19000] =	vst v63  }
0x103: {  	_ =	swait.ge [sflag:s13], $0x4000  }
0x104: {  	[sflag:s13] =	ssyncset.done $0x0  }
0x105: {  	[sflag:s13] =	ssyncadd.s32 $0xFFFFC000  }
0x106: {  	[spmem:s2] =	stream.indirect.scatter.add.f32 [tilespmem:s15], [sflag:$0x1], $0x80, s30, s14, $0xb8;
	[tilespmem:$0x19000] =	vst v63  }
0x107: {  	_ =	swait.ge [sflag:s13], $0x4000  }
0x108: {  	[sflag:s13] =	ssyncset.done $0x0  }
0x109: {  	[sflag:s13] =	ssyncadd.s32 $0xFFFFC000  }
0x10a: {  	[tilespmem:s3], [sflag:$0x1] =	stream.linear.gather [hbm4b:s8+s3], $0x800, $0x38;
	[tilespmem:$0x19000] =	vst v63  }
0x10b: {  	_ =	swait.ge [sflag:s13], $0x800  }
0x10c: {  	[sflag:s13] =	ssyncset.done $0x0  }
0x10d: {  	[sflag:s13] =	ssyncadd.s32 $0xFFFFF800  }
0x10e: {  	[spmem:s2] =	stream.indirect.scatter.add.f32 [tilespmem:s15], [sflag:$0x1], $0x80, s3, s14, $0xb8;
	[tilespmem:$0x19000] =	vst v63  }
0x10f: {  	_ =	swait.ge [sflag:s13], $0x4000  }
0x110: {  	[sflag:s13] =	ssyncset.done $0x0  }
0x111: {  	[sflag:s13] =	ssyncadd.s32 $0xFFFFC000  }
0x112: {  	[spmem:s2] =	stream.indirect.scatter.add.f32 [tilespmem:s15], [sflag:$0x1], $0x80, s14, s14, $0xb8;
	[tilespmem:$0x19000] =	vst v63  }
0x113: {  	_ =	swait.ge [sflag:s13], $0x4000  }
0x114: {  	[sflag:s13] =	ssyncset.done $0x0  }
0x115: {  	[sflag:s13] =	ssyncadd.s32 $0xFFFFC000  }
0x116: {  	[spmem:s2] =	stream.indirect.scatter.add.f32 [tilespmem:s15], [sflag:$0x1], $0x80, s16, s14, $0xb8;
	[tilespmem:$0x19000] =	vst v63  }
0x117: {  	_ =	swait.ge [sflag:s13], $0x4000  }
0x118: {  	[sflag:s13] =	ssyncset.done $0x0  }
0x119: {  	[sflag:s13] =	ssyncadd.s32 $0xFFFFC000  }
0x11a: {  	[spmem:s2] =	stream.indirect.scatter.add.f32 [tilespmem:s15], [sflag:$0x1], $0x80, s17, s14, $0xb8;
	[tilespmem:$0x19000] =	vst v63  }
0x11b: {  	_ =	swait.ge [sflag:s13], $0x4000  }
0x11c: {  	[sflag:s13] =	ssyncset.done $0x0  }
0x11d: {  	[sflag:s13] =	ssyncadd.s32 $0xFFFFC000  }
0x11e: {  	[spmem:s2] =	stream.indirect.scatter.add.f32 [tilespmem:s15], [sflag:$0x1], $0x80, s18, s14, $0xb8;
	[tilespmem:$0x19000] =	vst v63  }
0x11f: {  	_ =	swait.ge [sflag:s13], $0x4000  }
0x120: {  	[sflag:s13] =	ssyncset.done $0x0  }
0x121: {  	[sflag:s13] =	ssyncadd.s32 $0xFFFFC000  }
0x122: {  	[spmem:s2] =	stream.indirect.scatter.add.f32 [tilespmem:s15], [sflag:$0x1], $0x80, s19, s14, $0xb8;
	[tilespmem:$0x19000] =	vst v63  }
0x123: {  	_ =	swait.ge [sflag:s13], $0x4000  }
0x124: {  	[sflag:s13] =	ssyncset.done $0x0  }
0x125: {  	[sflag:s13] =	ssyncadd.s32 $0xFFFFC000  }
0x126: {  	[spmem:s2] =	stream.indirect.scatter.add.f32 [tilespmem:s15], [sflag:$0x1], $0x80, s20, s14, $0xb8;
	[tilespmem:$0x19000] =	vst v63  }
0x127: {  	_ =	swait.ge [sflag:s13], $0x4000  }
0x128: {  	[sflag:s13] =	ssyncset.done $0x0  }
0x129: {  	[sflag:s13] =	ssyncadd.s32 $0xFFFFC000  }
0x12a: {  	[spmem:s2] =	stream.indirect.scatter.add.f32 [tilespmem:s15], [sflag:$0x1], $0x80, s21, s14, $0xb8;
	[tilespmem:$0x19000] =	vst v63  }
0x12b: {  	_ =	swait.ge [sflag:s13], $0x4000  }
0x12c: {  	[sflag:s13] =	ssyncset.done $0x0  }
0x12d: {  	[sflag:s13] =	ssyncadd.s32 $0xFFFFC000  }
0x12e: {  	[spmem:s2] =	stream.indirect.scatter.add.f32 [tilespmem:s15], [sflag:$0x1], $0x80, s22, s14, $0xb8;
	[tilespmem:$0x19000] =	vst v63  }
0x12f: {  	_ =	swait.ge [sflag:s13], $0x4000  }
0x130: {  	[sflag:s13] =	ssyncset.done $0x0  }
0x131: {  	[sflag:s13] =	ssyncadd.s32 $0xFFFFC000  }
0x132: {  	[spmem:s2] =	stream.indirect.scatter.add.f32 [tilespmem:s15], [sflag:$0x1], $0x80, s23, s14, $0xb8;
	[tilespmem:$0x19000] =	vst v63  }
0x133: {  	_ =	swait.ge [sflag:s13], $0x4000  }
0x134: {  	[sflag:s13] =	ssyncset.done $0x0  }
0x135: {  	[sflag:s13] =	ssyncadd.s32 $0xFFFFC000  }
0x136: {  	[spmem:s2] =	stream.indirect.scatter.add.f32 [tilespmem:s15], [sflag:$0x1], $0x80, s24, s14, $0xb8;
	[tilespmem:$0x19000] =	vst v63  }
0x137: {  	_ =	swait.ge [sflag:s13], $0x4000  }
0x138: {  	[sflag:s13] =	ssyncset.done $0x0  }
0x139: {  	[sflag:s13] =	ssyncadd.s32 $0xFFFFC000  }
0x13a: {  	[spmem:s2] =	stream.indirect.scatter.add.f32 [tilespmem:s15], [sflag:$0x1], $0x80, s25, s14, $0xb8;
	[tilespmem:$0x19000] =	vst v63  }
0x13b: {  	_ =	swait.ge [sflag:s13], $0x4000  }
0x13c: {  	[sflag:s13] =	ssyncset.done $0x0  }
0x13d: {  	[sflag:s13] =	ssyncadd.s32 $0xFFFFC000  }
0x13e: {  	[spmem:s2] =	stream.indirect.scatter.add.f32 [tilespmem:s15], [sflag:$0x1], $0x80, s26, s14, $0xb8;
	[tilespmem:$0x19000] =	vst v63  }
0x13f: {  	_ =	swait.ge [sflag:s13], $0x4000  }
0x140: {  	[sflag:s13] =	ssyncset.done $0x0  }
0x141: {  	[sflag:s13] =	ssyncadd.s32 $0xFFFFC000  }
0x142: {  	[spmem:s2] =	stream.indirect.scatter.add.f32 [tilespmem:s15], [sflag:$0x1], $0x80, s28, s14, $0xb8;
	[tilespmem:$0x19000] =	vst v63  }
0x143: {  	_ =	swait.ge [sflag:s13], $0x4000  }
0x144: {  	[sflag:s13] =	ssyncset.done $0x0  }
0x145: {  	[sflag:s13] =	ssyncadd.s32 $0xFFFFC000  }
0x146: {  	[spmem:s2] =	stream.indirect.scatter.add.f32 [tilespmem:s15], [sflag:$0x1], $0x80, s29, s14, $0xb8;
	[tilespmem:$0x19000] =	vst v63  }
0x147: {  	_ =	swait.ge [sflag:s13], $0x4000  }
0x148: {  	[sflag:s13] =	ssyncset.done $0x0  }
0x149: {  	[sflag:s13] =	ssyncadd.s32 $0xFFFFC000  }
0x14a: {  	[spmem:s2] =	stream.indirect.scatter.add.f32 [tilespmem:s15], [sflag:$0x1], $0x80, s30, s14, $0xb8;
	[tilespmem:$0x19000] =	vst v63  }
0x14b: {  	_ =	swait.ge [sflag:s13], $0x4000  }
0x14c: {  	[sflag:s13] =	ssyncset.done $0x0  }
0x14d: {  	[sflag:s13] =	ssyncadd.s32 $0xFFFFC000  }
0x14e: {  	[tilespmem:s3], [sflag:$0x1] =	stream.linear.gather [hbm4b:s9+s3], $0x800, $0x38;
	[tilespmem:$0x19000] =	vst v63  }
0x14f: {  	_ =	swait.ge [sflag:s13], $0x800  }
0x150: {  	[sflag:s13] =	ssyncset.done $0x0  }
0x151: {  	[sflag:s13] =	ssyncadd.s32 $0xFFFFF800  }
0x152: {  	[spmem:s2] =	stream.indirect.scatter.add.f32 [tilespmem:s15], [sflag:$0x1], $0x80, s3, s14, $0xb8;
	[tilespmem:$0x19000] =	vst v63  }
0x153: {  	_ =	swait.ge [sflag:s13], $0x4000  }
0x154: {  	[sflag:s13] =	ssyncset.done $0x0  }
0x155: {  	[sflag:s13] =	ssyncadd.s32 $0xFFFFC000  }
0x156: {  	[spmem:s2] =	stream.indirect.scatter.add.f32 [tilespmem:s15], [sflag:$0x1], $0x80, s14, s14, $0xb8;
	[tilespmem:$0x19000] =	vst v63  }
0x157: {  	_ =	swait.ge [sflag:s13], $0x4000  }
0x158: {  	[sflag:s13] =	ssyncset.done $0x0  }
0x159: {  	[sflag:s13] =	ssyncadd.s32 $0xFFFFC000  }
0x15a: {  	[spmem:s2] =	stream.indirect.scatter.add.f32 [tilespmem:s15], [sflag:$0x1], $0x80, s16, s14, $0xb8;
	[tilespmem:$0x19000] =	vst v63  }
0x15b: {  	_ =	swait.ge [sflag:s13], $0x4000  }
0x15c: {  	[sflag:s13] =	ssyncset.done $0x0  }
0x15d: {  	[sflag:s13] =	ssyncadd.s32 $0xFFFFC000  }
0x15e: {  	[spmem:s2] =	stream.indirect.scatter.add.f32 [tilespmem:s15], [sflag:$0x1], $0x80, s17, s14, $0xb8;
	[tilespmem:$0x19000] =	vst v63  }
0x15f: {  	_ =	swait.ge [sflag:s13], $0x4000  }
0x160: {  	[sflag:s13] =	ssyncset.done $0x0  }
0x161: {  	[sflag:s13] =	ssyncadd.s32 $0xFFFFC000  }
0x162: {  	[spmem:s2] =	stream.indirect.scatter.add.f32 [tilespmem:s15], [sflag:$0x1], $0x80, s18, s14, $0xb8;
	[tilespmem:$0x19000] =	vst v63  }
0x163: {  	_ =	swait.ge [sflag:s13], $0x4000  }
0x164: {  	[sflag:s13] =	ssyncset.done $0x0  }
0x165: {  	[sflag:s13] =	ssyncadd.s32 $0xFFFFC000  }
0x166: {  	[spmem:s2] =	stream.indirect.scatter.add.f32 [tilespmem:s15], [sflag:$0x1], $0x80, s19, s14, $0xb8;
	[tilespmem:$0x19000] =	vst v63  }
0x167: {  	_ =	swait.ge [sflag:s13], $0x4000  }
0x168: {  	[sflag:s13] =	ssyncset.done $0x0  }
0x169: {  	[sflag:s13] =	ssyncadd.s32 $0xFFFFC000  }
0x16a: {  	[spmem:s2] =	stream.indirect.scatter.add.f32 [tilespmem:s15], [sflag:$0x1], $0x80, s20, s14, $0xb8;
	[tilespmem:$0x19000] =	vst v63  }
0x16b: {  	_ =	swait.ge [sflag:s13], $0x4000  }
0x16c: {  	[sflag:s13] =	ssyncset.done $0x0  }
0x16d: {  	[sflag:s13] =	ssyncadd.s32 $0xFFFFC000  }
0x16e: {  	[spmem:s2] =	stream.indirect.scatter.add.f32 [tilespmem:s15], [sflag:$0x1], $0x80, s21, s14, $0xb8;
	[tilespmem:$0x19000] =	vst v63  }
0x16f: {  	_ =	swait.ge [sflag:s13], $0x4000  }
0x170: {  	[sflag:s13] =	ssyncset.done $0x0  }
0x171: {  	[sflag:s13] =	ssyncadd.s32 $0xFFFFC000  }
0x172: {  	[spmem:s2] =	stream.indirect.scatter.add.f32 [tilespmem:s15], [sflag:$0x1], $0x80, s22, s14, $0xb8;
	[tilespmem:$0x19000] =	vst v63  }
0x173: {  	_ =	swait.ge [sflag:s13], $0x4000  }
0x174: {  	[sflag:s13] =	ssyncset.done $0x0  }
0x175: {  	[sflag:s13] =	ssyncadd.s32 $0xFFFFC000  }
0x176: {  	[spmem:s2] =	stream.indirect.scatter.add.f32 [tilespmem:s15], [sflag:$0x1], $0x80, s23, s14, $0xb8;
	[tilespmem:$0x19000] =	vst v63  }
0x177: {  	_ =	swait.ge [sflag:s13], $0x4000  }
0x178: {  	[sflag:s13] =	ssyncset.done $0x0  }
0x179: {  	[sflag:s13] =	ssyncadd.s32 $0xFFFFC000  }
0x17a: {  	[spmem:s2] =	stream.indirect.scatter.add.f32 [tilespmem:s15], [sflag:$0x1], $0x80, s24, s14, $0xb8;
	[tilespmem:$0x19000] =	vst v63  }
0x17b: {  	_ =	swait.ge [sflag:s13], $0x4000  }
0x17c: {  	[sflag:s13] =	ssyncset.done $0x0  }
0x17d: {  	[sflag:s13] =	ssyncadd.s32 $0xFFFFC000  }
0x17e: {  	[spmem:s2] =	stream.indirect.scatter.add.f32 [tilespmem:s15], [sflag:$0x1], $0x80, s25, s14, $0xb8;
	[tilespmem:$0x19000] =	vst v63  }
0x17f: {  	_ =	swait.ge [sflag:s13], $0x4000  }
0x180: {  	[sflag:s13] =	ssyncset.done $0x0  }
0x181: {  	[sflag:s13] =	ssyncadd.s32 $0xFFFFC000  }
0x182: {  	[spmem:s2] =	stream.indirect.scatter.add.f32 [tilespmem:s15], [sflag:$0x1], $0x80, s26, s14, $0xb8;
	[tilespmem:$0x19000] =	vst v63  }
0x183: {  	_ =	swait.ge [sflag:s13], $0x4000  }
0x184: {  	[sflag:s13] =	ssyncset.done $0x0  }
0x185: {  	[sflag:s13] =	ssyncadd.s32 $0xFFFFC000  }
0x186: {  	[spmem:s2] =	stream.indirect.scatter.add.f32 [tilespmem:s15], [sflag:$0x1], $0x80, s28, s14, $0xb8;
	[tilespmem:$0x19000] =	vst v63  }
0x187: {  	_ =	swait.ge [sflag:s13], $0x4000  }
0x188: {  	[sflag:s13] =	ssyncset.done $0x0  }
0x189: {  	[sflag:s13] =	ssyncadd.s32 $0xFFFFC000  }
0x18a: {  	[spmem:s2] =	stream.indirect.scatter.add.f32 [tilespmem:s15], [sflag:$0x1], $0x80, s29, s14, $0xb8;
	[tilespmem:$0x19000] =	vst v63  }
0x18b: {  	_ =	swait.ge [sflag:s13], $0x4000  }
0x18c: {  	[sflag:s13] =	ssyncset.done $0x0  }
0x18d: {  	[sflag:s13] =	ssyncadd.s32 $0xFFFFC000  }
0x18e: {  	[spmem:s2] =	stream.indirect.scatter.add.f32 [tilespmem:s15], [sflag:$0x1], $0x80, s30, s14, $0xb8;
	[tilespmem:$0x19000] =	vst v63  }
0x18f: {  	s0 =	stileid.u32;
	_ =	swait.ge [sflag:s13], $0x4000  }
0x190: {  	s1 =	sshrl.u32 s4, $0x3;
	s31 =	sadd.s32 $0x1, s31;
	[sflag:s13] =	ssyncset.done $0x0  }
0x191: {  	s0 =	sshll.u32 s0, $0x6;
	p0 =	sne.s32 s31, s11;
	[sflag:s13] =	ssyncadd.s32 $0xFFFFC000  }
.Ltmp3:
0x192: {  	s0 =	sor.u32 $0x1C01, s0;
	[bflag:$0x0] =	sbarrier.arrive $0xFFFF;
	(pc) =	sbr.rel @p0 .LBB2_1-.Ltmp3, $4  }
0x193: {  	[hbm:s10], [sflag:s0] =	dma.local [spmem:s1], $0x2800  }
0x194: {  	_ =	swait.ge [sflag:s13], $0x2800  }
0x195: {  	[sflag:s13] =	ssyncset.done $0x0  }
0x196: {  	[sflag:s13] =	ssyncadd.s32 $0xFFFFD800  }
0x197: {  	_ =	sfence.sel $0x180000  }
0x198: {  	[bflag:$0x0] =	sbarrier.arrive $0xFFFF  }
0x199: {  	_ =	strace $0x9000004A  }
0x19a: {  	s0 =	stileid.u32;
	[bflag:$0x2] =	sbarrier.arrive $0xFFFF  }
0x19b: {  	p0 =	sne.s32 s0, $0x0;
	s0 =	rddreg [dreg:$0x2]  }
0x19c: {  	s0 =	sadd.s32 @!p0 $0x100000, s0  }
0x19d: {  	[sflag:s0] =	ssyncadd.tile.s32 @!p0 $0x1;
	_ =	shalt  }
.Lfunc_end2:
_tile_overlayer_lowered:
.L_overlay_start_2:
0x19e: {  	(tag) =	ssettag $0x2  }
0x19f: {  	s0 =	rddreg [dreg:$0x0];
	s2 =	stileid.u32  }
0x1a0: {  	s1 =	rddreg [dreg:$0x1];
	p0 =	sne.s32 s2, $0x0  }
0x1a1: {  	s3 =	rddreg [dreg:$0x2];
	[bflag:$0x3] =	sbarrier.arrive $0xFFFF;
	s2 =	simm.s32 @!p0 $0x1C01  }
0x1a2: {  	[timem:s3], [sflag:s2] =	dma.local @!p0 [hbm:s0], s1  }
0x1a3: {  	s0 =	simm.s32 @!p0 $0x1  }
0x1a4: {  	_ =	swait.ge @!p0 [sflag:s0], s1  }
0x1a5: {  	s1 =	ssub.s32 @!p0 $0x0, s1;
	[sflag:s0] =	ssyncset.done @!p0 $0x0  }
0x1a6: {  	[sflag:s0] =	ssyncadd.s32 @!p0 s1  }
0x1a7: {  	[bflag:$0x3] =	sbarrier.arrive $0xFFFF  }
0x1a8: {  	_ =	shalt  }

</sc_bundles>
